<compile_context>
chip_gen: v7x
topology: tpu7x:2x2x1
jax: 0.10.2.dev20260603
libtpu: 0.0.44.dev20260713+nightly
codegen_flags: <defaults>
</compile_context>

<pallas_src>
import functools

import jax
import jax.numpy as jnp
from jax import lax
from jax.experimental import pallas as pl
from jax.experimental.pallas import tpu as pltpu
from jax.experimental.pallas import tpu_sc as plsc

N = 10000
E = 320000
NG = 16
EPS = 1e-5
EB = 2560
NB = E // EB
CH = 80
EW = E // 32
NEG = -3.0e38
NP = 10240
RPT = NP // 16


@functools.cache
def _mesh():
    return plsc.VectorSubcoreMesh(core_axis_name="c", subcore_axis_name="s")


def _dot(a, b):
    return jnp.dot(a, b, preferred_element_type=jnp.float32)


def _dot_hp(a, b, dims):
    return lax.dot_general(a, b, (dims, ((), ())),
                           precision=lax.Precision.HIGHEST,
                           preferred_element_type=jnp.float32)


def _lrelu(x):
    return jnp.where(x > 0, x, 0.2 * x)


def _bn_apply(z, mu, var, gamma, beta):
    return (z - mu) / jnp.sqrt(var + EPS) * gamma + beta


def _mv(z):
    return (jnp.mean(z, axis=0, keepdims=True),
            jnp.var(z, axis=0, keepdims=True))


def _r1(a):
    return a.reshape(1, -1)



def _bnmm_body(x_ref, mu_ref, var_ref, g_ref, b_ref, w_ref, o_ref, act):
    z = _bn_apply(x_ref[...], mu_ref[...], var_ref[...], g_ref[...], b_ref[...])
    if act == 'lrelu':
        z = _lrelu(z)
    elif act == 'tanh':
        z = jnp.tanh(z)
    o_ref[...] = _dot(z, w_ref[...])


def _bnmm(x, stats, g, b, w, act='none'):
    mu, var = stats
    body = functools.partial(_bnmm_body, act=act)
    return pl.pallas_call(
        body,
        out_shape=jax.ShapeDtypeStruct((x.shape[0], w.shape[1]), jnp.float32),
    )(x, mu, var, _r1(g), _r1(b), w)


def _ep_body(x_ref, p_refs, o_refs, act, nconv):
    x = x_ref[...]
    for c in range(nconv):
        mu, var, g, b, w = p_refs[5 * c:5 * c + 5]
        z = _bn_apply(x, mu[...], var[...], g[...], b[...])
        if act == 'lrelu':
            z = _lrelu(z)
        elif act == 'tanh':
            z = jnp.tanh(z)
        o_refs[c][...] = _dot(z, w[...])


def _edge_pass(x, params3, act, dout):
    din = x.shape[1]
    nconv = len(params3)

    def body(*refs):
        x_ref = refs[0]
        p_refs = refs[1:1 + 5 * nconv]
        o_refs = refs[1 + 5 * nconv:]
        _ep_body(x_ref, p_refs, o_refs, act, nconv)

    sm = lambda shape: pl.BlockSpec(shape, lambda i: (0, 0))
    in_specs = [pl.BlockSpec((EB, din), lambda i: (i, 0))]
    args = [x]
    for (mu, var, g, b, w) in params3:
        in_specs += [sm((1, din)), sm((1, din)), sm((1, din)), sm((1, din)),
                     sm(w.shape)]
        args += [mu, var, _r1(g), _r1(b), w]
    return pl.pallas_call(
        body,
        grid=(NB,),
        in_specs=in_specs,
        out_specs=[pl.BlockSpec((EB, dout), lambda i: (i, 0))] * nconv,
        out_shape=[jax.ShapeDtypeStruct((E, dout), jnp.float32)] * nconv,
    )(*args)


def _pass1_body(z2_ref, gu_ref, gv_ref, mu_ref, var_ref, g_ref, b_ref,
                w1_ref, a1_ref, d):
    eb = jnp.tanh(_bn_apply(z2_ref[...], mu_ref[...], var_ref[...],
                            g_ref[...], b_ref[...]))
    cat = jnp.concatenate([eb, gu_ref[...][:, :d], gv_ref[...][:, :d]], axis=1)
    a1_ref[...] = _dot(cat, w1_ref[...])


def _pass1(z2, gu, gv, stats, g, b, w1, d):
    mu, var = stats
    sm = lambda shape: pl.BlockSpec(shape, lambda i: (0, 0))
    return pl.pallas_call(
        functools.partial(_pass1_body, d=d),
        grid=(NB,),
        in_specs=[pl.BlockSpec((EB, 16), lambda i: (i, 0)),
                  pl.BlockSpec((EB, 128), lambda i: (i, 0)),
                  pl.BlockSpec((EB, 128), lambda i: (i, 0)),
                  sm((1, 16)), sm((1, 16)), sm((1, 16)), sm((1, 16)),
                  sm(w1.shape)],
        out_specs=pl.BlockSpec((EB, 128), lambda i: (i, 0)),
        out_shape=jax.ShapeDtypeStruct((E, 128), jnp.float32),
    )(z2, gu, gv, mu, var, _r1(g), _r1(b), w1)


def _mid_body(a_ref, mu_ref, var_ref, g_ref, b_ref, w_ref, o_ref, pad_ones):
    h = _lrelu(_bn_apply(a_ref[...], mu_ref[...], var_ref[...],
                         g_ref[...], b_ref[...]))
    o = _dot(h, w_ref[...])
    if pad_ones:
        o = jnp.concatenate(
            [o, jnp.ones((o.shape[0], 1), jnp.float32),
             jnp.zeros((o.shape[0], 127 - o.shape[1]), jnp.float32)], axis=1)
    o_ref[...] = o


def _mid_pass(a, stats, g, b, w, pad_ones=False):
    mu, var = stats
    din, dout = w.shape
    ow = 128 if pad_ones else dout
    sm = lambda shape: pl.BlockSpec(shape, lambda i: (0, 0))
    return pl.pallas_call(
        functools.partial(_mid_body, pad_ones=pad_ones),
        grid=(NB,),
        in_specs=[pl.BlockSpec((EB, din), lambda i: (i, 0)),
                  sm((1, din)), sm((1, din)), sm((1, din)), sm((1, din)),
                  sm((din, dout))],
        out_specs=pl.BlockSpec((EB, ow), lambda i: (i, 0)),
        out_shape=jax.ShapeDtypeStruct((E, ow), jnp.float32),
    )(a, stats[0], stats[1], _r1(g), _r1(b), w)


def _p35_body(a_ref, mu_ref, var_ref, g_ref, b_ref, o_ref):
    o_ref[...] = _bn_apply(a_ref[...], mu_ref[...], var_ref[...],
                           g_ref[...], b_ref[...]).T


def _affine_transpose(a3, stats, g, b):
    sm = lambda shape: pl.BlockSpec(shape, lambda i: (0, 0))
    return pl.pallas_call(
        _p35_body,
        grid=(NB,),
        in_specs=[pl.BlockSpec((EB, 64), lambda i: (i, 0)),
                  sm((1, 64)), sm((1, 64)), sm((1, 64)), sm((1, 64))],
        out_specs=pl.BlockSpec((64, EB), lambda i: (0, i)),
        out_shape=jax.ShapeDtypeStruct((64, E), jnp.float32),
    )(a3, stats[0], stats[1], _r1(g), _r1(b))


def _agg_mean_body(sp_ref, mu_ref, var_ref, g_ref, b_ref, w_ref,
                   z_ref, cnt_ref):
    tot = sp_ref[0] + sp_ref[1]
    cnt = tot[:N, 64:65]
    cnt_ref[...] = cnt
    ssum = tot[:N, :64]
    mean = ssum / jnp.maximum(cnt, 1.0)
    agg = jnp.where(cnt > 0,
                    _bn_apply(mean, mu_ref[...], var_ref[...],
                              g_ref[...], b_ref[...]), 0.0)
    z_ref[...] = _dot(agg, w_ref[...])


def _agg_mean(sumpart, stats, g, b, w):
    return pl.pallas_call(
        _agg_mean_body,
        out_shape=[jax.ShapeDtypeStruct((N, w.shape[1]), jnp.float32),
                   jax.ShapeDtypeStruct((N, 1), jnp.float32)],
    )(sumpart, stats[0], stats[1], _r1(g), _r1(b), w)


def _agg_max_body(mx_ref, cnt_ref, w_ref, z_ref):
    agg = jnp.where(cnt_ref[...] > 0, mx_ref[...].T, 0.0)
    z_ref[...] = _dot(agg, w_ref[...])


def _agg_max(maxT, cnt, w):
    return pl.pallas_call(
        _agg_max_body,
        out_shape=jax.ShapeDtypeStruct((N, w.shape[1]), jnp.float32),
    )(maxT, cnt, w)


def _bn_only_body(z_ref, mu_ref, var_ref, g_ref, b_ref, o_ref, act):
    o = _bn_apply(z_ref[...], mu_ref[...], var_ref[...],
                  g_ref[...], b_ref[...])
    if act == 'tanh':
        o = jnp.tanh(o)
    o_ref[...] = o


def _bn_only(z, stats, g, b, act='none'):
    return pl.pallas_call(
        functools.partial(_bn_only_body, act=act),
        out_shape=jax.ShapeDtypeStruct(z.shape, jnp.float32),
    )(z, stats[0], stats[1], _r1(g), _r1(b))


def _gate1_body(x1_ref, x2_ref, x3_ref, w_ref, o_ref):
    h = jnp.concatenate([x1_ref[...], x2_ref[...], x3_ref[...]], axis=1)
    o_ref[...] = _dot(h, w_ref[...])


def _gate1(x1, x2, x3, w):
    return pl.pallas_call(
        _gate1_body,
        out_shape=jax.ShapeDtypeStruct((N, w.shape[1]), jnp.float32),
    )(x1, x2, x3, w)


def _pool_body(x1_ref, x2_ref, x3_ref, z_ref, mu_ref, var_ref, g_ref, b_ref,
               b2_ref, mw_ref, o_ref):
    h = jnp.concatenate([x1_ref[...], x2_ref[...], x3_ref[...]], axis=1)
    gate = _bn_apply(z_ref[...], mu_ref[...], var_ref[...],
                     g_ref[...], b_ref[...])
    batch = b2_ref[...]
    gid = lax.broadcasted_iota(jnp.int32, (1, NG), 1)
    onehot = (batch == gid).astype(jnp.float32)
    masked = jnp.where(onehot > 0, gate, NEG)
    gmax = jnp.max(masked, axis=0, keepdims=True)
    gmax = jnp.where(gmax > -1e38, gmax, 0.0)
    ge = jnp.exp(gate - _dot_hp(onehot, gmax.T, ((1,), (0,))))
    denom = _dot_hp(onehot, ge, ((0,), (0,)))
    alpha = ge / jnp.maximum(_dot_hp(onehot, denom, ((1,), (0,))), 1e-16)
    pooled = _dot_hp(onehot, alpha * h, ((0,), (0,)))
    o_ref[...] = _dot(pooled, mw_ref[...])


def _pool(x1, x2, x3, zg, stats, g, b, batch, mw):
    return pl.pallas_call(
        _pool_body,
        out_shape=jax.ShapeDtypeStruct((NG, mw.shape[1]), jnp.float32),
    )(x1, x2, x3, zg, stats[0], stats[1], _r1(g), _r1(b),
      batch.reshape(N, 1).astype(jnp.int32), mw)



def _gather_kernel_body(u_hbm, v_hbm, src_hbm, dst_hbm, gu_hbm, gv_hbm,
                        idxs_v, idxd_v, rows_v, rowd_v, sem, sem2):
    wid = lax.axis_index("s") * 2 + lax.axis_index("c")
    base = wid * EW

    def body(i, carry):
        off = pl.multiple_of(base + i * CH, 8)
        pltpu.sync_copy(src_hbm.at[pl.ds(off, CH)], idxs_v)
        pltpu.sync_copy(dst_hbm.at[pl.ds(off, CH)], idxd_v)
        cu = pltpu.async_copy(u_hbm.at[idxs_v], rows_v, sem)
        cv = pltpu.async_copy(v_hbm.at[idxd_v], rowd_v, sem2)
        cu.wait()
        pltpu.sync_copy(rows_v, gu_hbm.at[pl.ds(off, CH)])
        cv.wait()
        pltpu.sync_copy(rowd_v, gv_hbm.at[pl.ds(off, CH)])
        return carry

    lax.fori_loop(0, EW // CH, body, 0)


@functools.cache
def _get_sc_gather(d):
    return functools.partial(
        pl.kernel, mesh=_mesh(),
        out_type=[jax.ShapeDtypeStruct((E, d), jnp.float32),
                  jax.ShapeDtypeStruct((E, d), jnp.float32)],
        scratch_types=[pltpu.VMEM((CH,), jnp.int32),
                       pltpu.VMEM((CH,), jnp.int32),
                       pltpu.VMEM((CH, d), jnp.float32),
                       pltpu.VMEM((CH, d), jnp.float32),
                       pltpu.SemaphoreType.DMA,
                       pltpu.SemaphoreType.DMA],
    )(_gather_kernel_body)


def _scatter_add_body(a3_hbm, dst_hbm, z_hbm, sum_hbm, idx_v, rows_v, acc_sp):
    c = lax.axis_index("c")
    s = lax.axis_index("s")
    wid = s * 2 + c
    base = wid * EW
    pltpu.sync_copy(z_hbm, acc_sp.at[pl.ds(s * RPT, RPT)])
    plsc.subcore_barrier()

    def loop(i, carry):
        off = pl.multiple_of(base + i * CH, 8)
        pltpu.sync_copy(dst_hbm.at[pl.ds(off, CH)], idx_v)
        pltpu.sync_copy(a3_hbm.at[pl.ds(off, CH)], rows_v)
        pltpu.sync_copy(rows_v, acc_sp.at[idx_v], add=True)
        return carry

    lax.fori_loop(0, EW // CH, loop, 0)
    plsc.subcore_barrier()
    pltpu.sync_copy(acc_sp.at[pl.ds(s * RPT, RPT)],
                    sum_hbm.at[c, pl.ds(s * RPT, RPT)])


@functools.cache
def _get_sc_scatter_add():
    return functools.partial(
        pl.kernel, mesh=_mesh(),
        out_type=jax.ShapeDtypeStruct((2, NP, 128), jnp.float32),
        scratch_types=[pltpu.VMEM((CH,), jnp.int32),
                       pltpu.VMEM((CH, 128), jnp.float32),
                       pltpu.VMEM_SHARED((NP, 128), jnp.float32)],
    )(_scatter_add_body)


def _rmw_max(acc, keys, vals):
    cur = plsc.load_gather(acc, [keys])
    plsc.store_scatter(acc, [keys], jnp.maximum(cur, vals))
    chk = plsc.load_gather(acc, [keys])
    pend = chk < vals

    def cond(p):
        return jnp.any(p)

    def body(p):
        c2 = plsc.load_gather(acc, [keys])
        plsc.store_scatter(acc, [keys], jnp.maximum(c2, vals), mask=p)
        c3 = plsc.load_gather(acc, [keys])
        return c3 < vals

    lax.while_loop(cond, body, pend)


_MC = 2000


def _scatter_max_body(m_hbm, dst_hbm, neg_hbm, out_hbm,
                      idx_v, v0_v, v1_v, acc0, acc1):
    wid = lax.axis_index("s") * 2 + lax.axis_index("c")
    f0 = wid * 2
    pltpu.sync_copy(neg_hbm, acc0)
    pltpu.sync_copy(neg_hbm, acc1)

    def outer(i, carry):
        off = pl.multiple_of(i * _MC, 8)
        pltpu.sync_copy(dst_hbm.at[pl.ds(off, _MC)], idx_v)
        pltpu.sync_copy(m_hbm.at[pl.ds(pl.multiple_of(f0 * E, 8) + off, _MC)], v0_v)
        pltpu.sync_copy(m_hbm.at[pl.ds(pl.multiple_of((f0 + 1) * E, 8) + off, _MC)], v1_v)

        def inner(j, c2):
            keys = idx_v[pl.ds(j * 16, 16)]
            _rmw_max(acc0, keys, v0_v[pl.ds(j * 16, 16)])
            _rmw_max(acc1, keys, v1_v[pl.ds(j * 16, 16)])
            return c2

        lax.fori_loop(0, _MC // 16, inner, 0)
        return carry

    lax.fori_loop(0, E // _MC, outer, 0)
    pltpu.sync_copy(acc0, out_hbm.at[pl.ds(pl.multiple_of(f0 * N, 8), N)])
    pltpu.sync_copy(acc1, out_hbm.at[pl.ds(pl.multiple_of((f0 + 1) * N, 8), N)])


@functools.cache
def _get_sc_scatter_max():
    return functools.partial(
        pl.kernel, mesh=_mesh(),
        compiler_params=pltpu.CompilerParams(needs_layout_passes=False),
        out_type=jax.ShapeDtypeStruct((64 * N,), jnp.float32),
        scratch_types=[pltpu.VMEM((_MC,), jnp.int32),
                       pltpu.VMEM((_MC,), jnp.float32),
                       pltpu.VMEM((_MC,), jnp.float32),
                       pltpu.VMEM((N,), jnp.float32),
                       pltpu.VMEM((N,), jnp.float32)],
    )(_scatter_max_body)



def _xb_chain(x_in, p):
    nx = p['net_x']
    z1 = _bnmm(x_in, _mv(x_in), p['bn_x']['gamma'], p['bn_x']['beta'],
               nx[0]['W'])
    z2 = _bnmm(z1, _mv(z1), nx[0]['gamma'], nx[0]['beta'], nx[1]['W'],
               act='lrelu')
    return _bn_only(z2, _mv(z2), nx[1]['gamma'], nx[1]['beta'], act='tanh')


def _fmlp_chain(z1, f):
    z2 = _bnmm(z1, _mv(z1), f[0]['gamma'], f[0]['beta'], f[1]['W'],
               act='lrelu')
    z3 = _bnmm(z2, _mv(z2), f[1]['gamma'], f[1]['beta'], f[2]['W'],
               act='lrelu')
    return _bn_only(z3, _mv(z3), f[2]['gamma'], f[2]['beta'])


def kernel(x, edge_attr, params, edge_index, batch):
    src = edge_index[0].astype(jnp.int32)
    dst = edge_index[1].astype(jnp.int32)
    convs = [params['conv1'], params['conv2'], params['conv3']]

    e_stats = _mv(edge_attr)
    z1s = _edge_pass(edge_attr,
                     [(e_stats[0], e_stats[1], p['bn_e']['gamma'],
                       p['bn_e']['beta'], p['net_e'][0]['W']) for p in convs],
                     act='none', dout=32)
    z1_stats = [_mv(z) for z in z1s]
    z2s = []
    for c in range(3):
        p = convs[c]
        z2s.append(_mid_pass(z1s[c], z1_stats[c], p['net_e'][0]['gamma'],
                             p['net_e'][0]['beta'], p['net_e'][1]['W']))
    z2_stats = [_mv(z) for z in z2s]

    zrows = jnp.zeros((RPT, 128), jnp.float32)
    negfill = jnp.full((N,), NEG, jnp.float32)

    xs = []
    cnt = None
    cntpart = None
    x_in = x
    for ci in range(3):
        p = convs[ci]
        xb = _xb_chain(x_in, p)
        d = xb.shape[1]
        xbg = xb if d == 128 else jnp.pad(xb, ((0, 0), (0, 128 - d)))
        gu, gv = _get_sc_gather(128)(xbg, xbg, src, dst)
        a1 = _pass1(z2s[ci], gu, gv, z2_stats[ci], p['net_e'][1]['gamma'],
                    p['net_e'][1]['beta'], p['g'][0]['W'], d)
        a2 = _mid_pass(a1, _mv(a1), p['g'][0]['gamma'], p['g'][0]['beta'],
                       p['g'][1]['W'])
        g3, b3 = p['g'][2]['gamma'], p['g'][2]['beta']
        if ci == 1:
            a3 = _mid_pass(a2, _mv(a2), p['g'][1]['gamma'], p['g'][1]['beta'],
                           p['g'][2]['W'])
            st3 = _mv(a3)
            m3T = _affine_transpose(a3, st3, g3, b3)
            maxT = _get_sc_scatter_max()(m3T.reshape(-1), dst, negfill)
            zf1 = _agg_max(maxT.reshape(64, N), cnt, p['f'][0]['W'])
        else:
            a3p = _mid_pass(a2, _mv(a2), p['g'][1]['gamma'], p['g'][1]['beta'],
                            p['g'][2]['W'], pad_ones=True)
            st3 = _mv(a3p[:, :64])
            res = _get_sc_scatter_add()(a3p, dst, zrows)
            sumpart = res[0] if isinstance(res, (list, tuple)) else res
            zf1, cnt_new = _agg_mean(sumpart, st3, g3, b3, p['f'][0]['W'])
            if cnt is None:
                cnt = cnt_new
        xs.append(_fmlp_chain(zf1, p['f']))
        if ci == 0:
            x_in = xs[0]
        elif ci == 1:
            x_in = jnp.concatenate([xs[0], xs[1]], axis=1)

    x1, x2, x3 = xs
    gn = params['gate_nn']
    zg1 = _gate1(x1, x2, x3, gn[0]['W'])
    zg2 = _bnmm(zg1, _mv(zg1), gn[0]['gamma'], gn[0]['beta'], gn[1]['W'],
                act='lrelu')
    zg3 = _bnmm(zg2, _mv(zg2), gn[1]['gamma'], gn[1]['beta'], gn[2]['W'],
                act='lrelu')
    mlp = params['mlp']
    zm = _pool(x1, x2, x3, zg3, _mv(zg3), gn[2]['gamma'], gn[2]['beta'],
               batch, mlp[0]['W'])
    return _bn_only(zm, _mv(zm), mlp[0]['gamma'], mlp[0]['beta'])

# --- scband reference (transcript-rebuilt; emitter-appended) ---
"""Pipeline reference for scband-trajs-encoder-74526272520513 (READ-ONLY COPY).

The authoritative reference and input builder live on the scoring server;
editing this copy changes nothing except your own understanding.
"""

import jax, jax.numpy as jnp
import numpy as np

N_NODES = 10000
N_EDGES = 320000
X_DIM = 128
E_DIM = 16
N_C = 64
LATENT = 8
N_GRAPHS = 16


def _bn(x, gamma, beta, eps=1e-5):
    mu = jnp.mean(x, axis=0, keepdims=True)
    var = jnp.var(x, axis=0, keepdims=True)
    return (x - mu) / jnp.sqrt(var + eps) * gamma + beta


def _mlp(layers, x, last='identity'):
    n = len(layers)
    for i, L in enumerate(layers):
        x = x @ L['W'] + L['b']
        x = _bn(x, L['gamma'], L['beta'])
        if i < n - 1:
            x = jax.nn.leaky_relu(x, 0.2)
        elif last == 'tanh':
            x = jnp.tanh(x)
    return x


def _init_mlp(key, channels):
    ks = jax.random.split(key, len(channels) - 1)
    layers = []
    for i in range(1, len(channels)):
        W = jax.random.normal(ks[i - 1], (channels[i - 1], channels[i]), dtype=jnp.float32) / np.sqrt(channels[i - 1])
        layers.append({'W': W,
                       'b': jnp.zeros((channels[i],), jnp.float32),
                       'gamma': jnp.ones((channels[i],), jnp.float32),
                       'beta': jnp.zeros((channels[i],), jnp.float32)})
    return layers


def _init_conv(key, x_dim, e_dim, out):
    ks = jax.random.split(key, 4)
    return {'bn_x': {'gamma': jnp.ones((x_dim,), jnp.float32), 'beta': jnp.zeros((x_dim,), jnp.float32)},
            'net_x': _init_mlp(ks[0], [x_dim, 2 * x_dim, x_dim]),
            'bn_e': {'gamma': jnp.ones((e_dim,), jnp.float32), 'beta': jnp.zeros((e_dim,), jnp.float32)},
            'net_e': _init_mlp(ks[1], [e_dim, 2 * e_dim, e_dim]),
            'g': _init_mlp(ks[2], [e_dim + 2 * x_dim, 128, 64, out]),
            'f': _init_mlp(ks[3], [out, 128, 64, out])}


def _jumps_conv(p, x, edge_index, edge_attr, aggr):
    n = x.shape[0]
    xb = _bn(x, p['bn_x']['gamma'], p['bn_x']['beta'])
    xb = _mlp(p['net_x'], xb, last='tanh')
    eb = _bn(edge_attr, p['bn_e']['gamma'], p['bn_e']['beta'])
    eb = _mlp(p['net_e'], eb, last='tanh')
    src = edge_index[0]
    dst = edge_index[1]
    msg = _mlp(p['g'], jnp.concatenate([eb, xb[src], xb[dst]], axis=1), last='identity')
    if aggr == 'mean':
        s = jax.ops.segment_sum(msg, dst, num_segments=n)
        cnt = jax.ops.segment_sum(jnp.ones((msg.shape[0], 1), jnp.float32), dst, num_segments=n)
        agg = s / jnp.maximum(cnt, 1.0)
    else:
        agg = jax.ops.segment_max(msg, dst, num_segments=n)
        agg = jnp.where(jnp.isfinite(agg), agg, 0.0)
    return _mlp(p['f'], agg, last='identity')


def _encoder(x, edge_attr, params, edge_index, batch):
    x1 = _jumps_conv(params['conv1'], x, edge_index, edge_attr, 'mean')
    x2 = _jumps_conv(params['conv2'], x1, edge_index, edge_attr, 'max')
    xc = jnp.concatenate([x1, x2], axis=1)
    x3 = _jumps_conv(params['conv3'], xc, edge_index, edge_attr, 'mean')
    h = jnp.concatenate([xc, x3], axis=1)
    gate = _mlp(params['gate_nn'], h, last='identity')
    gmax = jax.ops.segment_max(gate, batch, num_segments=N_GRAPHS)
    gmax = jnp.where(jnp.isfinite(gmax), gmax, 0.0)
    ge = jnp.exp(gate - gmax[batch])
    denom = jax.ops.segment_sum(ge, batch, num_segments=N_GRAPHS)
    alpha = ge / jnp.maximum(denom[batch], 1e-16)
    pooled = jax.ops.segment_sum(alpha * h, batch, num_segments=N_GRAPHS)
    return _mlp(params['mlp'], pooled, last='identity')


def setup_inputs(seed: int = 0):
    key = jax.random.key(seed)
    ks = jax.random.split(key, 9)
    x = jax.random.normal(ks[0], (N_NODES, X_DIM), dtype=jnp.float32)
    edge_index = jax.random.randint(ks[1], (2, N_EDGES), 0, N_NODES)
    edge_attr = jax.random.normal(ks[2], (N_EDGES, E_DIM), dtype=jnp.float32)
    batch = jnp.sort(jax.random.randint(ks[3], (N_NODES,), 0, N_GRAPHS))
    params = {'conv1': _init_conv(ks[4], X_DIM, E_DIM, N_C),
              'conv2': _init_conv(ks[5], N_C, E_DIM, N_C),
              'conv3': _init_conv(ks[6], 2 * N_C, E_DIM, N_C),
              'gate_nn': _init_mlp(ks[7], [3 * N_C, N_C, N_C // 2, 1]),
              'mlp': _init_mlp(ks[8], [3 * N_C, LATENT])}
    return {'x': x, 'edge_attr': edge_attr, 'params': params, 'edge_index': edge_index, 'batch': batch}


def reference(x, edge_attr, params, edge_index, batch):
    return _encoder(x, edge_attr, params, edge_index, batch)

if __name__ == "__main__":
    import jax
    _d = setup_inputs()
    print(jax.jit(kernel)(*tuple(_d.values())))

</pallas_src>

<mosaic_0001>
#map = affine_map<(d0, d1) -> (0, 0)>
#map1 = affine_map<(d0, d1) -> (0)>
module attributes {stable_mosaic.version = 14 : i64} {
  func.func @_gather_kernel_body(%arg0: i32, %arg1: i32, %arg2: memref<10000x128xf32, #tpu.memory_space<hbm>>, %arg3: memref<10000x128xf32, #tpu.memory_space<hbm>>, %arg4: memref<320000xi32, #tpu.memory_space<hbm>>, %arg5: memref<320000xi32, #tpu.memory_space<hbm>>, %arg6: memref<320000x128xf32, #tpu.memory_space<hbm>>, %arg7: memref<320000x128xf32, #tpu.memory_space<hbm>>, %arg8: memref<80xi32, #tpu.memory_space<vmem>>, %arg9: memref<80xi32, #tpu.memory_space<vmem>>, %arg10: memref<80x128xf32, #tpu.memory_space<vmem>>, %arg11: memref<80x128xf32, #tpu.memory_space<vmem>>, %arg12: memref<!tpu.dma_semaphore, #tpu.memory_space<semaphore_mem>>, %arg13: memref<!tpu.dma_semaphore, #tpu.memory_space<semaphore_mem>>) attributes {dimension_semantics = [#tpu.dimension_semantics<core_parallel>, #tpu.dimension_semantics<subcore_parallel>], iteration_bounds = array<i64: 2, 16>, scalar_prefetch = 0 : i64, scratch_operands = 6 : i64, tpu.core_type = #tpu.core_type<sc_vector_subcore>, window_params = [{transform_indices = #map}, {transform_indices = #map}, {transform_indices = #map1}, {transform_indices = #map1}, {transform_indices = #map}, {transform_indices = #map}]} {
    %mul3A = arith.constant 2 : i32
    %mul3A_0 = arith.muli %arg1, %mul3A : i32
    %add3A = arith.addi %mul3A_0, %arg0 : i32
    %mul3A_1 = arith.constant 10000 : i32
    %mul3A_2 = arith.muli %add3A, %mul3A_1 : i32
    %scan3A = arith.constant 0 : i32
    %scan3A_3 = arith.constant 0 : i32
    %scan3A_4 = arith.constant 125 : i32
    %scan3A_5 = arith.addi %scan3A_3, %scan3A_4 : i32
    %scan3A_6 = arith.constant 1 : i32
    scf.for %scan3A_8 = %scan3A_3 to %scan3A_5 step %scan3A_6  : i32 {
      %mul3A_9 = arith.constant 80 : i32
      %mul3A_10 = arith.muli %scan3A_8, %mul3A_9 : i32
      %add3A_11 = arith.addi %mul3A_2, %mul3A_10 : i32
      %multiple_of3A = tpu.assume_multiple %add3A_11, 8 : i32
      "tpu.region"() ({
        %run_scoped3A = tpu.sem_alloc : memref<!tpu.dma_semaphore, #tpu.memory_space<semaphore_mem>>
        %dma_start3A_22 = tpu.memref_slice %arg4[%multiple_of3A] : memref<320000xi32, #tpu.memory_space<hbm>> -> memref<80xi32, #tpu.memory_space<hbm>>
        %dma_start3A_23 = tpu.memref_slice %arg4[%multiple_of3A] : memref<320000xi32, #tpu.memory_space<hbm>> -> memref<80xi32, #tpu.memory_space<hbm>>
        tpu.enqueue_dma source(%dma_start3A_23 : memref<80xi32, #tpu.memory_space<hbm>>) target(%arg8 : memref<80xi32, #tpu.memory_space<vmem>>) target_semaphore(%run_scoped3A : memref<!tpu.dma_semaphore, #tpu.memory_space<semaphore_mem>>)
        %dma_wait3A_24 = tpu.memref_slice %arg4[%multiple_of3A] : memref<320000xi32, #tpu.memory_space<hbm>> -> memref<80xi32, #tpu.memory_space<hbm>>
        %dma_wait3A_25 = tpu.memref_slice %arg4[%multiple_of3A] : memref<320000xi32, #tpu.memory_space<hbm>> -> memref<80xi32, #tpu.memory_space<hbm>>
        tpu.wait_dma2 semaphore(%run_scoped3A : memref<!tpu.dma_semaphore, #tpu.memory_space<semaphore_mem>>) src(%dma_wait3A_25 : memref<80xi32, #tpu.memory_space<hbm>>) dst(%arg8 : memref<80xi32, #tpu.memory_space<vmem>>)
        tpu.yield
      }) : () -> ()
      "tpu.region"() ({
        %run_scoped3A = tpu.sem_alloc : memref<!tpu.dma_semaphore, #tpu.memory_space<semaphore_mem>>
        %dma_start3A_22 = tpu.memref_slice %arg5[%multiple_of3A] : memref<320000xi32, #tpu.memory_space<hbm>> -> memref<80xi32, #tpu.memory_space<hbm>>
        %dma_start3A_23 = tpu.memref_slice %arg5[%multiple_of3A] : memref<320000xi32, #tpu.memory_space<hbm>> -> memref<80xi32, #tpu.memory_space<hbm>>
        tpu.enqueue_dma source(%dma_start3A_23 : memref<80xi32, #tpu.memory_space<hbm>>) target(%arg9 : memref<80xi32, #tpu.memory_space<vmem>>) target_semaphore(%run_scoped3A : memref<!tpu.dma_semaphore, #tpu.memory_space<semaphore_mem>>)
        %dma_wait3A_24 = tpu.memref_slice %arg5[%multiple_of3A] : memref<320000xi32, #tpu.memory_space<hbm>> -> memref<80xi32, #tpu.memory_space<hbm>>
        %dma_wait3A_25 = tpu.memref_slice %arg5[%multiple_of3A] : memref<320000xi32, #tpu.memory_space<hbm>> -> memref<80xi32, #tpu.memory_space<hbm>>
        tpu.wait_dma2 semaphore(%run_scoped3A : memref<!tpu.dma_semaphore, #tpu.memory_space<semaphore_mem>>) src(%dma_wait3A_25 : memref<80xi32, #tpu.memory_space<hbm>>) dst(%arg9 : memref<80xi32, #tpu.memory_space<vmem>>)
        tpu.yield
      }) : () -> ()
      %dma_start3A = arith.constant 0 : i32
      %dma_start3A_12 = arith.constant 0 : i32
      %dma_start3A_13 = tpu.memref_slice %arg2[%dma_start3A, %dma_start3A_12] : memref<10000x128xf32, #tpu.memory_space<hbm>> -> memref<10000x128xf32, #tpu.memory_space<hbm>>
      tpu.enqueue_indirect_dma source(%dma_start3A_13 : memref<10000x128xf32, #tpu.memory_space<hbm>>) target(%arg10 : memref<80x128xf32, #tpu.memory_space<vmem>>) offsets(%arg8 : memref<80xi32, #tpu.memory_space<vmem>>) semaphore(%arg12 : memref<!tpu.dma_semaphore, #tpu.memory_space<semaphore_mem>>)
      %dma_start3A_14 = arith.constant 0 : i32
      %dma_start3A_15 = arith.constant 0 : i32
      %dma_start3A_16 = tpu.memref_slice %arg3[%dma_start3A_14, %dma_start3A_15] : memref<10000x128xf32, #tpu.memory_space<hbm>> -> memref<10000x128xf32, #tpu.memory_space<hbm>>
      tpu.enqueue_indirect_dma source(%dma_start3A_16 : memref<10000x128xf32, #tpu.memory_space<hbm>>) target(%arg11 : memref<80x128xf32, #tpu.memory_space<vmem>>) offsets(%arg9 : memref<80xi32, #tpu.memory_space<vmem>>) semaphore(%arg13 : memref<!tpu.dma_semaphore, #tpu.memory_space<semaphore_mem>>)
      %dma_wait3A = arith.constant 0 : i32
      %dma_wait3A_17 = arith.constant 0 : i32
      %dma_wait3A_18 = tpu.memref_slice %arg2[%dma_wait3A, %dma_wait3A_17] : memref<10000x128xf32, #tpu.memory_space<hbm>> -> memref<10000x128xf32, #tpu.memory_space<hbm>>
      tpu.wait_indirect_dma semaphore(%arg12 : memref<!tpu.dma_semaphore, #tpu.memory_space<semaphore_mem>>) src(%dma_wait3A_18 : memref<10000x128xf32, #tpu.memory_space<hbm>>) dst(%arg10 : memref<80x128xf32, #tpu.memory_space<vmem>>)
      "tpu.region"() ({
        %run_scoped3A = tpu.sem_alloc : memref<!tpu.dma_semaphore, #tpu.memory_space<semaphore_mem>>
        %dma_start3A_22 = arith.constant 0 : i32
        %dma_start3A_23 = tpu.memref_slice %arg6[%multiple_of3A, %dma_start3A_22] : memref<320000x128xf32, #tpu.memory_space<hbm>> -> memref<80x128xf32, #tpu.memory_space<hbm>>
        %dma_start3A_24 = arith.constant 0 : i32
        %dma_start3A_25 = tpu.memref_slice %arg6[%multiple_of3A, %dma_start3A_24] : memref<320000x128xf32, #tpu.memory_space<hbm>> -> memref<80x128xf32, #tpu.memory_space<hbm>>
        tpu.enqueue_dma source(%arg10 : memref<80x128xf32, #tpu.memory_space<vmem>>) target(%dma_start3A_25 : memref<80x128xf32, #tpu.memory_space<hbm>>) target_semaphore(%run_scoped3A : memref<!tpu.dma_semaphore, #tpu.memory_space<semaphore_mem>>)
        %dma_wait3A_26 = arith.constant 0 : i32
        %dma_wait3A_27 = tpu.memref_slice %arg6[%multiple_of3A, %dma_wait3A_26] : memref<320000x128xf32, #tpu.memory_space<hbm>> -> memref<80x128xf32, #tpu.memory_space<hbm>>
        %dma_wait3A_28 = arith.constant 0 : i32
        %dma_wait3A_29 = tpu.memref_slice %arg6[%multiple_of3A, %dma_wait3A_28] : memref<320000x128xf32, #tpu.memory_space<hbm>> -> memref<80x128xf32, #tpu.memory_space<hbm>>
        tpu.wait_dma2 semaphore(%run_scoped3A : memref<!tpu.dma_semaphore, #tpu.memory_space<semaphore_mem>>) src(%arg10 : memref<80x128xf32, #tpu.memory_space<vmem>>) dst(%dma_wait3A_29 : memref<80x128xf32, #tpu.memory_space<hbm>>)
        tpu.yield
      }) : () -> ()
      %dma_wait3A_19 = arith.constant 0 : i32
      %dma_wait3A_20 = arith.constant 0 : i32
      %dma_wait3A_21 = tpu.memref_slice %arg3[%dma_wait3A_19, %dma_wait3A_20] : memref<10000x128xf32, #tpu.memory_space<hbm>> -> memref<10000x128xf32, #tpu.memory_space<hbm>>
      tpu.wait_indirect_dma semaphore(%arg13 : memref<!tpu.dma_semaphore, #tpu.memory_space<semaphore_mem>>) src(%dma_wait3A_21 : memref<10000x128xf32, #tpu.memory_space<hbm>>) dst(%arg11 : memref<80x128xf32, #tpu.memory_space<vmem>>)
      "tpu.region"() ({
        %run_scoped3A = tpu.sem_alloc : memref<!tpu.dma_semaphore, #tpu.memory_space<semaphore_mem>>
        %dma_start3A_22 = arith.constant 0 : i32
        %dma_start3A_23 = tpu.memref_slice %arg7[%multiple_of3A, %dma_start3A_22] : memref<320000x128xf32, #tpu.memory_space<hbm>> -> memref<80x128xf32, #tpu.memory_space<hbm>>
        %dma_start3A_24 = arith.constant 0 : i32
        %dma_start3A_25 = tpu.memref_slice %arg7[%multiple_of3A, %dma_start3A_24] : memref<320000x128xf32, #tpu.memory_space<hbm>> -> memref<80x128xf32, #tpu.memory_space<hbm>>
        tpu.enqueue_dma source(%arg11 : memref<80x128xf32, #tpu.memory_space<vmem>>) target(%dma_start3A_25 : memref<80x128xf32, #tpu.memory_space<hbm>>) target_semaphore(%run_scoped3A : memref<!tpu.dma_semaphore, #tpu.memory_space<semaphore_mem>>)
        %dma_wait3A_26 = arith.constant 0 : i32
        %dma_wait3A_27 = tpu.memref_slice %arg7[%multiple_of3A, %dma_wait3A_26] : memref<320000x128xf32, #tpu.memory_space<hbm>> -> memref<80x128xf32, #tpu.memory_space<hbm>>
        %dma_wait3A_28 = arith.constant 0 : i32
        %dma_wait3A_29 = tpu.memref_slice %arg7[%multiple_of3A, %dma_wait3A_28] : memref<320000x128xf32, #tpu.memory_space<hbm>> -> memref<80x128xf32, #tpu.memory_space<hbm>>
        tpu.wait_dma2 semaphore(%run_scoped3A : memref<!tpu.dma_semaphore, #tpu.memory_space<semaphore_mem>>) src(%arg11 : memref<80x128xf32, #tpu.memory_space<vmem>>) dst(%dma_wait3A_29 : memref<80x128xf32, #tpu.memory_space<hbm>>)
        tpu.yield
      }) : () -> ()
    }
    %scan3A_7 = arith.constant 125 : i32
    return
  }
}

#map = affine_map<(d0, d1) -> (0)>
module attributes {stable_mosaic.version = 14 : i64} {
  func.func @_scatter_max_body(%arg0: i32, %arg1: i32, %arg2: memref<20480000xf32, #tpu.memory_space<hbm>>, %arg3: memref<320000xi32, #tpu.memory_space<hbm>>, %arg4: memref<10000xf32, #tpu.memory_space<hbm>>, %arg5: memref<640000xf32, #tpu.memory_space<hbm>>, %arg6: memref<2000xi32, #tpu.memory_space<vmem>>, %arg7: memref<2000xf32, #tpu.memory_space<vmem>>, %arg8: memref<2000xf32, #tpu.memory_space<vmem>>, %arg9: memref<10000xf32, #tpu.memory_space<vmem>>, %arg10: memref<10000xf32, #tpu.memory_space<vmem>>) attributes {dimension_semantics = [#tpu.dimension_semantics<core_parallel>, #tpu.dimension_semantics<subcore_parallel>], iteration_bounds = array<i64: 2, 16>, scalar_prefetch = 0 : i64, scratch_operands = 5 : i64, tpu.core_type = #tpu.core_type<sc_vector_subcore>, window_params = [{transform_indices = #map}, {transform_indices = #map}, {transform_indices = #map}, {transform_indices = #map}]} {
    %mul3A = arith.constant 2 : i32
    %mul3A_0 = arith.muli %arg1, %mul3A : i32
    %add3A = arith.addi %mul3A_0, %arg0 : i32
    %mul3A_1 = arith.constant 2 : i32
    %mul3A_2 = arith.muli %add3A, %mul3A_1 : i32
    "tpu.region"() ({
      %run_scoped3A = tpu.sem_alloc : memref<!tpu.dma_semaphore, #tpu.memory_space<semaphore_mem>>
      tpu.enqueue_dma source(%arg4 : memref<10000xf32, #tpu.memory_space<hbm>>) target(%arg9 : memref<10000xf32, #tpu.memory_space<vmem>>) target_semaphore(%run_scoped3A : memref<!tpu.dma_semaphore, #tpu.memory_space<semaphore_mem>>)
      tpu.wait_dma2 semaphore(%run_scoped3A : memref<!tpu.dma_semaphore, #tpu.memory_space<semaphore_mem>>) src(%arg4 : memref<10000xf32, #tpu.memory_space<hbm>>) dst(%arg9 : memref<10000xf32, #tpu.memory_space<vmem>>)
      tpu.yield
    }) : () -> ()
    "tpu.region"() ({
      %run_scoped3A = tpu.sem_alloc : memref<!tpu.dma_semaphore, #tpu.memory_space<semaphore_mem>>
      tpu.enqueue_dma source(%arg4 : memref<10000xf32, #tpu.memory_space<hbm>>) target(%arg10 : memref<10000xf32, #tpu.memory_space<vmem>>) target_semaphore(%run_scoped3A : memref<!tpu.dma_semaphore, #tpu.memory_space<semaphore_mem>>)
      tpu.wait_dma2 semaphore(%run_scoped3A : memref<!tpu.dma_semaphore, #tpu.memory_space<semaphore_mem>>) src(%arg4 : memref<10000xf32, #tpu.memory_space<hbm>>) dst(%arg10 : memref<10000xf32, #tpu.memory_space<vmem>>)
      tpu.yield
    }) : () -> ()
    %scan3A = arith.constant 0 : i32
    %scan3A_3 = arith.constant 0 : i32
    %scan3A_4 = arith.constant 160 : i32
    %scan3A_5 = arith.addi %scan3A_3, %scan3A_4 : i32
    %scan3A_6 = arith.constant 1 : i32
    scf.for %scan3A_15 = %scan3A_3 to %scan3A_5 step %scan3A_6  : i32 {
      %mul3A_16 = arith.constant 2000 : i32
      %mul3A_17 = arith.muli %scan3A_15, %mul3A_16 : i32
      %multiple_of3A_18 = tpu.assume_multiple %mul3A_17, 8 : i32
      "tpu.region"() ({
        %run_scoped3A = tpu.sem_alloc : memref<!tpu.dma_semaphore, #tpu.memory_space<semaphore_mem>>
        %dma_start3A = tpu.memref_slice %arg3[%multiple_of3A_18] : memref<320000xi32, #tpu.memory_space<hbm>> -> memref<2000xi32, #tpu.memory_space<hbm>>
        %dma_start3A_35 = tpu.memref_slice %arg3[%multiple_of3A_18] : memref<320000xi32, #tpu.memory_space<hbm>> -> memref<2000xi32, #tpu.memory_space<hbm>>
        tpu.enqueue_dma source(%dma_start3A_35 : memref<2000xi32, #tpu.memory_space<hbm>>) target(%arg6 : memref<2000xi32, #tpu.memory_space<vmem>>) target_semaphore(%run_scoped3A : memref<!tpu.dma_semaphore, #tpu.memory_space<semaphore_mem>>)
        %dma_wait3A = tpu.memref_slice %arg3[%multiple_of3A_18] : memref<320000xi32, #tpu.memory_space<hbm>> -> memref<2000xi32, #tpu.memory_space<hbm>>
        %dma_wait3A_36 = tpu.memref_slice %arg3[%multiple_of3A_18] : memref<320000xi32, #tpu.memory_space<hbm>> -> memref<2000xi32, #tpu.memory_space<hbm>>
        tpu.wait_dma2 semaphore(%run_scoped3A : memref<!tpu.dma_semaphore, #tpu.memory_space<semaphore_mem>>) src(%dma_wait3A_36 : memref<2000xi32, #tpu.memory_space<hbm>>) dst(%arg6 : memref<2000xi32, #tpu.memory_space<vmem>>)
        tpu.yield
      }) : () -> ()
      %mul3A_19 = arith.constant 320000 : i32
      %mul3A_20 = arith.muli %mul3A_2, %mul3A_19 : i32
      %multiple_of3A_21 = tpu.assume_multiple %mul3A_20, 8 : i32
      %add3A_22 = arith.addi %multiple_of3A_21, %multiple_of3A_18 : i32
      "tpu.region"() ({
        %run_scoped3A = tpu.sem_alloc : memref<!tpu.dma_semaphore, #tpu.memory_space<semaphore_mem>>
        %dma_start3A = tpu.memref_slice %arg2[%add3A_22] : memref<20480000xf32, #tpu.memory_space<hbm>> -> memref<2000xf32, #tpu.memory_space<hbm>>
        %dma_start3A_35 = tpu.memref_slice %arg2[%add3A_22] : memref<20480000xf32, #tpu.memory_space<hbm>> -> memref<2000xf32, #tpu.memory_space<hbm>>
        tpu.enqueue_dma source(%dma_start3A_35 : memref<2000xf32, #tpu.memory_space<hbm>>) target(%arg7 : memref<2000xf32, #tpu.memory_space<vmem>>) target_semaphore(%run_scoped3A : memref<!tpu.dma_semaphore, #tpu.memory_space<semaphore_mem>>)
        %dma_wait3A = tpu.memref_slice %arg2[%add3A_22] : memref<20480000xf32, #tpu.memory_space<hbm>> -> memref<2000xf32, #tpu.memory_space<hbm>>
        %dma_wait3A_36 = tpu.memref_slice %arg2[%add3A_22] : memref<20480000xf32, #tpu.memory_space<hbm>> -> memref<2000xf32, #tpu.memory_space<hbm>>
        tpu.wait_dma2 semaphore(%run_scoped3A : memref<!tpu.dma_semaphore, #tpu.memory_space<semaphore_mem>>) src(%dma_wait3A_36 : memref<2000xf32, #tpu.memory_space<hbm>>) dst(%arg7 : memref<2000xf32, #tpu.memory_space<vmem>>)
        tpu.yield
      }) : () -> ()
      %add3A_23 = arith.constant 1 : i32
      %add3A_24 = arith.addi %mul3A_2, %add3A_23 : i32
      %mul3A_25 = arith.constant 320000 : i32
      %mul3A_26 = arith.muli %add3A_24, %mul3A_25 : i32
      %multiple_of3A_27 = tpu.assume_multiple %mul3A_26, 8 : i32
      %add3A_28 = arith.addi %multiple_of3A_27, %multiple_of3A_18 : i32
      "tpu.region"() ({
        %run_scoped3A = tpu.sem_alloc : memref<!tpu.dma_semaphore, #tpu.memory_space<semaphore_mem>>
        %dma_start3A = tpu.memref_slice %arg2[%add3A_28] : memref<20480000xf32, #tpu.memory_space<hbm>> -> memref<2000xf32, #tpu.memory_space<hbm>>
        %dma_start3A_35 = tpu.memref_slice %arg2[%add3A_28] : memref<20480000xf32, #tpu.memory_space<hbm>> -> memref<2000xf32, #tpu.memory_space<hbm>>
        tpu.enqueue_dma source(%dma_start3A_35 : memref<2000xf32, #tpu.memory_space<hbm>>) target(%arg8 : memref<2000xf32, #tpu.memory_space<vmem>>) target_semaphore(%run_scoped3A : memref<!tpu.dma_semaphore, #tpu.memory_space<semaphore_mem>>)
        %dma_wait3A = tpu.memref_slice %arg2[%add3A_28] : memref<20480000xf32, #tpu.memory_space<hbm>> -> memref<2000xf32, #tpu.memory_space<hbm>>
        %dma_wait3A_36 = tpu.memref_slice %arg2[%add3A_28] : memref<20480000xf32, #tpu.memory_space<hbm>> -> memref<2000xf32, #tpu.memory_space<hbm>>
        tpu.wait_dma2 semaphore(%run_scoped3A : memref<!tpu.dma_semaphore, #tpu.memory_space<semaphore_mem>>) src(%dma_wait3A_36 : memref<2000xf32, #tpu.memory_space<hbm>>) dst(%arg8 : memref<2000xf32, #tpu.memory_space<vmem>>)
        tpu.yield
      }) : () -> ()
      %scan3A_29 = arith.constant 0 : i32
      %scan3A_30 = arith.constant 0 : i32
      %scan3A_31 = arith.constant 125 : i32
      %scan3A_32 = arith.addi %scan3A_30, %scan3A_31 : i32
      %scan3A_33 = arith.constant 1 : i32
      scf.for %scan3A_35 = %scan3A_30 to %scan3A_32 step %scan3A_33  : i32 {
        %mul3A_36 = arith.constant 16 : i32
        %mul3A_37 = arith.muli %scan3A_35, %mul3A_36 : i32
        %get3A = arith.index_cast %mul3A_37 : i32 to index
        %get3A_38 = tpu.vector_load %arg6[%get3A] {strides = array<i32>} : memref<2000xi32, #tpu.memory_space<vmem>>, vector<16xi32>,
        %mul3A_39 = arith.constant 16 : i32
        %mul3A_40 = arith.muli %scan3A_35, %mul3A_39 : i32
        %get3A_41 = arith.index_cast %mul3A_40 : i32 to index
        %get3A_42 = tpu.vector_load %arg7[%get3A_41] {strides = array<i32>} : memref<2000xf32, #tpu.memory_space<vmem>>, vector<16xf32>,
        %gather3A = tpu.vector_load_idx %arg9[%get3A_38] : memref<10000xf32, #tpu.memory_space<vmem>>[vector<16xi32>], vector<16xf32>,
        %max3A = arith.maximumf %gather3A, %get3A_42 : vector<16xf32>
        tpu.vector_store_idx %arg9[%get3A_38], %max3A : memref<10000xf32, #tpu.memory_space<vmem>>[vector<16xi32>], vector<16xf32>,
        %gather3A_43 = tpu.vector_load_idx %arg9[%get3A_38] : memref<10000xf32, #tpu.memory_space<vmem>>[vector<16xi32>], vector<16xf32>,
        %lt3A = arith.cmpf olt, %gather3A_43, %get3A_42 : vector<16xf32>
        %while3A = scf.while (%while3A_53 = %lt3A) : (vector<16xi1>) -> vector<16xi1> {
          %reduce_or3A = arith.constant 1.000000e+00 : f32
          %reduce_or3A_54 = arith.constant 0.000000e+00 : f32
          %reduce_or3A_55 = vector.broadcast %reduce_or3A : f32 to vector<16xf32>
          %reduce_or3A_56 = vector.broadcast %reduce_or3A_54 : f32 to vector<16xf32>
          %reduce_or3A_57 = arith.select %while3A_53, %reduce_or3A_55, %reduce_or3A_56 : vector<16xi1>, vector<16xf32>
          %reduce_or3A_58 = arith.constant true
          %reduce_or3A_59 = vector.broadcast %reduce_or3A_58 : i1 to vector<16xi1>
          %reduce_or3A_60 = tpu.scan <max>, %reduce_or3A_57 masked %reduce_or3A_59 : vector<16xf32>, vector<16xi1> -> vector<16xf32>
          %reduce_or3A_61 = vector.extract %reduce_or3A_60[15] : f32 from vector<16xf32>
          %reduce_or3A_62 = arith.constant 0.000000e+00 : f32
          %reduce_or3A_63 = arith.cmpf ogt, %reduce_or3A_61, %reduce_or3A_62 : f32
          scf.condition(%reduce_or3A_63) %while3A_53 : vector<16xi1>
        } do {
        ^bb0(%while3A_53: vector<16xi1>):
          %gather3A_54 = tpu.vector_load_idx %arg9[%get3A_38] : memref<10000xf32, #tpu.memory_space<vmem>>[vector<16xi32>], vector<16xf32>,
          %max3A_55 = arith.maximumf %gather3A_54, %get3A_42 : vector<16xf32>
          tpu.vector_store_idx %arg9[%get3A_38], %max3A_55 masked %while3A_53 : memref<10000xf32, #tpu.memory_space<vmem>>[vector<16xi32>], vector<16xf32>, vector<16xi1>
          %gather3A_56 = tpu.vector_load_idx %arg9[%get3A_38] : memref<10000xf32, #tpu.memory_space<vmem>>[vector<16xi32>], vector<16xf32>,
          %lt3A_57 = arith.cmpf olt, %gather3A_56, %get3A_42 : vector<16xf32>
          scf.yield %lt3A_57 : vector<16xi1>
        }
        %mul3A_44 = arith.constant 16 : i32
        %mul3A_45 = arith.muli %scan3A_35, %mul3A_44 : i32
        %get3A_46 = arith.index_cast %mul3A_45 : i32 to index
        %get3A_47 = tpu.vector_load %arg8[%get3A_46] {strides = array<i32>} : memref<2000xf32, #tpu.memory_space<vmem>>, vector<16xf32>,
        %gather3A_48 = tpu.vector_load_idx %arg10[%get3A_38] : memref<10000xf32, #tpu.memory_space<vmem>>[vector<16xi32>], vector<16xf32>,
        %max3A_49 = arith.maximumf %gather3A_48, %get3A_47 : vector<16xf32>
        tpu.vector_store_idx %arg10[%get3A_38], %max3A_49 : memref<10000xf32, #tpu.memory_space<vmem>>[vector<16xi32>], vector<16xf32>,
        %gather3A_50 = tpu.vector_load_idx %arg10[%get3A_38] : memref<10000xf32, #tpu.memory_space<vmem>>[vector<16xi32>], vector<16xf32>,
        %lt3A_51 = arith.cmpf olt, %gather3A_50, %get3A_47 : vector<16xf32>
        %while3A_52 = scf.while (%while3A_53 = %lt3A_51) : (vector<16xi1>) -> vector<16xi1> {
          %reduce_or3A = arith.constant 1.000000e+00 : f32
          %reduce_or3A_54 = arith.constant 0.000000e+00 : f32
          %reduce_or3A_55 = vector.broadcast %reduce_or3A : f32 to vector<16xf32>
          %reduce_or3A_56 = vector.broadcast %reduce_or3A_54 : f32 to vector<16xf32>
          %reduce_or3A_57 = arith.select %while3A_53, %reduce_or3A_55, %reduce_or3A_56 : vector<16xi1>, vector<16xf32>
          %reduce_or3A_58 = arith.constant true
          %reduce_or3A_59 = vector.broadcast %reduce_or3A_58 : i1 to vector<16xi1>
          %reduce_or3A_60 = tpu.scan <max>, %reduce_or3A_57 masked %reduce_or3A_59 : vector<16xf32>, vector<16xi1> -> vector<16xf32>
          %reduce_or3A_61 = vector.extract %reduce_or3A_60[15] : f32 from vector<16xf32>
          %reduce_or3A_62 = arith.constant 0.000000e+00 : f32
          %reduce_or3A_63 = arith.cmpf ogt, %reduce_or3A_61, %reduce_or3A_62 : f32
          scf.condition(%reduce_or3A_63) %while3A_53 : vector<16xi1>
        } do {
        ^bb0(%while3A_53: vector<16xi1>):
          %gather3A_54 = tpu.vector_load_idx %arg10[%get3A_38] : memref<10000xf32, #tpu.memory_space<vmem>>[vector<16xi32>], vector<16xf32>,
          %max3A_55 = arith.maximumf %gather3A_54, %get3A_47 : vector<16xf32>
          tpu.vector_store_idx %arg10[%get3A_38], %max3A_55 masked %while3A_53 : memref<10000xf32, #tpu.memory_space<vmem>>[vector<16xi32>], vector<16xf32>, vector<16xi1>
          %gather3A_56 = tpu.vector_load_idx %arg10[%get3A_38] : memref<10000xf32, #tpu.memory_space<vmem>>[vector<16xi32>], vector<16xf32>,
          %lt3A_57 = arith.cmpf olt, %gather3A_56, %get3A_47 : vector<16xf32>
          scf.yield %lt3A_57 : vector<16xi1>
        }
      }
      %scan3A_34 = arith.constant 125 : i32
    }
    %scan3A_7 = arith.constant 160 : i32
    %mul3A_8 = arith.constant 10000 : i32
    %mul3A_9 = arith.muli %mul3A_2, %mul3A_8 : i32
    %multiple_of3A = tpu.assume_multiple %mul3A_9, 8 : i32
    "tpu.region"() ({
      %run_scoped3A = tpu.sem_alloc : memref<!tpu.dma_semaphore, #tpu.memory_space<semaphore_mem>>
      %dma_start3A = tpu.memref_slice %arg5[%multiple_of3A] : memref<640000xf32, #tpu.memory_space<hbm>> -> memref<10000xf32, #tpu.memory_space<hbm>>
      %dma_start3A_15 = tpu.memref_slice %arg5[%multiple_of3A] : memref<640000xf32, #tpu.memory_space<hbm>> -> memref<10000xf32, #tpu.memory_space<hbm>>
      tpu.enqueue_dma source(%arg9 : memref<10000xf32, #tpu.memory_space<vmem>>) target(%dma_start3A_15 : memref<10000xf32, #tpu.memory_space<hbm>>) target_semaphore(%run_scoped3A : memref<!tpu.dma_semaphore, #tpu.memory_space<semaphore_mem>>)
      %dma_wait3A = tpu.memref_slice %arg5[%multiple_of3A] : memref<640000xf32, #tpu.memory_space<hbm>> -> memref<10000xf32, #tpu.memory_space<hbm>>
      %dma_wait3A_16 = tpu.memref_slice %arg5[%multiple_of3A] : memref<640000xf32, #tpu.memory_space<hbm>> -> memref<10000xf32, #tpu.memory_space<hbm>>
      tpu.wait_dma2 semaphore(%run_scoped3A : memref<!tpu.dma_semaphore, #tpu.memory_space<semaphore_mem>>) src(%arg9 : memref<10000xf32, #tpu.memory_space<vmem>>) dst(%dma_wait3A_16 : memref<10000xf32, #tpu.memory_space<hbm>>)
      tpu.yield
    }) : () -> ()
    %add3A_10 = arith.constant 1 : i32
    %add3A_11 = arith.addi %mul3A_2, %add3A_10 : i32
    %mul3A_12 = arith.constant 10000 : i32
    %mul3A_13 = arith.muli %add3A_11, %mul3A_12 : i32
    %multiple_of3A_14 = tpu.assume_multiple %mul3A_13, 8 : i32
    "tpu.region"() ({
      %run_scoped3A = tpu.sem_alloc : memref<!tpu.dma_semaphore, #tpu.memory_space<semaphore_mem>>
      %dma_start3A = tpu.memref_slice %arg5[%multiple_of3A_14] : memref<640000xf32, #tpu.memory_space<hbm>> -> memref<10000xf32, #tpu.memory_space<hbm>>
      %dma_start3A_15 = tpu.memref_slice %arg5[%multiple_of3A_14] : memref<640000xf32, #tpu.memory_space<hbm>> -> memref<10000xf32, #tpu.memory_space<hbm>>
      tpu.enqueue_dma source(%arg10 : memref<10000xf32, #tpu.memory_space<vmem>>) target(%dma_start3A_15 : memref<10000xf32, #tpu.memory_space<hbm>>) target_semaphore(%run_scoped3A : memref<!tpu.dma_semaphore, #tpu.memory_space<semaphore_mem>>)
      %dma_wait3A = tpu.memref_slice %arg5[%multiple_of3A_14] : memref<640000xf32, #tpu.memory_space<hbm>> -> memref<10000xf32, #tpu.memory_space<hbm>>
      %dma_wait3A_16 = tpu.memref_slice %arg5[%multiple_of3A_14] : memref<640000xf32, #tpu.memory_space<hbm>> -> memref<10000xf32, #tpu.memory_space<hbm>>
      tpu.wait_dma2 semaphore(%run_scoped3A : memref<!tpu.dma_semaphore, #tpu.memory_space<semaphore_mem>>) src(%arg10 : memref<10000xf32, #tpu.memory_space<vmem>>) dst(%dma_wait3A_16 : memref<10000xf32, #tpu.memory_space<hbm>>)
      tpu.yield
    }) : () -> ()
    return
  }
}

#map = affine_map<(d0, d1) -> (0, 0)>
#map1 = affine_map<(d0, d1) -> (0)>
#map2 = affine_map<(d0, d1) -> (0, 0, 0)>
module attributes {stable_mosaic.version = 14 : i64} {
  func.func @_scatter_add_body(%arg0: i32, %arg1: i32, %arg2: memref<320000x128xf32, #tpu.memory_space<hbm>>, %arg3: memref<320000xi32, #tpu.memory_space<hbm>>, %arg4: memref<640x128xf32, #tpu.memory_space<hbm>>, %arg5: memref<2x10240x128xf32, #tpu.memory_space<hbm>>, %arg6: memref<80xi32, #tpu.memory_space<vmem>>, %arg7: memref<80x128xf32, #tpu.memory_space<vmem>>, %arg8: memref<10240x128xf32, #tpu.memory_space<vmem_shared>>) attributes {dimension_semantics = [#tpu.dimension_semantics<core_parallel>, #tpu.dimension_semantics<subcore_parallel>], iteration_bounds = array<i64: 2, 16>, scalar_prefetch = 0 : i64, scratch_operands = 3 : i64, tpu.core_type = #tpu.core_type<sc_vector_subcore>, window_params = [{transform_indices = #map}, {transform_indices = #map1}, {transform_indices = #map}, {transform_indices = #map2}]} {
    %mul3A = arith.constant 2 : i32
    %mul3A_0 = arith.muli %arg1, %mul3A : i32
    %add3A = arith.addi %mul3A_0, %arg0 : i32
    %mul3A_1 = arith.constant 10000 : i32
    %mul3A_2 = arith.muli %add3A, %mul3A_1 : i32
    %mul3A_3 = arith.constant 640 : i32
    %mul3A_4 = arith.muli %arg1, %mul3A_3 : i32
    "tpu.region"() ({
      %run_scoped3A = tpu.sem_alloc : memref<!tpu.dma_semaphore, #tpu.memory_space<semaphore_mem>>
      %dma_start3A = arith.constant 0 : i32
      %dma_start3A_15 = tpu.memref_slice %arg8[%mul3A_4, %dma_start3A] : memref<10240x128xf32, #tpu.memory_space<vmem_shared>> -> memref<640x128xf32, #tpu.memory_space<vmem_shared>>
      tpu.enqueue_dma source(%arg4 : memref<640x128xf32, #tpu.memory_space<hbm>>) target(%dma_start3A_15 : memref<640x128xf32, #tpu.memory_space<vmem_shared>>) target_semaphore(%run_scoped3A : memref<!tpu.dma_semaphore, #tpu.memory_space<semaphore_mem>>)
      %dma_wait3A = arith.constant 0 : i32
      %dma_wait3A_16 = tpu.memref_slice %arg8[%mul3A_4, %dma_wait3A] : memref<10240x128xf32, #tpu.memory_space<vmem_shared>> -> memref<640x128xf32, #tpu.memory_space<vmem_shared>>
      tpu.wait_dma2 semaphore(%run_scoped3A : memref<!tpu.dma_semaphore, #tpu.memory_space<semaphore_mem>>) src(%arg4 : memref<640x128xf32, #tpu.memory_space<hbm>>) dst(%dma_wait3A_16 : memref<640x128xf32, #tpu.memory_space<vmem_shared>>)
      tpu.yield
    }) : () -> ()
    %barrier3A = arith.constant 0 : index
    tpu.barrier barrier_id(%barrier3A)
    %scan3A = arith.constant 0 : i32
    %scan3A_5 = arith.constant 0 : i32
    %scan3A_6 = arith.constant 125 : i32
    %scan3A_7 = arith.addi %scan3A_5, %scan3A_6 : i32
    %scan3A_8 = arith.constant 1 : i32
    scf.for %scan3A_15 = %scan3A_5 to %scan3A_7 step %scan3A_8  : i32 {
      %mul3A_16 = arith.constant 80 : i32
      %mul3A_17 = arith.muli %scan3A_15, %mul3A_16 : i32
      %add3A_18 = arith.addi %mul3A_2, %mul3A_17 : i32
      %multiple_of3A = tpu.assume_multiple %add3A_18, 8 : i32
      "tpu.region"() ({
        %run_scoped3A = tpu.sem_alloc : memref<!tpu.dma_semaphore, #tpu.memory_space<semaphore_mem>>
        %dma_start3A = tpu.memref_slice %arg3[%multiple_of3A] : memref<320000xi32, #tpu.memory_space<hbm>> -> memref<80xi32, #tpu.memory_space<hbm>>
        %dma_start3A_19 = tpu.memref_slice %arg3[%multiple_of3A] : memref<320000xi32, #tpu.memory_space<hbm>> -> memref<80xi32, #tpu.memory_space<hbm>>
        tpu.enqueue_dma source(%dma_start3A_19 : memref<80xi32, #tpu.memory_space<hbm>>) target(%arg6 : memref<80xi32, #tpu.memory_space<vmem>>) target_semaphore(%run_scoped3A : memref<!tpu.dma_semaphore, #tpu.memory_space<semaphore_mem>>)
        %dma_wait3A = tpu.memref_slice %arg3[%multiple_of3A] : memref<320000xi32, #tpu.memory_space<hbm>> -> memref<80xi32, #tpu.memory_space<hbm>>
        %dma_wait3A_20 = tpu.memref_slice %arg3[%multiple_of3A] : memref<320000xi32, #tpu.memory_space<hbm>> -> memref<80xi32, #tpu.memory_space<hbm>>
        tpu.wait_dma2 semaphore(%run_scoped3A : memref<!tpu.dma_semaphore, #tpu.memory_space<semaphore_mem>>) src(%dma_wait3A_20 : memref<80xi32, #tpu.memory_space<hbm>>) dst(%arg6 : memref<80xi32, #tpu.memory_space<vmem>>)
        tpu.yield
      }) : () -> ()
      "tpu.region"() ({
        %run_scoped3A = tpu.sem_alloc : memref<!tpu.dma_semaphore, #tpu.memory_space<semaphore_mem>>
        %dma_start3A = arith.constant 0 : i32
        %dma_start3A_19 = tpu.memref_slice %arg2[%multiple_of3A, %dma_start3A] : memref<320000x128xf32, #tpu.memory_space<hbm>> -> memref<80x128xf32, #tpu.memory_space<hbm>>
        %dma_start3A_20 = arith.constant 0 : i32
        %dma_start3A_21 = tpu.memref_slice %arg2[%multiple_of3A, %dma_start3A_20] : memref<320000x128xf32, #tpu.memory_space<hbm>> -> memref<80x128xf32, #tpu.memory_space<hbm>>
        tpu.enqueue_dma source(%dma_start3A_21 : memref<80x128xf32, #tpu.memory_space<hbm>>) target(%arg7 : memref<80x128xf32, #tpu.memory_space<vmem>>) target_semaphore(%run_scoped3A : memref<!tpu.dma_semaphore, #tpu.memory_space<semaphore_mem>>)
        %dma_wait3A = arith.constant 0 : i32
        %dma_wait3A_22 = tpu.memref_slice %arg2[%multiple_of3A, %dma_wait3A] : memref<320000x128xf32, #tpu.memory_space<hbm>> -> memref<80x128xf32, #tpu.memory_space<hbm>>
        %dma_wait3A_23 = arith.constant 0 : i32
        %dma_wait3A_24 = tpu.memref_slice %arg2[%multiple_of3A, %dma_wait3A_23] : memref<320000x128xf32, #tpu.memory_space<hbm>> -> memref<80x128xf32, #tpu.memory_space<hbm>>
        tpu.wait_dma2 semaphore(%run_scoped3A : memref<!tpu.dma_semaphore, #tpu.memory_space<semaphore_mem>>) src(%dma_wait3A_24 : memref<80x128xf32, #tpu.memory_space<hbm>>) dst(%arg7 : memref<80x128xf32, #tpu.memory_space<vmem>>)
        tpu.yield
      }) : () -> ()
      "tpu.region"() ({
        %run_scoped3A = tpu.sem_alloc : memref<!tpu.dma_semaphore, #tpu.memory_space<semaphore_mem>>
        %dma_start3A = arith.constant 0 : i32
        %dma_start3A_19 = arith.constant 0 : i32
        %dma_start3A_20 = tpu.memref_slice %arg8[%dma_start3A, %dma_start3A_19] : memref<10240x128xf32, #tpu.memory_space<vmem_shared>> -> memref<10240x128xf32, #tpu.memory_space<vmem_shared>>
        tpu.enqueue_indirect_dma source(%arg7 : memref<80x128xf32, #tpu.memory_space<vmem>>) target(%dma_start3A_20 : memref<10240x128xf32, #tpu.memory_space<vmem_shared>>) offsets(%arg6 : memref<80xi32, #tpu.memory_space<vmem>>) semaphore(%run_scoped3A : memref<!tpu.dma_semaphore, #tpu.memory_space<semaphore_mem>>) {add = true}
        %dma_wait3A = arith.constant 0 : i32
        %dma_wait3A_21 = arith.constant 0 : i32
        %dma_wait3A_22 = tpu.memref_slice %arg8[%dma_wait3A, %dma_wait3A_21] : memref<10240x128xf32, #tpu.memory_space<vmem_shared>> -> memref<10240x128xf32, #tpu.memory_space<vmem_shared>>
        tpu.wait_indirect_dma semaphore(%run_scoped3A : memref<!tpu.dma_semaphore, #tpu.memory_space<semaphore_mem>>) src(%arg7 : memref<80x128xf32, #tpu.memory_space<vmem>>) dst(%dma_wait3A_22 : memref<10240x128xf32, #tpu.memory_space<vmem_shared>>)
        tpu.yield
      }) : () -> ()
    }
    %scan3A_9 = arith.constant 125 : i32
    %barrier3A_10 = arith.constant 0 : index
    tpu.barrier barrier_id(%barrier3A_10)
    %mul3A_11 = arith.constant 640 : i32
    %mul3A_12 = arith.muli %arg1, %mul3A_11 : i32
    %mul3A_13 = arith.constant 640 : i32
    %mul3A_14 = arith.muli %arg1, %mul3A_13 : i32
    "tpu.region"() ({
      %run_scoped3A = tpu.sem_alloc : memref<!tpu.dma_semaphore, #tpu.memory_space<semaphore_mem>>
      %dma_start3A = arith.constant 0 : i32
      %dma_start3A_15 = tpu.memref_slice %arg5[%arg0, %mul3A_14, %dma_start3A] : memref<2x10240x128xf32, #tpu.memory_space<hbm>> -> memref<1x640x128xf32, #tpu.memory_space<hbm>>
      %dma_start3A_16 = tpu.memref_squeeze %dma_start3A_15 : memref<1x640x128xf32, #tpu.memory_space<hbm>> -> memref<640x128xf32, #tpu.memory_space<hbm>>
      %dma_start3A_17 = arith.constant 0 : i32
      %dma_start3A_18 = tpu.memref_slice %arg8[%mul3A_12, %dma_start3A_17] : memref<10240x128xf32, #tpu.memory_space<vmem_shared>> -> memref<640x128xf32, #tpu.memory_space<vmem_shared>>
      tpu.enqueue_dma source(%dma_start3A_18 : memref<640x128xf32, #tpu.memory_space<vmem_shared>>) target(%dma_start3A_16 : memref<640x128xf32, #tpu.memory_space<hbm>>) target_semaphore(%run_scoped3A : memref<!tpu.dma_semaphore, #tpu.memory_space<semaphore_mem>>)
      %dma_wait3A = arith.constant 0 : i32
      %dma_wait3A_19 = tpu.memref_slice %arg5[%arg0, %mul3A_14, %dma_wait3A] : memref<2x10240x128xf32, #tpu.memory_space<hbm>> -> memref<1x640x128xf32, #tpu.memory_space<hbm>>
      %dma_wait3A_20 = tpu.memref_squeeze %dma_wait3A_19 : memref<1x640x128xf32, #tpu.memory_space<hbm>> -> memref<640x128xf32, #tpu.memory_space<hbm>>
      %dma_wait3A_21 = arith.constant 0 : i32
      %dma_wait3A_22 = tpu.memref_slice %arg8[%mul3A_12, %dma_wait3A_21] : memref<10240x128xf32, #tpu.memory_space<vmem_shared>> -> memref<640x128xf32, #tpu.memory_space<vmem_shared>>
      tpu.wait_dma2 semaphore(%run_scoped3A : memref<!tpu.dma_semaphore, #tpu.memory_space<semaphore_mem>>) src(%dma_wait3A_22 : memref<640x128xf32, #tpu.memory_space<vmem_shared>>) dst(%dma_wait3A_20 : memref<640x128xf32, #tpu.memory_space<hbm>>)
      tpu.yield
    }) : () -> ()
    return
  }
}

#map = affine_map<(d0, d1) -> (0, 0)>
#map1 = affine_map<(d0, d1) -> (0)>
module attributes {stable_mosaic.version = 14 : i64} {
  func.func @_gather_kernel_body(%arg0: i32, %arg1: i32, %arg2: memref<10000x128xf32, #tpu.memory_space<hbm>>, %arg3: memref<10000x128xf32, #tpu.memory_space<hbm>>, %arg4: memref<320000xi32, #tpu.memory_space<hbm>>, %arg5: memref<320000xi32, #tpu.memory_space<hbm>>, %arg6: memref<320000x128xf32, #tpu.memory_space<hbm>>, %arg7: memref<320000x128xf32, #tpu.memory_space<hbm>>, %arg8: memref<80xi32, #tpu.memory_space<vmem>>, %arg9: memref<80xi32, #tpu.memory_space<vmem>>, %arg10: memref<80x128xf32, #tpu.memory_space<vmem>>, %arg11: memref<80x128xf32, #tpu.memory_space<vmem>>, %arg12: memref<!tpu.dma_semaphore, #tpu.memory_space<semaphore_mem>>, %arg13: memref<!tpu.dma_semaphore, #tpu.memory_space<semaphore_mem>>) attributes {dimension_semantics = [#tpu.dimension_semantics<core_parallel>, #tpu.dimension_semantics<subcore_parallel>], iteration_bounds = array<i64: 2, 16>, scalar_prefetch = 0 : i64, scratch_operands = 6 : i64, tpu.core_type = #tpu.core_type<sc_vector_subcore>, window_params = [{transform_indices = #map}, {transform_indices = #map}, {transform_indices = #map1}, {transform_indices = #map1}, {transform_indices = #map}, {transform_indices = #map}]} {
    %mul3A = arith.constant 2 : i32
    %mul3A_0 = arith.muli %arg1, %mul3A : i32
    %add3A = arith.addi %mul3A_0, %arg0 : i32
    %mul3A_1 = arith.constant 10000 : i32
    %mul3A_2 = arith.muli %add3A, %mul3A_1 : i32
    %scan3A = arith.constant 0 : i32
    %scan3A_3 = arith.constant 0 : i32
    %scan3A_4 = arith.constant 125 : i32
    %scan3A_5 = arith.addi %scan3A_3, %scan3A_4 : i32
    %scan3A_6 = arith.constant 1 : i32
    scf.for %scan3A_8 = %scan3A_3 to %scan3A_5 step %scan3A_6  : i32 {
      %mul3A_9 = arith.constant 80 : i32
      %mul3A_10 = arith.muli %scan3A_8, %mul3A_9 : i32
      %add3A_11 = arith.addi %mul3A_2, %mul3A_10 : i32
      %multiple_of3A = tpu.assume_multiple %add3A_11, 8 : i32
      "tpu.region"() ({
        %run_scoped3A = tpu.sem_alloc : memref<!tpu.dma_semaphore, #tpu.memory_space<semaphore_mem>>
        %dma_start3A_22 = tpu.memref_slice %arg4[%multiple_of3A] : memref<320000xi32, #tpu.memory_space<hbm>> -> memref<80xi32, #tpu.memory_space<hbm>>
        %dma_start3A_23 = tpu.memref_slice %arg4[%multiple_of3A] : memref<320000xi32, #tpu.memory_space<hbm>> -> memref<80xi32, #tpu.memory_space<hbm>>
        tpu.enqueue_dma source(%dma_start3A_23 : memref<80xi32, #tpu.memory_space<hbm>>) target(%arg8 : memref<80xi32, #tpu.memory_space<vmem>>) target_semaphore(%run_scoped3A : memref<!tpu.dma_semaphore, #tpu.memory_space<semaphore_mem>>)
        %dma_wait3A_24 = tpu.memref_slice %arg4[%multiple_of3A] : memref<320000xi32, #tpu.memory_space<hbm>> -> memref<80xi32, #tpu.memory_space<hbm>>
        %dma_wait3A_25 = tpu.memref_slice %arg4[%multiple_of3A] : memref<320000xi32, #tpu.memory_space<hbm>> -> memref<80xi32, #tpu.memory_space<hbm>>
        tpu.wait_dma2 semaphore(%run_scoped3A : memref<!tpu.dma_semaphore, #tpu.memory_space<semaphore_mem>>) src(%dma_wait3A_25 : memref<80xi32, #tpu.memory_space<hbm>>) dst(%arg8 : memref<80xi32, #tpu.memory_space<vmem>>)
        tpu.yield
      }) : () -> ()
      "tpu.region"() ({
        %run_scoped3A = tpu.sem_alloc : memref<!tpu.dma_semaphore, #tpu.memory_space<semaphore_mem>>
        %dma_start3A_22 = tpu.memref_slice %arg5[%multiple_of3A] : memref<320000xi32, #tpu.memory_space<hbm>> -> memref<80xi32, #tpu.memory_space<hbm>>
        %dma_start3A_23 = tpu.memref_slice %arg5[%multiple_of3A] : memref<320000xi32, #tpu.memory_space<hbm>> -> memref<80xi32, #tpu.memory_space<hbm>>
        tpu.enqueue_dma source(%dma_start3A_23 : memref<80xi32, #tpu.memory_space<hbm>>) target(%arg9 : memref<80xi32, #tpu.memory_space<vmem>>) target_semaphore(%run_scoped3A : memref<!tpu.dma_semaphore, #tpu.memory_space<semaphore_mem>>)
        %dma_wait3A_24 = tpu.memref_slice %arg5[%multiple_of3A] : memref<320000xi32, #tpu.memory_space<hbm>> -> memref<80xi32, #tpu.memory_space<hbm>>
        %dma_wait3A_25 = tpu.memref_slice %arg5[%multiple_of3A] : memref<320000xi32, #tpu.memory_space<hbm>> -> memref<80xi32, #tpu.memory_space<hbm>>
        tpu.wait_dma2 semaphore(%run_scoped3A : memref<!tpu.dma_semaphore, #tpu.memory_space<semaphore_mem>>) src(%dma_wait3A_25 : memref<80xi32, #tpu.memory_space<hbm>>) dst(%arg9 : memref<80xi32, #tpu.memory_space<vmem>>)
        tpu.yield
      }) : () -> ()
      %dma_start3A = arith.constant 0 : i32
      %dma_start3A_12 = arith.constant 0 : i32
      %dma_start3A_13 = tpu.memref_slice %arg2[%dma_start3A, %dma_start3A_12] : memref<10000x128xf32, #tpu.memory_space<hbm>> -> memref<10000x128xf32, #tpu.memory_space<hbm>>
      tpu.enqueue_indirect_dma source(%dma_start3A_13 : memref<10000x128xf32, #tpu.memory_space<hbm>>) target(%arg10 : memref<80x128xf32, #tpu.memory_space<vmem>>) offsets(%arg8 : memref<80xi32, #tpu.memory_space<vmem>>) semaphore(%arg12 : memref<!tpu.dma_semaphore, #tpu.memory_space<semaphore_mem>>)
      %dma_start3A_14 = arith.constant 0 : i32
      %dma_start3A_15 = arith.constant 0 : i32
      %dma_start3A_16 = tpu.memref_slice %arg3[%dma_start3A_14, %dma_start3A_15] : memref<10000x128xf32, #tpu.memory_space<hbm>> -> memref<10000x128xf32, #tpu.memory_space<hbm>>
      tpu.enqueue_indirect_dma source(%dma_start3A_16 : memref<10000x128xf32, #tpu.memory_space<hbm>>) target(%arg11 : memref<80x128xf32, #tpu.memory_space<vmem>>) offsets(%arg9 : memref<80xi32, #tpu.memory_space<vmem>>) semaphore(%arg13 : memref<!tpu.dma_semaphore, #tpu.memory_space<semaphore_mem>>)
      %dma_wait3A = arith.constant 0 : i32
      %dma_wait3A_17 = arith.constant 0 : i32
      %dma_wait3A_18 = tpu.memref_slice %arg2[%dma_wait3A, %dma_wait3A_17] : memref<10000x128xf32, #tpu.memory_space<hbm>> -> memref<10000x128xf32, #tpu.memory_space<hbm>>
      tpu.wait_indirect_dma semaphore(%arg12 : memref<!tpu.dma_semaphore, #tpu.memory_space<semaphore_mem>>) src(%dma_wait3A_18 : memref<10000x128xf32, #tpu.memory_space<hbm>>) dst(%arg10 : memref<80x128xf32, #tpu.memory_space<vmem>>)
      "tpu.region"() ({
        %run_scoped3A = tpu.sem_alloc : memref<!tpu.dma_semaphore, #tpu.memory_space<semaphore_mem>>
        %dma_start3A_22 = arith.constant 0 : i32
        %dma_start3A_23 = tpu.memref_slice %arg6[%multiple_of3A, %dma_start3A_22] : memref<320000x128xf32, #tpu.memory_space<hbm>> -> memref<80x128xf32, #tpu.memory_space<hbm>>
        %dma_start3A_24 = arith.constant 0 : i32
        %dma_start3A_25 = tpu.memref_slice %arg6[%multiple_of3A, %dma_start3A_24] : memref<320000x128xf32, #tpu.memory_space<hbm>> -> memref<80x128xf32, #tpu.memory_space<hbm>>
        tpu.enqueue_dma source(%arg10 : memref<80x128xf32, #tpu.memory_space<vmem>>) target(%dma_start3A_25 : memref<80x128xf32, #tpu.memory_space<hbm>>) target_semaphore(%run_scoped3A : memref<!tpu.dma_semaphore, #tpu.memory_space<semaphore_mem>>)
        %dma_wait3A_26 = arith.constant 0 : i32
        %dma_wait3A_27 = tpu.memref_slice %arg6[%multiple_of3A, %dma_wait3A_26] : memref<320000x128xf32, #tpu.memory_space<hbm>> -> memref<80x128xf32, #tpu.memory_space<hbm>>
        %dma_wait3A_28 = arith.constant 0 : i32
        %dma_wait3A_29 = tpu.memref_slice %arg6[%multiple_of3A, %dma_wait3A_28] : memref<320000x128xf32, #tpu.memory_space<hbm>> -> memref<80x128xf32, #tpu.memory_space<hbm>>
        tpu.wait_dma2 semaphore(%run_scoped3A : memref<!tpu.dma_semaphore, #tpu.memory_space<semaphore_mem>>) src(%arg10 : memref<80x128xf32, #tpu.memory_space<vmem>>) dst(%dma_wait3A_29 : memref<80x128xf32, #tpu.memory_space<hbm>>)
        tpu.yield
      }) : () -> ()
      %dma_wait3A_19 = arith.constant 0 : i32
      %dma_wait3A_20 = arith.constant 0 : i32
      %dma_wait3A_21 = tpu.memref_slice %arg3[%dma_wait3A_19, %dma_wait3A_20] : memref<10000x128xf32, #tpu.memory_space<hbm>> -> memref<10000x128xf32, #tpu.memory_space<hbm>>
      tpu.wait_indirect_dma semaphore(%arg13 : memref<!tpu.dma_semaphore, #tpu.memory_space<semaphore_mem>>) src(%dma_wait3A_21 : memref<10000x128xf32, #tpu.memory_space<hbm>>) dst(%arg11 : memref<80x128xf32, #tpu.memory_space<vmem>>)
      "tpu.region"() ({
        %run_scoped3A = tpu.sem_alloc : memref<!tpu.dma_semaphore, #tpu.memory_space<semaphore_mem>>
        %dma_start3A_22 = arith.constant 0 : i32
        %dma_start3A_23 = tpu.memref_slice %arg7[%multiple_of3A, %dma_start3A_22] : memref<320000x128xf32, #tpu.memory_space<hbm>> -> memref<80x128xf32, #tpu.memory_space<hbm>>
        %dma_start3A_24 = arith.constant 0 : i32
        %dma_start3A_25 = tpu.memref_slice %arg7[%multiple_of3A, %dma_start3A_24] : memref<320000x128xf32, #tpu.memory_space<hbm>> -> memref<80x128xf32, #tpu.memory_space<hbm>>
        tpu.enqueue_dma source(%arg11 : memref<80x128xf32, #tpu.memory_space<vmem>>) target(%dma_start3A_25 : memref<80x128xf32, #tpu.memory_space<hbm>>) target_semaphore(%run_scoped3A : memref<!tpu.dma_semaphore, #tpu.memory_space<semaphore_mem>>)
        %dma_wait3A_26 = arith.constant 0 : i32
        %dma_wait3A_27 = tpu.memref_slice %arg7[%multiple_of3A, %dma_wait3A_26] : memref<320000x128xf32, #tpu.memory_space<hbm>> -> memref<80x128xf32, #tpu.memory_space<hbm>>
        %dma_wait3A_28 = arith.constant 0 : i32
        %dma_wait3A_29 = tpu.memref_slice %arg7[%multiple_of3A, %dma_wait3A_28] : memref<320000x128xf32, #tpu.memory_space<hbm>> -> memref<80x128xf32, #tpu.memory_space<hbm>>
        tpu.wait_dma2 semaphore(%run_scoped3A : memref<!tpu.dma_semaphore, #tpu.memory_space<semaphore_mem>>) src(%arg11 : memref<80x128xf32, #tpu.memory_space<vmem>>) dst(%dma_wait3A_29 : memref<80x128xf32, #tpu.memory_space<hbm>>)
        tpu.yield
      }) : () -> ()
    }
    %scan3A_7 = arith.constant 125 : i32
    return
  }
}

#map = affine_map<(d0, d1) -> (0, 0)>
#map1 = affine_map<(d0, d1) -> (0)>
module attributes {stable_mosaic.version = 14 : i64} {
  func.func @_gather_kernel_body(%arg0: i32, %arg1: i32, %arg2: memref<10000x128xf32, #tpu.memory_space<hbm>>, %arg3: memref<10000x128xf32, #tpu.memory_space<hbm>>, %arg4: memref<320000xi32, #tpu.memory_space<hbm>>, %arg5: memref<320000xi32, #tpu.memory_space<hbm>>, %arg6: memref<320000x128xf32, #tpu.memory_space<hbm>>, %arg7: memref<320000x128xf32, #tpu.memory_space<hbm>>, %arg8: memref<80xi32, #tpu.memory_space<vmem>>, %arg9: memref<80xi32, #tpu.memory_space<vmem>>, %arg10: memref<80x128xf32, #tpu.memory_space<vmem>>, %arg11: memref<80x128xf32, #tpu.memory_space<vmem>>, %arg12: memref<!tpu.dma_semaphore, #tpu.memory_space<semaphore_mem>>, %arg13: memref<!tpu.dma_semaphore, #tpu.memory_space<semaphore_mem>>) attributes {dimension_semantics = [#tpu.dimension_semantics<core_parallel>, #tpu.dimension_semantics<subcore_parallel>], iteration_bounds = array<i64: 2, 16>, scalar_prefetch = 0 : i64, scratch_operands = 6 : i64, tpu.core_type = #tpu.core_type<sc_vector_subcore>, window_params = [{transform_indices = #map}, {transform_indices = #map}, {transform_indices = #map1}, {transform_indices = #map1}, {transform_indices = #map}, {transform_indices = #map}]} {
    %mul3A = arith.constant 2 : i32
    %mul3A_0 = arith.muli %arg1, %mul3A : i32
    %add3A = arith.addi %mul3A_0, %arg0 : i32
    %mul3A_1 = arith.constant 10000 : i32
    %mul3A_2 = arith.muli %add3A, %mul3A_1 : i32
    %scan3A = arith.constant 0 : i32
    %scan3A_3 = arith.constant 0 : i32
    %scan3A_4 = arith.constant 125 : i32
    %scan3A_5 = arith.addi %scan3A_3, %scan3A_4 : i32
    %scan3A_6 = arith.constant 1 : i32
    scf.for %scan3A_8 = %scan3A_3 to %scan3A_5 step %scan3A_6  : i32 {
      %mul3A_9 = arith.constant 80 : i32
      %mul3A_10 = arith.muli %scan3A_8, %mul3A_9 : i32
      %add3A_11 = arith.addi %mul3A_2, %mul3A_10 : i32
      %multiple_of3A = tpu.assume_multiple %add3A_11, 8 : i32
      "tpu.region"() ({
        %run_scoped3A = tpu.sem_alloc : memref<!tpu.dma_semaphore, #tpu.memory_space<semaphore_mem>>
        %dma_start3A_22 = tpu.memref_slice %arg4[%multiple_of3A] : memref<320000xi32, #tpu.memory_space<hbm>> -> memref<80xi32, #tpu.memory_space<hbm>>
        %dma_start3A_23 = tpu.memref_slice %arg4[%multiple_of3A] : memref<320000xi32, #tpu.memory_space<hbm>> -> memref<80xi32, #tpu.memory_space<hbm>>
        tpu.enqueue_dma source(%dma_start3A_23 : memref<80xi32, #tpu.memory_space<hbm>>) target(%arg8 : memref<80xi32, #tpu.memory_space<vmem>>) target_semaphore(%run_scoped3A : memref<!tpu.dma_semaphore, #tpu.memory_space<semaphore_mem>>)
        %dma_wait3A_24 = tpu.memref_slice %arg4[%multiple_of3A] : memref<320000xi32, #tpu.memory_space<hbm>> -> memref<80xi32, #tpu.memory_space<hbm>>
        %dma_wait3A_25 = tpu.memref_slice %arg4[%multiple_of3A] : memref<320000xi32, #tpu.memory_space<hbm>> -> memref<80xi32, #tpu.memory_space<hbm>>
        tpu.wait_dma2 semaphore(%run_scoped3A : memref<!tpu.dma_semaphore, #tpu.memory_space<semaphore_mem>>) src(%dma_wait3A_25 : memref<80xi32, #tpu.memory_space<hbm>>) dst(%arg8 : memref<80xi32, #tpu.memory_space<vmem>>)
        tpu.yield
      }) : () -> ()
      "tpu.region"() ({
        %run_scoped3A = tpu.sem_alloc : memref<!tpu.dma_semaphore, #tpu.memory_space<semaphore_mem>>
        %dma_start3A_22 = tpu.memref_slice %arg5[%multiple_of3A] : memref<320000xi32, #tpu.memory_space<hbm>> -> memref<80xi32, #tpu.memory_space<hbm>>
        %dma_start3A_23 = tpu.memref_slice %arg5[%multiple_of3A] : memref<320000xi32, #tpu.memory_space<hbm>> -> memref<80xi32, #tpu.memory_space<hbm>>
        tpu.enqueue_dma source(%dma_start3A_23 : memref<80xi32, #tpu.memory_space<hbm>>) target(%arg9 : memref<80xi32, #tpu.memory_space<vmem>>) target_semaphore(%run_scoped3A : memref<!tpu.dma_semaphore, #tpu.memory_space<semaphore_mem>>)
        %dma_wait3A_24 = tpu.memref_slice %arg5[%multiple_of3A] : memref<320000xi32, #tpu.memory_space<hbm>> -> memref<80xi32, #tpu.memory_space<hbm>>
        %dma_wait3A_25 = tpu.memref_slice %arg5[%multiple_of3A] : memref<320000xi32, #tpu.memory_space<hbm>> -> memref<80xi32, #tpu.memory_space<hbm>>
        tpu.wait_dma2 semaphore(%run_scoped3A : memref<!tpu.dma_semaphore, #tpu.memory_space<semaphore_mem>>) src(%dma_wait3A_25 : memref<80xi32, #tpu.memory_space<hbm>>) dst(%arg9 : memref<80xi32, #tpu.memory_space<vmem>>)
        tpu.yield
      }) : () -> ()
      %dma_start3A = arith.constant 0 : i32
      %dma_start3A_12 = arith.constant 0 : i32
      %dma_start3A_13 = tpu.memref_slice %arg2[%dma_start3A, %dma_start3A_12] : memref<10000x128xf32, #tpu.memory_space<hbm>> -> memref<10000x128xf32, #tpu.memory_space<hbm>>
      tpu.enqueue_indirect_dma source(%dma_start3A_13 : memref<10000x128xf32, #tpu.memory_space<hbm>>) target(%arg10 : memref<80x128xf32, #tpu.memory_space<vmem>>) offsets(%arg8 : memref<80xi32, #tpu.memory_space<vmem>>) semaphore(%arg12 : memref<!tpu.dma_semaphore, #tpu.memory_space<semaphore_mem>>)
      %dma_start3A_14 = arith.constant 0 : i32
      %dma_start3A_15 = arith.constant 0 : i32
      %dma_start3A_16 = tpu.memref_slice %arg3[%dma_start3A_14, %dma_start3A_15] : memref<10000x128xf32, #tpu.memory_space<hbm>> -> memref<10000x128xf32, #tpu.memory_space<hbm>>
      tpu.enqueue_indirect_dma source(%dma_start3A_16 : memref<10000x128xf32, #tpu.memory_space<hbm>>) target(%arg11 : memref<80x128xf32, #tpu.memory_space<vmem>>) offsets(%arg9 : memref<80xi32, #tpu.memory_space<vmem>>) semaphore(%arg13 : memref<!tpu.dma_semaphore, #tpu.memory_space<semaphore_mem>>)
      %dma_wait3A = arith.constant 0 : i32
      %dma_wait3A_17 = arith.constant 0 : i32
      %dma_wait3A_18 = tpu.memref_slice %arg2[%dma_wait3A, %dma_wait3A_17] : memref<10000x128xf32, #tpu.memory_space<hbm>> -> memref<10000x128xf32, #tpu.memory_space<hbm>>
      tpu.wait_indirect_dma semaphore(%arg12 : memref<!tpu.dma_semaphore, #tpu.memory_space<semaphore_mem>>) src(%dma_wait3A_18 : memref<10000x128xf32, #tpu.memory_space<hbm>>) dst(%arg10 : memref<80x128xf32, #tpu.memory_space<vmem>>)
      "tpu.region"() ({
        %run_scoped3A = tpu.sem_alloc : memref<!tpu.dma_semaphore, #tpu.memory_space<semaphore_mem>>
        %dma_start3A_22 = arith.constant 0 : i32
        %dma_start3A_23 = tpu.memref_slice %arg6[%multiple_of3A, %dma_start3A_22] : memref<320000x128xf32, #tpu.memory_space<hbm>> -> memref<80x128xf32, #tpu.memory_space<hbm>>
        %dma_start3A_24 = arith.constant 0 : i32
        %dma_start3A_25 = tpu.memref_slice %arg6[%multiple_of3A, %dma_start3A_24] : memref<320000x128xf32, #tpu.memory_space<hbm>> -> memref<80x128xf32, #tpu.memory_space<hbm>>
        tpu.enqueue_dma source(%arg10 : memref<80x128xf32, #tpu.memory_space<vmem>>) target(%dma_start3A_25 : memref<80x128xf32, #tpu.memory_space<hbm>>) target_semaphore(%run_scoped3A : memref<!tpu.dma_semaphore, #tpu.memory_space<semaphore_mem>>)
        %dma_wait3A_26 = arith.constant 0 : i32
        %dma_wait3A_27 = tpu.memref_slice %arg6[%multiple_of3A, %dma_wait3A_26] : memref<320000x128xf32, #tpu.memory_space<hbm>> -> memref<80x128xf32, #tpu.memory_space<hbm>>
        %dma_wait3A_28 = arith.constant 0 : i32
        %dma_wait3A_29 = tpu.memref_slice %arg6[%multiple_of3A, %dma_wait3A_28] : memref<320000x128xf32, #tpu.memory_space<hbm>> -> memref<80x128xf32, #tpu.memory_space<hbm>>
        tpu.wait_dma2 semaphore(%run_scoped3A : memref<!tpu.dma_semaphore, #tpu.memory_space<semaphore_mem>>) src(%arg10 : memref<80x128xf32, #tpu.memory_space<vmem>>) dst(%dma_wait3A_29 : memref<80x128xf32, #tpu.memory_space<hbm>>)
        tpu.yield
      }) : () -> ()
      %dma_wait3A_19 = arith.constant 0 : i32
      %dma_wait3A_20 = arith.constant 0 : i32
      %dma_wait3A_21 = tpu.memref_slice %arg3[%dma_wait3A_19, %dma_wait3A_20] : memref<10000x128xf32, #tpu.memory_space<hbm>> -> memref<10000x128xf32, #tpu.memory_space<hbm>>
      tpu.wait_indirect_dma semaphore(%arg13 : memref<!tpu.dma_semaphore, #tpu.memory_space<semaphore_mem>>) src(%dma_wait3A_21 : memref<10000x128xf32, #tpu.memory_space<hbm>>) dst(%arg11 : memref<80x128xf32, #tpu.memory_space<vmem>>)
      "tpu.region"() ({
        %run_scoped3A = tpu.sem_alloc : memref<!tpu.dma_semaphore, #tpu.memory_space<semaphore_mem>>
        %dma_start3A_22 = arith.constant 0 : i32
        %dma_start3A_23 = tpu.memref_slice %arg7[%multiple_of3A, %dma_start3A_22] : memref<320000x128xf32, #tpu.memory_space<hbm>> -> memref<80x128xf32, #tpu.memory_space<hbm>>
        %dma_start3A_24 = arith.constant 0 : i32
        %dma_start3A_25 = tpu.memref_slice %arg7[%multiple_of3A, %dma_start3A_24] : memref<320000x128xf32, #tpu.memory_space<hbm>> -> memref<80x128xf32, #tpu.memory_space<hbm>>
        tpu.enqueue_dma source(%arg11 : memref<80x128xf32, #tpu.memory_space<vmem>>) target(%dma_start3A_25 : memref<80x128xf32, #tpu.memory_space<hbm>>) target_semaphore(%run_scoped3A : memref<!tpu.dma_semaphore, #tpu.memory_space<semaphore_mem>>)
        %dma_wait3A_26 = arith.constant 0 : i32
        %dma_wait3A_27 = tpu.memref_slice %arg7[%multiple_of3A, %dma_wait3A_26] : memref<320000x128xf32, #tpu.memory_space<hbm>> -> memref<80x128xf32, #tpu.memory_space<hbm>>
        %dma_wait3A_28 = arith.constant 0 : i32
        %dma_wait3A_29 = tpu.memref_slice %arg7[%multiple_of3A, %dma_wait3A_28] : memref<320000x128xf32, #tpu.memory_space<hbm>> -> memref<80x128xf32, #tpu.memory_space<hbm>>
        tpu.wait_dma2 semaphore(%run_scoped3A : memref<!tpu.dma_semaphore, #tpu.memory_space<semaphore_mem>>) src(%arg11 : memref<80x128xf32, #tpu.memory_space<vmem>>) dst(%dma_wait3A_29 : memref<80x128xf32, #tpu.memory_space<hbm>>)
        tpu.yield
      }) : () -> ()
    }
    %scan3A_7 = arith.constant 125 : i32
    return
  }
}

#map = affine_map<(d0, d1) -> (0, 0)>
#map1 = affine_map<(d0, d1) -> (0)>
#map2 = affine_map<(d0, d1) -> (0, 0, 0)>
module attributes {stable_mosaic.version = 14 : i64} {
  func.func @_scatter_add_body(%arg0: i32, %arg1: i32, %arg2: memref<320000x128xf32, #tpu.memory_space<hbm>>, %arg3: memref<320000xi32, #tpu.memory_space<hbm>>, %arg4: memref<640x128xf32, #tpu.memory_space<hbm>>, %arg5: memref<2x10240x128xf32, #tpu.memory_space<hbm>>, %arg6: memref<80xi32, #tpu.memory_space<vmem>>, %arg7: memref<80x128xf32, #tpu.memory_space<vmem>>, %arg8: memref<10240x128xf32, #tpu.memory_space<vmem_shared>>) attributes {dimension_semantics = [#tpu.dimension_semantics<core_parallel>, #tpu.dimension_semantics<subcore_parallel>], iteration_bounds = array<i64: 2, 16>, scalar_prefetch = 0 : i64, scratch_operands = 3 : i64, tpu.core_type = #tpu.core_type<sc_vector_subcore>, window_params = [{transform_indices = #map}, {transform_indices = #map1}, {transform_indices = #map}, {transform_indices = #map2}]} {
    %mul3A = arith.constant 2 : i32
    %mul3A_0 = arith.muli %arg1, %mul3A : i32
    %add3A = arith.addi %mul3A_0, %arg0 : i32
    %mul3A_1 = arith.constant 10000 : i32
    %mul3A_2 = arith.muli %add3A, %mul3A_1 : i32
    %mul3A_3 = arith.constant 640 : i32
    %mul3A_4 = arith.muli %arg1, %mul3A_3 : i32
    "tpu.region"() ({
      %run_scoped3A = tpu.sem_alloc : memref<!tpu.dma_semaphore, #tpu.memory_space<semaphore_mem>>
      %dma_start3A = arith.constant 0 : i32
      %dma_start3A_15 = tpu.memref_slice %arg8[%mul3A_4, %dma_start3A] : memref<10240x128xf32, #tpu.memory_space<vmem_shared>> -> memref<640x128xf32, #tpu.memory_space<vmem_shared>>
      tpu.enqueue_dma source(%arg4 : memref<640x128xf32, #tpu.memory_space<hbm>>) target(%dma_start3A_15 : memref<640x128xf32, #tpu.memory_space<vmem_shared>>) target_semaphore(%run_scoped3A : memref<!tpu.dma_semaphore, #tpu.memory_space<semaphore_mem>>)
      %dma_wait3A = arith.constant 0 : i32
      %dma_wait3A_16 = tpu.memref_slice %arg8[%mul3A_4, %dma_wait3A] : memref<10240x128xf32, #tpu.memory_space<vmem_shared>> -> memref<640x128xf32, #tpu.memory_space<vmem_shared>>
      tpu.wait_dma2 semaphore(%run_scoped3A : memref<!tpu.dma_semaphore, #tpu.memory_space<semaphore_mem>>) src(%arg4 : memref<640x128xf32, #tpu.memory_space<hbm>>) dst(%dma_wait3A_16 : memref<640x128xf32, #tpu.memory_space<vmem_shared>>)
      tpu.yield
    }) : () -> ()
    %barrier3A = arith.constant 0 : index
    tpu.barrier barrier_id(%barrier3A)
    %scan3A = arith.constant 0 : i32
    %scan3A_5 = arith.constant 0 : i32
    %scan3A_6 = arith.constant 125 : i32
    %scan3A_7 = arith.addi %scan3A_5, %scan3A_6 : i32
    %scan3A_8 = arith.constant 1 : i32
    scf.for %scan3A_15 = %scan3A_5 to %scan3A_7 step %scan3A_8  : i32 {
      %mul3A_16 = arith.constant 80 : i32
      %mul3A_17 = arith.muli %scan3A_15, %mul3A_16 : i32
      %add3A_18 = arith.addi %mul3A_2, %mul3A_17 : i32
      %multiple_of3A = tpu.assume_multiple %add3A_18, 8 : i32
      "tpu.region"() ({
        %run_scoped3A = tpu.sem_alloc : memref<!tpu.dma_semaphore, #tpu.memory_space<semaphore_mem>>
        %dma_start3A = tpu.memref_slice %arg3[%multiple_of3A] : memref<320000xi32, #tpu.memory_space<hbm>> -> memref<80xi32, #tpu.memory_space<hbm>>
        %dma_start3A_19 = tpu.memref_slice %arg3[%multiple_of3A] : memref<320000xi32, #tpu.memory_space<hbm>> -> memref<80xi32, #tpu.memory_space<hbm>>
        tpu.enqueue_dma source(%dma_start3A_19 : memref<80xi32, #tpu.memory_space<hbm>>) target(%arg6 : memref<80xi32, #tpu.memory_space<vmem>>) target_semaphore(%run_scoped3A : memref<!tpu.dma_semaphore, #tpu.memory_space<semaphore_mem>>)
        %dma_wait3A = tpu.memref_slice %arg3[%multiple_of3A] : memref<320000xi32, #tpu.memory_space<hbm>> -> memref<80xi32, #tpu.memory_space<hbm>>
        %dma_wait3A_20 = tpu.memref_slice %arg3[%multiple_of3A] : memref<320000xi32, #tpu.memory_space<hbm>> -> memref<80xi32, #tpu.memory_space<hbm>>
        tpu.wait_dma2 semaphore(%run_scoped3A : memref<!tpu.dma_semaphore, #tpu.memory_space<semaphore_mem>>) src(%dma_wait3A_20 : memref<80xi32, #tpu.memory_space<hbm>>) dst(%arg6 : memref<80xi32, #tpu.memory_space<vmem>>)
        tpu.yield
      }) : () -> ()
      "tpu.region"() ({
        %run_scoped3A = tpu.sem_alloc : memref<!tpu.dma_semaphore, #tpu.memory_space<semaphore_mem>>
        %dma_start3A = arith.constant 0 : i32
        %dma_start3A_19 = tpu.memref_slice %arg2[%multiple_of3A, %dma_start3A] : memref<320000x128xf32, #tpu.memory_space<hbm>> -> memref<80x128xf32, #tpu.memory_space<hbm>>
        %dma_start3A_20 = arith.constant 0 : i32
        %dma_start3A_21 = tpu.memref_slice %arg2[%multiple_of3A, %dma_start3A_20] : memref<320000x128xf32, #tpu.memory_space<hbm>> -> memref<80x128xf32, #tpu.memory_space<hbm>>
        tpu.enqueue_dma source(%dma_start3A_21 : memref<80x128xf32, #tpu.memory_space<hbm>>) target(%arg7 : memref<80x128xf32, #tpu.memory_space<vmem>>) target_semaphore(%run_scoped3A : memref<!tpu.dma_semaphore, #tpu.memory_space<semaphore_mem>>)
        %dma_wait3A = arith.constant 0 : i32
        %dma_wait3A_22 = tpu.memref_slice %arg2[%multiple_of3A, %dma_wait3A] : memref<320000x128xf32, #tpu.memory_space<hbm>> -> memref<80x128xf32, #tpu.memory_space<hbm>>
        %dma_wait3A_23 = arith.constant 0 : i32
        %dma_wait3A_24 = tpu.memref_slice %arg2[%multiple_of3A, %dma_wait3A_23] : memref<320000x128xf32, #tpu.memory_space<hbm>> -> memref<80x128xf32, #tpu.memory_space<hbm>>
        tpu.wait_dma2 semaphore(%run_scoped3A : memref<!tpu.dma_semaphore, #tpu.memory_space<semaphore_mem>>) src(%dma_wait3A_24 : memref<80x128xf32, #tpu.memory_space<hbm>>) dst(%arg7 : memref<80x128xf32, #tpu.memory_space<vmem>>)
        tpu.yield
      }) : () -> ()
      "tpu.region"() ({
        %run_scoped3A = tpu.sem_alloc : memref<!tpu.dma_semaphore, #tpu.memory_space<semaphore_mem>>
        %dma_start3A = arith.constant 0 : i32
        %dma_start3A_19 = arith.constant 0 : i32
        %dma_start3A_20 = tpu.memref_slice %arg8[%dma_start3A, %dma_start3A_19] : memref<10240x128xf32, #tpu.memory_space<vmem_shared>> -> memref<10240x128xf32, #tpu.memory_space<vmem_shared>>
        tpu.enqueue_indirect_dma source(%arg7 : memref<80x128xf32, #tpu.memory_space<vmem>>) target(%dma_start3A_20 : memref<10240x128xf32, #tpu.memory_space<vmem_shared>>) offsets(%arg6 : memref<80xi32, #tpu.memory_space<vmem>>) semaphore(%run_scoped3A : memref<!tpu.dma_semaphore, #tpu.memory_space<semaphore_mem>>) {add = true}
        %dma_wait3A = arith.constant 0 : i32
        %dma_wait3A_21 = arith.constant 0 : i32
        %dma_wait3A_22 = tpu.memref_slice %arg8[%dma_wait3A, %dma_wait3A_21] : memref<10240x128xf32, #tpu.memory_space<vmem_shared>> -> memref<10240x128xf32, #tpu.memory_space<vmem_shared>>
        tpu.wait_indirect_dma semaphore(%run_scoped3A : memref<!tpu.dma_semaphore, #tpu.memory_space<semaphore_mem>>) src(%arg7 : memref<80x128xf32, #tpu.memory_space<vmem>>) dst(%dma_wait3A_22 : memref<10240x128xf32, #tpu.memory_space<vmem_shared>>)
        tpu.yield
      }) : () -> ()
    }
    %scan3A_9 = arith.constant 125 : i32
    %barrier3A_10 = arith.constant 0 : index
    tpu.barrier barrier_id(%barrier3A_10)
    %mul3A_11 = arith.constant 640 : i32
    %mul3A_12 = arith.muli %arg1, %mul3A_11 : i32
    %mul3A_13 = arith.constant 640 : i32
    %mul3A_14 = arith.muli %arg1, %mul3A_13 : i32
    "tpu.region"() ({
      %run_scoped3A = tpu.sem_alloc : memref<!tpu.dma_semaphore, #tpu.memory_space<semaphore_mem>>
      %dma_start3A = arith.constant 0 : i32
      %dma_start3A_15 = tpu.memref_slice %arg5[%arg0, %mul3A_14, %dma_start3A] : memref<2x10240x128xf32, #tpu.memory_space<hbm>> -> memref<1x640x128xf32, #tpu.memory_space<hbm>>
      %dma_start3A_16 = tpu.memref_squeeze %dma_start3A_15 : memref<1x640x128xf32, #tpu.memory_space<hbm>> -> memref<640x128xf32, #tpu.memory_space<hbm>>
      %dma_start3A_17 = arith.constant 0 : i32
      %dma_start3A_18 = tpu.memref_slice %arg8[%mul3A_12, %dma_start3A_17] : memref<10240x128xf32, #tpu.memory_space<vmem_shared>> -> memref<640x128xf32, #tpu.memory_space<vmem_shared>>
      tpu.enqueue_dma source(%dma_start3A_18 : memref<640x128xf32, #tpu.memory_space<vmem_shared>>) target(%dma_start3A_16 : memref<640x128xf32, #tpu.memory_space<hbm>>) target_semaphore(%run_scoped3A : memref<!tpu.dma_semaphore, #tpu.memory_space<semaphore_mem>>)
      %dma_wait3A = arith.constant 0 : i32
      %dma_wait3A_19 = tpu.memref_slice %arg5[%arg0, %mul3A_14, %dma_wait3A] : memref<2x10240x128xf32, #tpu.memory_space<hbm>> -> memref<1x640x128xf32, #tpu.memory_space<hbm>>
      %dma_wait3A_20 = tpu.memref_squeeze %dma_wait3A_19 : memref<1x640x128xf32, #tpu.memory_space<hbm>> -> memref<640x128xf32, #tpu.memory_space<hbm>>
      %dma_wait3A_21 = arith.constant 0 : i32
      %dma_wait3A_22 = tpu.memref_slice %arg8[%mul3A_12, %dma_wait3A_21] : memref<10240x128xf32, #tpu.memory_space<vmem_shared>> -> memref<640x128xf32, #tpu.memory_space<vmem_shared>>
      tpu.wait_dma2 semaphore(%run_scoped3A : memref<!tpu.dma_semaphore, #tpu.memory_space<semaphore_mem>>) src(%dma_wait3A_22 : memref<640x128xf32, #tpu.memory_space<vmem_shared>>) dst(%dma_wait3A_20 : memref<640x128xf32, #tpu.memory_space<hbm>>)
      tpu.yield
    }) : () -> ()
    return
  }
}

module attributes {stable_mosaic.version = 14 : i64} {
  func.func @_bnmm_body(%arg0: memref<10000x128xf32, #tpu.memory_space<vmem>>, %arg1: memref<1x128xf32, #tpu.memory_space<vmem>>, %arg2: memref<1x128xf32, #tpu.memory_space<vmem>>, %arg3: memref<1x128xf32, #tpu.memory_space<vmem>>, %arg4: memref<1x128xf32, #tpu.memory_space<vmem>>, %arg5: memref<128x256xf32, #tpu.memory_space<vmem>>, %arg6: memref<10000x256xf32, #tpu.memory_space<vmem>>) attributes {dimension_semantics = [], scalar_prefetch = 0 : i64, scratch_operands = 0 : i64, tpu.core_type = #tpu.core_type<tc>} {
    %get3A = arith.constant 0 : index
    %get3A_0 = arith.constant 0 : index
    %get3A_1 = vector.load %arg0[%get3A, %get3A_0] : memref<10000x128xf32, #tpu.memory_space<vmem>>, vector<10000x128xf32>
    %get3A_2 = arith.constant 0 : index
    %get3A_3 = arith.constant 0 : index
    %get3A_4 = vector.load %arg1[%get3A_2, %get3A_3] : memref<1x128xf32, #tpu.memory_space<vmem>>, vector<1x128xf32>
    %get3A_5 = arith.constant 0 : index
    %get3A_6 = arith.constant 0 : index
    %get3A_7 = vector.load %arg2[%get3A_5, %get3A_6] : memref<1x128xf32, #tpu.memory_space<vmem>>, vector<1x128xf32>
    %get3A_8 = arith.constant 0 : index
    %get3A_9 = arith.constant 0 : index
    %get3A_10 = vector.load %arg3[%get3A_8, %get3A_9] : memref<1x128xf32, #tpu.memory_space<vmem>>, vector<1x128xf32>
    %get3A_11 = arith.constant 0 : index
    %get3A_12 = arith.constant 0 : index
    %get3A_13 = vector.load %arg4[%get3A_11, %get3A_12] : memref<1x128xf32, #tpu.memory_space<vmem>>, vector<1x128xf32>
    %sub3A = vector.broadcast %get3A_4 : vector<1x128xf32> to vector<10000x128xf32>
    %sub3A_14 = arith.subf %get3A_1, %sub3A : vector<10000x128xf32>
    %add3A = arith.constant 9.99999974E-6 : f32
    %add3A_15 = vector.broadcast %add3A : f32 to vector<1x128xf32>
    %add3A_16 = arith.addf %get3A_7, %add3A_15 : vector<1x128xf32>
    %sqrt3A = math.sqrt %add3A_16 : vector<1x128xf32>
    %div3A = vector.broadcast %sqrt3A : vector<1x128xf32> to vector<10000x128xf32>
    %div3A_17 = arith.divf %sub3A_14, %div3A : vector<10000x128xf32>
    %mul3A = vector.broadcast %get3A_10 : vector<1x128xf32> to vector<10000x128xf32>
    %mul3A_18 = arith.mulf %div3A_17, %mul3A : vector<10000x128xf32>
    %add3A_19 = vector.broadcast %get3A_13 : vector<1x128xf32> to vector<10000x128xf32>
    %add3A_20 = arith.addf %mul3A_18, %add3A_19 : vector<10000x128xf32>
    %get3A_21 = arith.constant 0 : index
    %get3A_22 = arith.constant 0 : index
    %get3A_23 = vector.load %arg5[%get3A_21, %get3A_22] : memref<128x256xf32, #tpu.memory_space<vmem>>, vector<128x256xf32>
    %dot_general3A = arith.constant dense<0.000000e+00> : vector<10000x256xf32>
    %dot_general3A_24 = tpu.matmul %add3A_20, %get3A_23, %dot_general3A {dimension_numbers = #tpu.dot_dimension_numbers<[1], [0], [0], [1], [0, 0, 1, 1], [], []>, transpose_lhs_hint = false} : vector<10000x128xf32>, vector<128x256xf32>, vector<10000x256xf32> -> vector<10000x256xf32>
    %swap3A = arith.constant 0 : index
    %swap3A_25 = arith.constant 0 : index
    %swap3A_26 = vector.load %arg6[%swap3A, %swap3A_25] : memref<10000x256xf32, #tpu.memory_space<vmem>>, vector<10000x256xf32>
    tpu.vector_store %arg6[%swap3A, %swap3A_25], %dot_general3A_24 {strides = array<i32>} : memref<10000x256xf32, #tpu.memory_space<vmem>>, vector<10000x256xf32>,
    return
  }
}

module attributes {stable_mosaic.version = 14 : i64} {
  func.func @_bnmm_body(%arg0: memref<10000x256xf32, #tpu.memory_space<vmem>>, %arg1: memref<1x256xf32, #tpu.memory_space<vmem>>, %arg2: memref<1x256xf32, #tpu.memory_space<vmem>>, %arg3: memref<1x256xf32, #tpu.memory_space<vmem>>, %arg4: memref<1x256xf32, #tpu.memory_space<vmem>>, %arg5: memref<256x128xf32, #tpu.memory_space<vmem>>, %arg6: memref<10000x128xf32, #tpu.memory_space<vmem>>) attributes {dimension_semantics = [], scalar_prefetch = 0 : i64, scratch_operands = 0 : i64, tpu.core_type = #tpu.core_type<tc>} {
    %get3A = arith.constant 0 : index
    %get3A_0 = arith.constant 0 : index
    %get3A_1 = vector.load %arg0[%get3A, %get3A_0] : memref<10000x256xf32, #tpu.memory_space<vmem>>, vector<10000x256xf32>
    %get3A_2 = arith.constant 0 : index
    %get3A_3 = arith.constant 0 : index
    %get3A_4 = vector.load %arg1[%get3A_2, %get3A_3] : memref<1x256xf32, #tpu.memory_space<vmem>>, vector<1x256xf32>
    %get3A_5 = arith.constant 0 : index
    %get3A_6 = arith.constant 0 : index
    %get3A_7 = vector.load %arg2[%get3A_5, %get3A_6] : memref<1x256xf32, #tpu.memory_space<vmem>>, vector<1x256xf32>
    %get3A_8 = arith.constant 0 : index
    %get3A_9 = arith.constant 0 : index
    %get3A_10 = vector.load %arg3[%get3A_8, %get3A_9] : memref<1x256xf32, #tpu.memory_space<vmem>>, vector<1x256xf32>
    %get3A_11 = arith.constant 0 : index
    %get3A_12 = arith.constant 0 : index
    %get3A_13 = vector.load %arg4[%get3A_11, %get3A_12] : memref<1x256xf32, #tpu.memory_space<vmem>>, vector<1x256xf32>
    %sub3A = vector.broadcast %get3A_4 : vector<1x256xf32> to vector<10000x256xf32>
    %sub3A_14 = arith.subf %get3A_1, %sub3A : vector<10000x256xf32>
    %add3A = arith.constant 9.99999974E-6 : f32
    %add3A_15 = vector.broadcast %add3A : f32 to vector<1x256xf32>
    %add3A_16 = arith.addf %get3A_7, %add3A_15 : vector<1x256xf32>
    %sqrt3A = math.sqrt %add3A_16 : vector<1x256xf32>
    %div3A = vector.broadcast %sqrt3A : vector<1x256xf32> to vector<10000x256xf32>
    %div3A_17 = arith.divf %sub3A_14, %div3A : vector<10000x256xf32>
    %mul3A = vector.broadcast %get3A_10 : vector<1x256xf32> to vector<10000x256xf32>
    %mul3A_18 = arith.mulf %div3A_17, %mul3A : vector<10000x256xf32>
    %add3A_19 = vector.broadcast %get3A_13 : vector<1x256xf32> to vector<10000x256xf32>
    %add3A_20 = arith.addf %mul3A_18, %add3A_19 : vector<10000x256xf32>
    %gt3A = arith.constant 0.000000e+00 : f32
    %gt3A_21 = vector.broadcast %gt3A : f32 to vector<10000x256xf32>
    %gt3A_22 = arith.cmpf ogt, %add3A_20, %gt3A_21 : vector<10000x256xf32>
    %mul3A_23 = arith.constant 2.000000e-01 : f32
    %mul3A_24 = vector.broadcast %mul3A_23 : f32 to vector<10000x256xf32>
    %mul3A_25 = arith.mulf %mul3A_24, %add3A_20 : vector<10000x256xf32>
    %select_n3A = arith.select %gt3A_22, %add3A_20, %mul3A_25 : vector<10000x256xi1>, vector<10000x256xf32>
    %get3A_26 = arith.constant 0 : index
    %get3A_27 = arith.constant 0 : index
    %get3A_28 = vector.load %arg5[%get3A_26, %get3A_27] : memref<256x128xf32, #tpu.memory_space<vmem>>, vector<256x128xf32>
    %dot_general3A = arith.constant dense<0.000000e+00> : vector<10000x128xf32>
    %dot_general3A_29 = tpu.matmul %select_n3A, %get3A_28, %dot_general3A {dimension_numbers = #tpu.dot_dimension_numbers<[1], [0], [0], [1], [0, 0, 1, 1], [], []>, transpose_lhs_hint = false} : vector<10000x256xf32>, vector<256x128xf32>, vector<10000x128xf32> -> vector<10000x128xf32>
    %swap3A = arith.constant 0 : index
    %swap3A_30 = arith.constant 0 : index
    %swap3A_31 = vector.load %arg6[%swap3A, %swap3A_30] : memref<10000x128xf32, #tpu.memory_space<vmem>>, vector<10000x128xf32>
    tpu.vector_store %arg6[%swap3A, %swap3A_30], %dot_general3A_29 {strides = array<i32>} : memref<10000x128xf32, #tpu.memory_space<vmem>>, vector<10000x128xf32>,
    return
  }
}

module attributes {stable_mosaic.version = 14 : i64} {
  func.func @_bn_only_body(%arg0: memref<10000x128xf32, #tpu.memory_space<vmem>>, %arg1: memref<1x128xf32, #tpu.memory_space<vmem>>, %arg2: memref<1x128xf32, #tpu.memory_space<vmem>>, %arg3: memref<1x128xf32, #tpu.memory_space<vmem>>, %arg4: memref<1x128xf32, #tpu.memory_space<vmem>>, %arg5: memref<10000x128xf32, #tpu.memory_space<vmem>>) attributes {dimension_semantics = [], scalar_prefetch = 0 : i64, scratch_operands = 0 : i64, tpu.core_type = #tpu.core_type<tc>} {
    %get3A = arith.constant 0 : index
    %get3A_0 = arith.constant 0 : index
    %get3A_1 = vector.load %arg0[%get3A, %get3A_0] : memref<10000x128xf32, #tpu.memory_space<vmem>>, vector<10000x128xf32>
    %get3A_2 = arith.constant 0 : index
    %get3A_3 = arith.constant 0 : index
    %get3A_4 = vector.load %arg1[%get3A_2, %get3A_3] : memref<1x128xf32, #tpu.memory_space<vmem>>, vector<1x128xf32>
    %get3A_5 = arith.constant 0 : index
    %get3A_6 = arith.constant 0 : index
    %get3A_7 = vector.load %arg2[%get3A_5, %get3A_6] : memref<1x128xf32, #tpu.memory_space<vmem>>, vector<1x128xf32>
    %get3A_8 = arith.constant 0 : index
    %get3A_9 = arith.constant 0 : index
    %get3A_10 = vector.load %arg3[%get3A_8, %get3A_9] : memref<1x128xf32, #tpu.memory_space<vmem>>, vector<1x128xf32>
    %get3A_11 = arith.constant 0 : index
    %get3A_12 = arith.constant 0 : index
    %get3A_13 = vector.load %arg4[%get3A_11, %get3A_12] : memref<1x128xf32, #tpu.memory_space<vmem>>, vector<1x128xf32>
    %sub3A = vector.broadcast %get3A_4 : vector<1x128xf32> to vector<10000x128xf32>
    %sub3A_14 = arith.subf %get3A_1, %sub3A : vector<10000x128xf32>
    %add3A = arith.constant 9.99999974E-6 : f32
    %add3A_15 = vector.broadcast %add3A : f32 to vector<1x128xf32>
    %add3A_16 = arith.addf %get3A_7, %add3A_15 : vector<1x128xf32>
    %sqrt3A = math.sqrt %add3A_16 : vector<1x128xf32>
    %div3A = vector.broadcast %sqrt3A : vector<1x128xf32> to vector<10000x128xf32>
    %div3A_17 = arith.divf %sub3A_14, %div3A : vector<10000x128xf32>
    %mul3A = vector.broadcast %get3A_10 : vector<1x128xf32> to vector<10000x128xf32>
    %mul3A_18 = arith.mulf %div3A_17, %mul3A : vector<10000x128xf32>
    %add3A_19 = vector.broadcast %get3A_13 : vector<1x128xf32> to vector<10000x128xf32>
    %add3A_20 = arith.addf %mul3A_18, %add3A_19 : vector<10000x128xf32>
    %tanh3A = math.tanh %add3A_20 : vector<10000x128xf32>
    %swap3A = arith.constant 0 : index
    %swap3A_21 = arith.constant 0 : index
    %swap3A_22 = vector.load %arg5[%swap3A, %swap3A_21] : memref<10000x128xf32, #tpu.memory_space<vmem>>, vector<10000x128xf32>
    tpu.vector_store %arg5[%swap3A, %swap3A_21], %tanh3A {strides = array<i32>} : memref<10000x128xf32, #tpu.memory_space<vmem>>, vector<10000x128xf32>,
    return
  }
}

module attributes {stable_mosaic.version = 14 : i64} {
  func.func @body(%arg0: i32, %arg1: memref<2560x16xf32, #tpu.memory_space<vmem>>, %arg2: memref<1x16xf32, #tpu.memory_space<vmem>>, %arg3: memref<1x16xf32, #tpu.memory_space<vmem>>, %arg4: memref<1x16xf32, #tpu.memory_space<vmem>>, %arg5: memref<1x16xf32, #tpu.memory_space<vmem>>, %arg6: memref<16x32xf32, #tpu.memory_space<vmem>>, %arg7: memref<1x16xf32, #tpu.memory_space<vmem>>, %arg8: memref<1x16xf32, #tpu.memory_space<vmem>>, %arg9: memref<1x16xf32, #tpu.memory_space<vmem>>, %arg10: memref<1x16xf32, #tpu.memory_space<vmem>>, %arg11: memref<16x32xf32, #tpu.memory_space<vmem>>, %arg12: memref<1x16xf32, #tpu.memory_space<vmem>>, %arg13: memref<1x16xf32, #tpu.memory_space<vmem>>, %arg14: memref<1x16xf32, #tpu.memory_space<vmem>>, %arg15: memref<1x16xf32, #tpu.memory_space<vmem>>, %arg16: memref<16x32xf32, #tpu.memory_space<vmem>>, %arg17: memref<2560x32xf32, #tpu.memory_space<vmem>>, %arg18: memref<2560x32xf32, #tpu.memory_space<vmem>>, %arg19: memref<2560x32xf32, #tpu.memory_space<vmem>>) attributes {dimension_semantics = [#tpu.dimension_semantics<arbitrary>], iteration_bounds = array<i64: 125>, scalar_prefetch = 0 : i64, scratch_operands = 0 : i64, tpu.core_type = #tpu.core_type<tc>, window_params = [{transform_indices = @transform_0, window_bounds = array<i64: 2560, 16>}, {pipeline_mode = #tpu.pipeline_mode<synchronous>, transform_indices = @transform_1, window_bounds = array<i64: 1, 16>}, {pipeline_mode = #tpu.pipeline_mode<synchronous>, transform_indices = @transform_2, window_bounds = array<i64: 1, 16>}, {pipeline_mode = #tpu.pipeline_mode<synchronous>, transform_indices = @transform_3, window_bounds = array<i64: 1, 16>}, {pipeline_mode = #tpu.pipeline_mode<synchronous>, transform_indices = @transform_4, window_bounds = array<i64: 1, 16>}, {pipeline_mode = #tpu.pipeline_mode<synchronous>, transform_indices = @transform_5, window_bounds = array<i64: 16, 32>}, {pipeline_mode = #tpu.pipeline_mode<synchronous>, transform_indices = @transform_6, window_bounds = array<i64: 1, 16>}, {pipeline_mode = #tpu.pipeline_mode<synchronous>, transform_indices = @transform_7, window_bounds = array<i64: 1, 16>}, {pipeline_mode = #tpu.pipeline_mode<synchronous>, transform_indices = @transform_8, window_bounds = array<i64: 1, 16>}, {pipeline_mode = #tpu.pipeline_mode<synchronous>, transform_indices = @transform_9, window_bounds = array<i64: 1, 16>}, {pipeline_mode = #tpu.pipeline_mode<synchronous>, transform_indices = @transform_10, window_bounds = array<i64: 16, 32>}, {pipeline_mode = #tpu.pipeline_mode<synchronous>, transform_indices = @transform_11, window_bounds = array<i64: 1, 16>}, {pipeline_mode = #tpu.pipeline_mode<synchronous>, transform_indices = @transform_12, window_bounds = array<i64: 1, 16>}, {pipeline_mode = #tpu.pipeline_mode<synchronous>, transform_indices = @transform_13, window_bounds = array<i64: 1, 16>}, {pipeline_mode = #tpu.pipeline_mode<synchronous>, transform_indices = @transform_14, window_bounds = array<i64: 1, 16>}, {pipeline_mode = #tpu.pipeline_mode<synchronous>, transform_indices = @transform_15, window_bounds = array<i64: 16, 32>}, {transform_indices = @transform_16, window_bounds = array<i64: 2560, 32>}, {transform_indices = @transform_17, window_bounds = array<i64: 2560, 32>}, {transform_indices = @transform_18, window_bounds = array<i64: 2560, 32>}]} {
    %get3A = arith.constant 0 : index
    %get3A_0 = arith.constant 0 : index
    %get3A_1 = vector.load %arg1[%get3A, %get3A_0] : memref<2560x16xf32, #tpu.memory_space<vmem>>, vector<2560x16xf32>
    %get3A_2 = arith.constant 0 : index
    %get3A_3 = arith.constant 0 : index
    %get3A_4 = vector.load %arg2[%get3A_2, %get3A_3] : memref<1x16xf32, #tpu.memory_space<vmem>>, vector<1x16xf32>
    %get3A_5 = arith.constant 0 : index
    %get3A_6 = arith.constant 0 : index
    %get3A_7 = vector.load %arg3[%get3A_5, %get3A_6] : memref<1x16xf32, #tpu.memory_space<vmem>>, vector<1x16xf32>
    %get3A_8 = arith.constant 0 : index
    %get3A_9 = arith.constant 0 : index
    %get3A_10 = vector.load %arg4[%get3A_8, %get3A_9] : memref<1x16xf32, #tpu.memory_space<vmem>>, vector<1x16xf32>
    %get3A_11 = arith.constant 0 : index
    %get3A_12 = arith.constant 0 : index
    %get3A_13 = vector.load %arg5[%get3A_11, %get3A_12] : memref<1x16xf32, #tpu.memory_space<vmem>>, vector<1x16xf32>
    %sub3A = vector.broadcast %get3A_4 : vector<1x16xf32> to vector<2560x16xf32>
    %sub3A_14 = arith.subf %get3A_1, %sub3A : vector<2560x16xf32>
    %add3A = arith.constant 9.99999974E-6 : f32
    %add3A_15 = vector.broadcast %add3A : f32 to vector<1x16xf32>
    %add3A_16 = arith.addf %get3A_7, %add3A_15 : vector<1x16xf32>
    %sqrt3A = math.sqrt %add3A_16 : vector<1x16xf32>
    %div3A = vector.broadcast %sqrt3A : vector<1x16xf32> to vector<2560x16xf32>
    %div3A_17 = arith.divf %sub3A_14, %div3A : vector<2560x16xf32>
    %mul3A = vector.broadcast %get3A_10 : vector<1x16xf32> to vector<2560x16xf32>
    %mul3A_18 = arith.mulf %div3A_17, %mul3A : vector<2560x16xf32>
    %add3A_19 = vector.broadcast %get3A_13 : vector<1x16xf32> to vector<2560x16xf32>
    %add3A_20 = arith.addf %mul3A_18, %add3A_19 : vector<2560x16xf32>
    %get3A_21 = arith.constant 0 : index
    %get3A_22 = arith.constant 0 : index
    %get3A_23 = vector.load %arg6[%get3A_21, %get3A_22] : memref<16x32xf32, #tpu.memory_space<vmem>>, vector<16x32xf32>
    %dot_general3A = arith.constant dense<0.000000e+00> : vector<2560x32xf32>
    %dot_general3A_24 = tpu.matmul %add3A_20, %get3A_23, %dot_general3A {dimension_numbers = #tpu.dot_dimension_numbers<[1], [0], [0], [1], [0, 0, 1, 1], [], []>, transpose_lhs_hint = false} : vector<2560x16xf32>, vector<16x32xf32>, vector<2560x32xf32> -> vector<2560x32xf32>
    %swap3A = arith.constant 0 : index
    %swap3A_25 = arith.constant 0 : index
    %swap3A_26 = vector.load %arg17[%swap3A, %swap3A_25] : memref<2560x32xf32, #tpu.memory_space<vmem>>, vector<2560x32xf32>
    tpu.vector_store %arg17[%swap3A, %swap3A_25], %dot_general3A_24 {strides = array<i32>} : memref<2560x32xf32, #tpu.memory_space<vmem>>, vector<2560x32xf32>,
    %get3A_27 = arith.constant 0 : index
    %get3A_28 = arith.constant 0 : index
    %get3A_29 = vector.load %arg7[%get3A_27, %get3A_28] : memref<1x16xf32, #tpu.memory_space<vmem>>, vector<1x16xf32>
    %get3A_30 = arith.constant 0 : index
    %get3A_31 = arith.constant 0 : index
    %get3A_32 = vector.load %arg8[%get3A_30, %get3A_31] : memref<1x16xf32, #tpu.memory_space<vmem>>, vector<1x16xf32>
    %get3A_33 = arith.constant 0 : index
    %get3A_34 = arith.constant 0 : index
    %get3A_35 = vector.load %arg9[%get3A_33, %get3A_34] : memref<1x16xf32, #tpu.memory_space<vmem>>, vector<1x16xf32>
    %get3A_36 = arith.constant 0 : index
    %get3A_37 = arith.constant 0 : index
    %get3A_38 = vector.load %arg10[%get3A_36, %get3A_37] : memref<1x16xf32, #tpu.memory_space<vmem>>, vector<1x16xf32>
    %sub3A_39 = vector.broadcast %get3A_29 : vector<1x16xf32> to vector<2560x16xf32>
    %sub3A_40 = arith.subf %get3A_1, %sub3A_39 : vector<2560x16xf32>
    %add3A_41 = arith.constant 9.99999974E-6 : f32
    %add3A_42 = vector.broadcast %add3A_41 : f32 to vector<1x16xf32>
    %add3A_43 = arith.addf %get3A_32, %add3A_42 : vector<1x16xf32>
    %sqrt3A_44 = math.sqrt %add3A_43 : vector<1x16xf32>
    %div3A_45 = vector.broadcast %sqrt3A_44 : vector<1x16xf32> to vector<2560x16xf32>
    %div3A_46 = arith.divf %sub3A_40, %div3A_45 : vector<2560x16xf32>
    %mul3A_47 = vector.broadcast %get3A_35 : vector<1x16xf32> to vector<2560x16xf32>
    %mul3A_48 = arith.mulf %div3A_46, %mul3A_47 : vector<2560x16xf32>
    %add3A_49 = vector.broadcast %get3A_38 : vector<1x16xf32> to vector<2560x16xf32>
    %add3A_50 = arith.addf %mul3A_48, %add3A_49 : vector<2560x16xf32>
    %get3A_51 = arith.constant 0 : index
    %get3A_52 = arith.constant 0 : index
    %get3A_53 = vector.load %arg11[%get3A_51, %get3A_52] : memref<16x32xf32, #tpu.memory_space<vmem>>, vector<16x32xf32>
    %dot_general3A_54 = arith.constant dense<0.000000e+00> : vector<2560x32xf32>
    %dot_general3A_55 = tpu.matmul %add3A_50, %get3A_53, %dot_general3A_54 {dimension_numbers = #tpu.dot_dimension_numbers<[1], [0], [0], [1], [0, 0, 1, 1], [], []>, transpose_lhs_hint = false} : vector<2560x16xf32>, vector<16x32xf32>, vector<2560x32xf32> -> vector<2560x32xf32>
    %swap3A_56 = arith.constant 0 : index
    %swap3A_57 = arith.constant 0 : index
    %swap3A_58 = vector.load %arg18[%swap3A_56, %swap3A_57] : memref<2560x32xf32, #tpu.memory_space<vmem>>, vector<2560x32xf32>
    tpu.vector_store %arg18[%swap3A_56, %swap3A_57], %dot_general3A_55 {strides = array<i32>} : memref<2560x32xf32, #tpu.memory_space<vmem>>, vector<2560x32xf32>,
    %get3A_59 = arith.constant 0 : index
    %get3A_60 = arith.constant 0 : index
    %get3A_61 = vector.load %arg12[%get3A_59, %get3A_60] : memref<1x16xf32, #tpu.memory_space<vmem>>, vector<1x16xf32>
    %get3A_62 = arith.constant 0 : index
    %get3A_63 = arith.constant 0 : index
    %get3A_64 = vector.load %arg13[%get3A_62, %get3A_63] : memref<1x16xf32, #tpu.memory_space<vmem>>, vector<1x16xf32>
    %get3A_65 = arith.constant 0 : index
    %get3A_66 = arith.constant 0 : index
    %get3A_67 = vector.load %arg14[%get3A_65, %get3A_66] : memref<1x16xf32, #tpu.memory_space<vmem>>, vector<1x16xf32>
    %get3A_68 = arith.constant 0 : index
    %get3A_69 = arith.constant 0 : index
    %get3A_70 = vector.load %arg15[%get3A_68, %get3A_69] : memref<1x16xf32, #tpu.memory_space<vmem>>, vector<1x16xf32>
    %sub3A_71 = vector.broadcast %get3A_61 : vector<1x16xf32> to vector<2560x16xf32>
    %sub3A_72 = arith.subf %get3A_1, %sub3A_71 : vector<2560x16xf32>
    %add3A_73 = arith.constant 9.99999974E-6 : f32
    %add3A_74 = vector.broadcast %add3A_73 : f32 to vector<1x16xf32>
    %add3A_75 = arith.addf %get3A_64, %add3A_74 : vector<1x16xf32>
    %sqrt3A_76 = math.sqrt %add3A_75 : vector<1x16xf32>
    %div3A_77 = vector.broadcast %sqrt3A_76 : vector<1x16xf32> to vector<2560x16xf32>
    %div3A_78 = arith.divf %sub3A_72, %div3A_77 : vector<2560x16xf32>
    %mul3A_79 = vector.broadcast %get3A_67 : vector<1x16xf32> to vector<2560x16xf32>
    %mul3A_80 = arith.mulf %div3A_78, %mul3A_79 : vector<2560x16xf32>
    %add3A_81 = vector.broadcast %get3A_70 : vector<1x16xf32> to vector<2560x16xf32>
    %add3A_82 = arith.addf %mul3A_80, %add3A_81 : vector<2560x16xf32>
    %get3A_83 = arith.constant 0 : index
    %get3A_84 = arith.constant 0 : index
    %get3A_85 = vector.load %arg16[%get3A_83, %get3A_84] : memref<16x32xf32, #tpu.memory_space<vmem>>, vector<16x32xf32>
    %dot_general3A_86 = arith.constant dense<0.000000e+00> : vector<2560x32xf32>
    %dot_general3A_87 = tpu.matmul %add3A_82, %get3A_85, %dot_general3A_86 {dimension_numbers = #tpu.dot_dimension_numbers<[1], [0], [0], [1], [0, 0, 1, 1], [], []>, transpose_lhs_hint = false} : vector<2560x16xf32>, vector<16x32xf32>, vector<2560x32xf32> -> vector<2560x32xf32>
    %swap3A_88 = arith.constant 0 : index
    %swap3A_89 = arith.constant 0 : index
    %swap3A_90 = vector.load %arg19[%swap3A_88, %swap3A_89] : memref<2560x32xf32, #tpu.memory_space<vmem>>, vector<2560x32xf32>
    tpu.vector_store %arg19[%swap3A_88, %swap3A_89], %dot_general3A_87 {strides = array<i32>} : memref<2560x32xf32, #tpu.memory_space<vmem>>, vector<2560x32xf32>,
    return
  }
  func.func @transform_0(%arg0: i32) -> (i32, i32) {
    %c0_i32 = arith.constant 0 : i32
    %c0_i32_0 = arith.constant 0 : i32
    return %arg0, %c0_i32 : i32, i32
  }
  func.func @transform_1(%arg0: i32) -> (i32, i32) {
    %c0_i32 = arith.constant 0 : i32
    %c0_i32_0 = arith.constant 0 : i32
    %c0_i32_1 = arith.constant 0 : i32
    return %c0_i32, %c0_i32_0 : i32, i32
  }
  func.func @transform_2(%arg0: i32) -> (i32, i32) {
    %c0_i32 = arith.constant 0 : i32
    %c0_i32_0 = arith.constant 0 : i32
    %c0_i32_1 = arith.constant 0 : i32
    return %c0_i32, %c0_i32_0 : i32, i32
  }
  func.func @transform_3(%arg0: i32) -> (i32, i32) {
    %c0_i32 = arith.constant 0 : i32
    %c0_i32_0 = arith.constant 0 : i32
    %c0_i32_1 = arith.constant 0 : i32
    return %c0_i32, %c0_i32_0 : i32, i32
  }
  func.func @transform_4(%arg0: i32) -> (i32, i32) {
    %c0_i32 = arith.constant 0 : i32
    %c0_i32_0 = arith.constant 0 : i32
    %c0_i32_1 = arith.constant 0 : i32
    return %c0_i32, %c0_i32_0 : i32, i32
  }
  func.func @transform_5(%arg0: i32) -> (i32, i32) {
    %c0_i32 = arith.constant 0 : i32
    %c0_i32_0 = arith.constant 0 : i32
    %c0_i32_1 = arith.constant 0 : i32
    return %c0_i32, %c0_i32_0 : i32, i32
  }
  func.func @transform_6(%arg0: i32) -> (i32, i32) {
    %c0_i32 = arith.constant 0 : i32
    %c0_i32_0 = arith.constant 0 : i32
    %c0_i32_1 = arith.constant 0 : i32
    return %c0_i32, %c0_i32_0 : i32, i32
  }
  func.func @transform_7(%arg0: i32) -> (i32, i32) {
    %c0_i32 = arith.constant 0 : i32
    %c0_i32_0 = arith.constant 0 : i32
    %c0_i32_1 = arith.constant 0 : i32
    return %c0_i32, %c0_i32_0 : i32, i32
  }
  func.func @transform_8(%arg0: i32) -> (i32, i32) {
    %c0_i32 = arith.constant 0 : i32
    %c0_i32_0 = arith.constant 0 : i32
    %c0_i32_1 = arith.constant 0 : i32
    return %c0_i32, %c0_i32_0 : i32, i32
  }
  func.func @transform_9(%arg0: i32) -> (i32, i32) {
    %c0_i32 = arith.constant 0 : i32
    %c0_i32_0 = arith.constant 0 : i32
    %c0_i32_1 = arith.constant 0 : i32
    return %c0_i32, %c0_i32_0 : i32, i32
  }
  func.func @transform_10(%arg0: i32) -> (i32, i32) {
    %c0_i32 = arith.constant 0 : i32
    %c0_i32_0 = arith.constant 0 : i32
    %c0_i32_1 = arith.constant 0 : i32
    return %c0_i32, %c0_i32_0 : i32, i32
  }
  func.func @transform_11(%arg0: i32) -> (i32, i32) {
    %c0_i32 = arith.constant 0 : i32
    %c0_i32_0 = arith.constant 0 : i32
    %c0_i32_1 = arith.constant 0 : i32
    return %c0_i32, %c0_i32_0 : i32, i32
  }
  func.func @transform_12(%arg0: i32) -> (i32, i32) {
    %c0_i32 = arith.constant 0 : i32
    %c0_i32_0 = arith.constant 0 : i32
    %c0_i32_1 = arith.constant 0 : i32
    return %c0_i32, %c0_i32_0 : i32, i32
  }
  func.func @transform_13(%arg0: i32) -> (i32, i32) {
    %c0_i32 = arith.constant 0 : i32
    %c0_i32_0 = arith.constant 0 : i32
    %c0_i32_1 = arith.constant 0 : i32
    return %c0_i32, %c0_i32_0 : i32, i32
  }
  func.func @transform_14(%arg0: i32) -> (i32, i32) {
    %c0_i32 = arith.constant 0 : i32
    %c0_i32_0 = arith.constant 0 : i32
    %c0_i32_1 = arith.constant 0 : i32
    return %c0_i32, %c0_i32_0 : i32, i32
  }
  func.func @transform_15(%arg0: i32) -> (i32, i32) {
    %c0_i32 = arith.constant 0 : i32
    %c0_i32_0 = arith.constant 0 : i32
    %c0_i32_1 = arith.constant 0 : i32
    return %c0_i32, %c0_i32_0 : i32, i32
  }
  func.func @transform_16(%arg0: i32) -> (i32, i32) {
    %c0_i32 = arith.constant 0 : i32
    %c0_i32_0 = arith.constant 0 : i32
    return %arg0, %c0_i32 : i32, i32
  }
  func.func @transform_17(%arg0: i32) -> (i32, i32) {
    %c0_i32 = arith.constant 0 : i32
    %c0_i32_0 = arith.constant 0 : i32
    return %arg0, %c0_i32 : i32, i32
  }
  func.func @transform_18(%arg0: i32) -> (i32, i32) {
    %c0_i32 = arith.constant 0 : i32
    %c0_i32_0 = arith.constant 0 : i32
    return %arg0, %c0_i32 : i32, i32
  }
}

module attributes {stable_mosaic.version = 14 : i64} {
  func.func @_mid_body(%arg0: i32, %arg1: memref<2560x32xf32, #tpu.memory_space<vmem>>, %arg2: memref<1x32xf32, #tpu.memory_space<vmem>>, %arg3: memref<1x32xf32, #tpu.memory_space<vmem>>, %arg4: memref<1x32xf32, #tpu.memory_space<vmem>>, %arg5: memref<1x32xf32, #tpu.memory_space<vmem>>, %arg6: memref<32x16xf32, #tpu.memory_space<vmem>>, %arg7: memref<2560x16xf32, #tpu.memory_space<vmem>>) attributes {dimension_semantics = [#tpu.dimension_semantics<arbitrary>], iteration_bounds = array<i64: 125>, scalar_prefetch = 0 : i64, scratch_operands = 0 : i64, tpu.core_type = #tpu.core_type<tc>, window_params = [{transform_indices = @transform_0, window_bounds = array<i64: 2560, 32>}, {pipeline_mode = #tpu.pipeline_mode<synchronous>, transform_indices = @transform_1, window_bounds = array<i64: 1, 32>}, {pipeline_mode = #tpu.pipeline_mode<synchronous>, transform_indices = @transform_2, window_bounds = array<i64: 1, 32>}, {pipeline_mode = #tpu.pipeline_mode<synchronous>, transform_indices = @transform_3, window_bounds = array<i64: 1, 32>}, {pipeline_mode = #tpu.pipeline_mode<synchronous>, transform_indices = @transform_4, window_bounds = array<i64: 1, 32>}, {pipeline_mode = #tpu.pipeline_mode<synchronous>, transform_indices = @transform_5, window_bounds = array<i64: 32, 16>}, {transform_indices = @transform_6, window_bounds = array<i64: 2560, 16>}]} {
    %get3A = arith.constant 0 : index
    %get3A_0 = arith.constant 0 : index
    %get3A_1 = vector.load %arg1[%get3A, %get3A_0] : memref<2560x32xf32, #tpu.memory_space<vmem>>, vector<2560x32xf32>
    %get3A_2 = arith.constant 0 : index
    %get3A_3 = arith.constant 0 : index
    %get3A_4 = vector.load %arg2[%get3A_2, %get3A_3] : memref<1x32xf32, #tpu.memory_space<vmem>>, vector<1x32xf32>
    %get3A_5 = arith.constant 0 : index
    %get3A_6 = arith.constant 0 : index
    %get3A_7 = vector.load %arg3[%get3A_5, %get3A_6] : memref<1x32xf32, #tpu.memory_space<vmem>>, vector<1x32xf32>
    %get3A_8 = arith.constant 0 : index
    %get3A_9 = arith.constant 0 : index
    %get3A_10 = vector.load %arg4[%get3A_8, %get3A_9] : memref<1x32xf32, #tpu.memory_space<vmem>>, vector<1x32xf32>
    %get3A_11 = arith.constant 0 : index
    %get3A_12 = arith.constant 0 : index
    %get3A_13 = vector.load %arg5[%get3A_11, %get3A_12] : memref<1x32xf32, #tpu.memory_space<vmem>>, vector<1x32xf32>
    %sub3A = vector.broadcast %get3A_4 : vector<1x32xf32> to vector<2560x32xf32>
    %sub3A_14 = arith.subf %get3A_1, %sub3A : vector<2560x32xf32>
    %add3A = arith.constant 9.99999974E-6 : f32
    %add3A_15 = vector.broadcast %add3A : f32 to vector<1x32xf32>
    %add3A_16 = arith.addf %get3A_7, %add3A_15 : vector<1x32xf32>
    %sqrt3A = math.sqrt %add3A_16 : vector<1x32xf32>
    %div3A = vector.broadcast %sqrt3A : vector<1x32xf32> to vector<2560x32xf32>
    %div3A_17 = arith.divf %sub3A_14, %div3A : vector<2560x32xf32>
    %mul3A = vector.broadcast %get3A_10 : vector<1x32xf32> to vector<2560x32xf32>
    %mul3A_18 = arith.mulf %div3A_17, %mul3A : vector<2560x32xf32>
    %add3A_19 = vector.broadcast %get3A_13 : vector<1x32xf32> to vector<2560x32xf32>
    %add3A_20 = arith.addf %mul3A_18, %add3A_19 : vector<2560x32xf32>
    %gt3A = arith.constant 0.000000e+00 : f32
    %gt3A_21 = vector.broadcast %gt3A : f32 to vector<2560x32xf32>
    %gt3A_22 = arith.cmpf ogt, %add3A_20, %gt3A_21 : vector<2560x32xf32>
    %mul3A_23 = arith.constant 2.000000e-01 : f32
    %mul3A_24 = vector.broadcast %mul3A_23 : f32 to vector<2560x32xf32>
    %mul3A_25 = arith.mulf %mul3A_24, %add3A_20 : vector<2560x32xf32>
    %select_n3A = arith.select %gt3A_22, %add3A_20, %mul3A_25 : vector<2560x32xi1>, vector<2560x32xf32>
    %get3A_26 = arith.constant 0 : index
    %get3A_27 = arith.constant 0 : index
    %get3A_28 = vector.load %arg6[%get3A_26, %get3A_27] : memref<32x16xf32, #tpu.memory_space<vmem>>, vector<32x16xf32>
    %dot_general3A = arith.constant dense<0.000000e+00> : vector<2560x16xf32>
    %dot_general3A_29 = tpu.matmul %select_n3A, %get3A_28, %dot_general3A {dimension_numbers = #tpu.dot_dimension_numbers<[1], [0], [0], [1], [0, 0, 1, 1], [], []>, transpose_lhs_hint = false} : vector<2560x32xf32>, vector<32x16xf32>, vector<2560x16xf32> -> vector<2560x16xf32>
    %swap3A = arith.constant 0 : index
    %swap3A_30 = arith.constant 0 : index
    %swap3A_31 = vector.load %arg7[%swap3A, %swap3A_30] : memref<2560x16xf32, #tpu.memory_space<vmem>>, vector<2560x16xf32>
    tpu.vector_store %arg7[%swap3A, %swap3A_30], %dot_general3A_29 {strides = array<i32>} : memref<2560x16xf32, #tpu.memory_space<vmem>>, vector<2560x16xf32>,
    return
  }
  func.func @transform_0(%arg0: i32) -> (i32, i32) {
    %c0_i32 = arith.constant 0 : i32
    %c0_i32_0 = arith.constant 0 : i32
    return %arg0, %c0_i32 : i32, i32
  }
  func.func @transform_1(%arg0: i32) -> (i32, i32) {
    %c0_i32 = arith.constant 0 : i32
    %c0_i32_0 = arith.constant 0 : i32
    %c0_i32_1 = arith.constant 0 : i32
    return %c0_i32, %c0_i32_0 : i32, i32
  }
  func.func @transform_2(%arg0: i32) -> (i32, i32) {
    %c0_i32 = arith.constant 0 : i32
    %c0_i32_0 = arith.constant 0 : i32
    %c0_i32_1 = arith.constant 0 : i32
    return %c0_i32, %c0_i32_0 : i32, i32
  }
  func.func @transform_3(%arg0: i32) -> (i32, i32) {
    %c0_i32 = arith.constant 0 : i32
    %c0_i32_0 = arith.constant 0 : i32
    %c0_i32_1 = arith.constant 0 : i32
    return %c0_i32, %c0_i32_0 : i32, i32
  }
  func.func @transform_4(%arg0: i32) -> (i32, i32) {
    %c0_i32 = arith.constant 0 : i32
    %c0_i32_0 = arith.constant 0 : i32
    %c0_i32_1 = arith.constant 0 : i32
    return %c0_i32, %c0_i32_0 : i32, i32
  }
  func.func @transform_5(%arg0: i32) -> (i32, i32) {
    %c0_i32 = arith.constant 0 : i32
    %c0_i32_0 = arith.constant 0 : i32
    %c0_i32_1 = arith.constant 0 : i32
    return %c0_i32, %c0_i32_0 : i32, i32
  }
  func.func @transform_6(%arg0: i32) -> (i32, i32) {
    %c0_i32 = arith.constant 0 : i32
    %c0_i32_0 = arith.constant 0 : i32
    return %arg0, %c0_i32 : i32, i32
  }
}

module attributes {stable_mosaic.version = 14 : i64} {
  func.func @_pass1_body(%arg0: i32, %arg1: memref<2560x16xf32, #tpu.memory_space<vmem>>, %arg2: memref<2560x128xf32, #tpu.memory_space<vmem>>, %arg3: memref<2560x128xf32, #tpu.memory_space<vmem>>, %arg4: memref<1x16xf32, #tpu.memory_space<vmem>>, %arg5: memref<1x16xf32, #tpu.memory_space<vmem>>, %arg6: memref<1x16xf32, #tpu.memory_space<vmem>>, %arg7: memref<1x16xf32, #tpu.memory_space<vmem>>, %arg8: memref<272x128xf32, #tpu.memory_space<vmem>>, %arg9: memref<2560x128xf32, #tpu.memory_space<vmem>>) attributes {dimension_semantics = [#tpu.dimension_semantics<arbitrary>], iteration_bounds = array<i64: 125>, scalar_prefetch = 0 : i64, scratch_operands = 0 : i64, tpu.core_type = #tpu.core_type<tc>, window_params = [{transform_indices = @transform_0, window_bounds = array<i64: 2560, 16>}, {transform_indices = @transform_1, window_bounds = array<i64: 2560, 128>}, {transform_indices = @transform_2, window_bounds = array<i64: 2560, 128>}, {pipeline_mode = #tpu.pipeline_mode<synchronous>, transform_indices = @transform_3, window_bounds = array<i64: 1, 16>}, {pipeline_mode = #tpu.pipeline_mode<synchronous>, transform_indices = @transform_4, window_bounds = array<i64: 1, 16>}, {pipeline_mode = #tpu.pipeline_mode<synchronous>, transform_indices = @transform_5, window_bounds = array<i64: 1, 16>}, {pipeline_mode = #tpu.pipeline_mode<synchronous>, transform_indices = @transform_6, window_bounds = array<i64: 1, 16>}, {pipeline_mode = #tpu.pipeline_mode<synchronous>, transform_indices = @transform_7, window_bounds = array<i64: 272, 128>}, {transform_indices = @transform_8, window_bounds = array<i64: 2560, 128>}]} {
    %get3A = arith.constant 0 : index
    %get3A_0 = arith.constant 0 : index
    %get3A_1 = vector.load %arg1[%get3A, %get3A_0] : memref<2560x16xf32, #tpu.memory_space<vmem>>, vector<2560x16xf32>
    %get3A_2 = arith.constant 0 : index
    %get3A_3 = arith.constant 0 : index
    %get3A_4 = vector.load %arg4[%get3A_2, %get3A_3] : memref<1x16xf32, #tpu.memory_space<vmem>>, vector<1x16xf32>
    %get3A_5 = arith.constant 0 : index
    %get3A_6 = arith.constant 0 : index
    %get3A_7 = vector.load %arg5[%get3A_5, %get3A_6] : memref<1x16xf32, #tpu.memory_space<vmem>>, vector<1x16xf32>
    %get3A_8 = arith.constant 0 : index
    %get3A_9 = arith.constant 0 : index
    %get3A_10 = vector.load %arg6[%get3A_8, %get3A_9] : memref<1x16xf32, #tpu.memory_space<vmem>>, vector<1x16xf32>
    %get3A_11 = arith.constant 0 : index
    %get3A_12 = arith.constant 0 : index
    %get3A_13 = vector.load %arg7[%get3A_11, %get3A_12] : memref<1x16xf32, #tpu.memory_space<vmem>>, vector<1x16xf32>
    %sub3A = vector.broadcast %get3A_4 : vector<1x16xf32> to vector<2560x16xf32>
    %sub3A_14 = arith.subf %get3A_1, %sub3A : vector<2560x16xf32>
    %add3A = arith.constant 9.99999974E-6 : f32
    %add3A_15 = vector.broadcast %add3A : f32 to vector<1x16xf32>
    %add3A_16 = arith.addf %get3A_7, %add3A_15 : vector<1x16xf32>
    %sqrt3A = math.sqrt %add3A_16 : vector<1x16xf32>
    %div3A = vector.broadcast %sqrt3A : vector<1x16xf32> to vector<2560x16xf32>
    %div3A_17 = arith.divf %sub3A_14, %div3A : vector<2560x16xf32>
    %mul3A = vector.broadcast %get3A_10 : vector<1x16xf32> to vector<2560x16xf32>
    %mul3A_18 = arith.mulf %div3A_17, %mul3A : vector<2560x16xf32>
    %add3A_19 = vector.broadcast %get3A_13 : vector<1x16xf32> to vector<2560x16xf32>
    %add3A_20 = arith.addf %mul3A_18, %add3A_19 : vector<2560x16xf32>
    %tanh3A = math.tanh %add3A_20 : vector<2560x16xf32>
    %get3A_21 = arith.constant 0 : index
    %get3A_22 = arith.constant 0 : index
    %get3A_23 = vector.load %arg2[%get3A_21, %get3A_22] : memref<2560x128xf32, #tpu.memory_space<vmem>>, vector<2560x128xf32>
    %get3A_24 = arith.constant 0 : index
    %get3A_25 = arith.constant 0 : index
    %get3A_26 = vector.load %arg3[%get3A_24, %get3A_25] : memref<2560x128xf32, #tpu.memory_space<vmem>>, vector<2560x128xf32>
    %concatenate3A = tpu.concatenate %tanh3A, %get3A_23, %get3A_26 in 1 : vector<2560x16xf32>, vector<2560x128xf32>, vector<2560x128xf32> -> vector<2560x272xf32>
    %get3A_27 = arith.constant 0 : index
    %get3A_28 = arith.constant 0 : index
    %get3A_29 = vector.load %arg8[%get3A_27, %get3A_28] : memref<272x128xf32, #tpu.memory_space<vmem>>, vector<272x128xf32>
    %dot_general3A = arith.constant dense<0.000000e+00> : vector<2560x128xf32>
    %dot_general3A_30 = tpu.matmul %concatenate3A, %get3A_29, %dot_general3A {dimension_numbers = #tpu.dot_dimension_numbers<[1], [0], [0], [1], [0, 0, 1, 1], [], []>, transpose_lhs_hint = false} : vector<2560x272xf32>, vector<272x128xf32>, vector<2560x128xf32> -> vector<2560x128xf32>
    %swap3A = arith.constant 0 : index
    %swap3A_31 = arith.constant 0 : index
    %swap3A_32 = vector.load %arg9[%swap3A, %swap3A_31] : memref<2560x128xf32, #tpu.memory_space<vmem>>, vector<2560x128xf32>
    tpu.vector_store %arg9[%swap3A, %swap3A_31], %dot_general3A_30 {strides = array<i32>} : memref<2560x128xf32, #tpu.memory_space<vmem>>, vector<2560x128xf32>,
    return
  }
  func.func @transform_0(%arg0: i32) -> (i32, i32) {
    %c0_i32 = arith.constant 0 : i32
    %c0_i32_0 = arith.constant 0 : i32
    return %arg0, %c0_i32 : i32, i32
  }
  func.func @transform_1(%arg0: i32) -> (i32, i32) {
    %c0_i32 = arith.constant 0 : i32
    %c0_i32_0 = arith.constant 0 : i32
    return %arg0, %c0_i32 : i32, i32
  }
  func.func @transform_2(%arg0: i32) -> (i32, i32) {
    %c0_i32 = arith.constant 0 : i32
    %c0_i32_0 = arith.constant 0 : i32
    return %arg0, %c0_i32 : i32, i32
  }
  func.func @transform_3(%arg0: i32) -> (i32, i32) {
    %c0_i32 = arith.constant 0 : i32
    %c0_i32_0 = arith.constant 0 : i32
    %c0_i32_1 = arith.constant 0 : i32
    return %c0_i32, %c0_i32_0 : i32, i32
  }
  func.func @transform_4(%arg0: i32) -> (i32, i32) {
    %c0_i32 = arith.constant 0 : i32
    %c0_i32_0 = arith.constant 0 : i32
    %c0_i32_1 = arith.constant 0 : i32
    return %c0_i32, %c0_i32_0 : i32, i32
  }
  func.func @transform_5(%arg0: i32) -> (i32, i32) {
    %c0_i32 = arith.constant 0 : i32
    %c0_i32_0 = arith.constant 0 : i32
    %c0_i32_1 = arith.constant 0 : i32
    return %c0_i32, %c0_i32_0 : i32, i32
  }
  func.func @transform_6(%arg0: i32) -> (i32, i32) {
    %c0_i32 = arith.constant 0 : i32
    %c0_i32_0 = arith.constant 0 : i32
    %c0_i32_1 = arith.constant 0 : i32
    return %c0_i32, %c0_i32_0 : i32, i32
  }
  func.func @transform_7(%arg0: i32) -> (i32, i32) {
    %c0_i32 = arith.constant 0 : i32
    %c0_i32_0 = arith.constant 0 : i32
    %c0_i32_1 = arith.constant 0 : i32
    return %c0_i32, %c0_i32_0 : i32, i32
  }
  func.func @transform_8(%arg0: i32) -> (i32, i32) {
    %c0_i32 = arith.constant 0 : i32
    %c0_i32_0 = arith.constant 0 : i32
    return %arg0, %c0_i32 : i32, i32
  }
}

module attributes {stable_mosaic.version = 14 : i64} {
  func.func @_mid_body(%arg0: i32, %arg1: memref<2560x128xf32, #tpu.memory_space<vmem>>, %arg2: memref<1x128xf32, #tpu.memory_space<vmem>>, %arg3: memref<1x128xf32, #tpu.memory_space<vmem>>, %arg4: memref<1x128xf32, #tpu.memory_space<vmem>>, %arg5: memref<1x128xf32, #tpu.memory_space<vmem>>, %arg6: memref<128x64xf32, #tpu.memory_space<vmem>>, %arg7: memref<2560x64xf32, #tpu.memory_space<vmem>>) attributes {dimension_semantics = [#tpu.dimension_semantics<arbitrary>], iteration_bounds = array<i64: 125>, scalar_prefetch = 0 : i64, scratch_operands = 0 : i64, tpu.core_type = #tpu.core_type<tc>, window_params = [{transform_indices = @transform_0, window_bounds = array<i64: 2560, 128>}, {pipeline_mode = #tpu.pipeline_mode<synchronous>, transform_indices = @transform_1, window_bounds = array<i64: 1, 128>}, {pipeline_mode = #tpu.pipeline_mode<synchronous>, transform_indices = @transform_2, window_bounds = array<i64: 1, 128>}, {pipeline_mode = #tpu.pipeline_mode<synchronous>, transform_indices = @transform_3, window_bounds = array<i64: 1, 128>}, {pipeline_mode = #tpu.pipeline_mode<synchronous>, transform_indices = @transform_4, window_bounds = array<i64: 1, 128>}, {pipeline_mode = #tpu.pipeline_mode<synchronous>, transform_indices = @transform_5, window_bounds = array<i64: 128, 64>}, {transform_indices = @transform_6, window_bounds = array<i64: 2560, 64>}]} {
    %get3A = arith.constant 0 : index
    %get3A_0 = arith.constant 0 : index
    %get3A_1 = vector.load %arg1[%get3A, %get3A_0] : memref<2560x128xf32, #tpu.memory_space<vmem>>, vector<2560x128xf32>
    %get3A_2 = arith.constant 0 : index
    %get3A_3 = arith.constant 0 : index
    %get3A_4 = vector.load %arg2[%get3A_2, %get3A_3] : memref<1x128xf32, #tpu.memory_space<vmem>>, vector<1x128xf32>
    %get3A_5 = arith.constant 0 : index
    %get3A_6 = arith.constant 0 : index
    %get3A_7 = vector.load %arg3[%get3A_5, %get3A_6] : memref<1x128xf32, #tpu.memory_space<vmem>>, vector<1x128xf32>
    %get3A_8 = arith.constant 0 : index
    %get3A_9 = arith.constant 0 : index
    %get3A_10 = vector.load %arg4[%get3A_8, %get3A_9] : memref<1x128xf32, #tpu.memory_space<vmem>>, vector<1x128xf32>
    %get3A_11 = arith.constant 0 : index
    %get3A_12 = arith.constant 0 : index
    %get3A_13 = vector.load %arg5[%get3A_11, %get3A_12] : memref<1x128xf32, #tpu.memory_space<vmem>>, vector<1x128xf32>
    %sub3A = vector.broadcast %get3A_4 : vector<1x128xf32> to vector<2560x128xf32>
    %sub3A_14 = arith.subf %get3A_1, %sub3A : vector<2560x128xf32>
    %add3A = arith.constant 9.99999974E-6 : f32
    %add3A_15 = vector.broadcast %add3A : f32 to vector<1x128xf32>
    %add3A_16 = arith.addf %get3A_7, %add3A_15 : vector<1x128xf32>
    %sqrt3A = math.sqrt %add3A_16 : vector<1x128xf32>
    %div3A = vector.broadcast %sqrt3A : vector<1x128xf32> to vector<2560x128xf32>
    %div3A_17 = arith.divf %sub3A_14, %div3A : vector<2560x128xf32>
    %mul3A = vector.broadcast %get3A_10 : vector<1x128xf32> to vector<2560x128xf32>
    %mul3A_18 = arith.mulf %div3A_17, %mul3A : vector<2560x128xf32>
    %add3A_19 = vector.broadcast %get3A_13 : vector<1x128xf32> to vector<2560x128xf32>
    %add3A_20 = arith.addf %mul3A_18, %add3A_19 : vector<2560x128xf32>
    %gt3A = arith.constant 0.000000e+00 : f32
    %gt3A_21 = vector.broadcast %gt3A : f32 to vector<2560x128xf32>
    %gt3A_22 = arith.cmpf ogt, %add3A_20, %gt3A_21 : vector<2560x128xf32>
    %mul3A_23 = arith.constant 2.000000e-01 : f32
    %mul3A_24 = vector.broadcast %mul3A_23 : f32 to vector<2560x128xf32>
    %mul3A_25 = arith.mulf %mul3A_24, %add3A_20 : vector<2560x128xf32>
    %select_n3A = arith.select %gt3A_22, %add3A_20, %mul3A_25 : vector<2560x128xi1>, vector<2560x128xf32>
    %get3A_26 = arith.constant 0 : index
    %get3A_27 = arith.constant 0 : index
    %get3A_28 = vector.load %arg6[%get3A_26, %get3A_27] : memref<128x64xf32, #tpu.memory_space<vmem>>, vector<128x64xf32>
    %dot_general3A = arith.constant dense<0.000000e+00> : vector<2560x64xf32>
    %dot_general3A_29 = tpu.matmul %select_n3A, %get3A_28, %dot_general3A {dimension_numbers = #tpu.dot_dimension_numbers<[1], [0], [0], [1], [0, 0, 1, 1], [], []>, transpose_lhs_hint = false} : vector<2560x128xf32>, vector<128x64xf32>, vector<2560x64xf32> -> vector<2560x64xf32>
    %swap3A = arith.constant 0 : index
    %swap3A_30 = arith.constant 0 : index
    %swap3A_31 = vector.load %arg7[%swap3A, %swap3A_30] : memref<2560x64xf32, #tpu.memory_space<vmem>>, vector<2560x64xf32>
    tpu.vector_store %arg7[%swap3A, %swap3A_30], %dot_general3A_29 {strides = array<i32>} : memref<2560x64xf32, #tpu.memory_space<vmem>>, vector<2560x64xf32>,
    return
  }
  func.func @transform_0(%arg0: i32) -> (i32, i32) {
    %c0_i32 = arith.constant 0 : i32
    %c0_i32_0 = arith.constant 0 : i32
    return %arg0, %c0_i32 : i32, i32
  }
  func.func @transform_1(%arg0: i32) -> (i32, i32) {
    %c0_i32 = arith.constant 0 : i32
    %c0_i32_0 = arith.constant 0 : i32
    %c0_i32_1 = arith.constant 0 : i32
    return %c0_i32, %c0_i32_0 : i32, i32
  }
  func.func @transform_2(%arg0: i32) -> (i32, i32) {
    %c0_i32 = arith.constant 0 : i32
    %c0_i32_0 = arith.constant 0 : i32
    %c0_i32_1 = arith.constant 0 : i32
    return %c0_i32, %c0_i32_0 : i32, i32
  }
  func.func @transform_3(%arg0: i32) -> (i32, i32) {
    %c0_i32 = arith.constant 0 : i32
    %c0_i32_0 = arith.constant 0 : i32
    %c0_i32_1 = arith.constant 0 : i32
    return %c0_i32, %c0_i32_0 : i32, i32
  }
  func.func @transform_4(%arg0: i32) -> (i32, i32) {
    %c0_i32 = arith.constant 0 : i32
    %c0_i32_0 = arith.constant 0 : i32
    %c0_i32_1 = arith.constant 0 : i32
    return %c0_i32, %c0_i32_0 : i32, i32
  }
  func.func @transform_5(%arg0: i32) -> (i32, i32) {
    %c0_i32 = arith.constant 0 : i32
    %c0_i32_0 = arith.constant 0 : i32
    %c0_i32_1 = arith.constant 0 : i32
    return %c0_i32, %c0_i32_0 : i32, i32
  }
  func.func @transform_6(%arg0: i32) -> (i32, i32) {
    %c0_i32 = arith.constant 0 : i32
    %c0_i32_0 = arith.constant 0 : i32
    return %arg0, %c0_i32 : i32, i32
  }
}

module attributes {stable_mosaic.version = 14 : i64} {
  func.func @_mid_body(%arg0: i32, %arg1: memref<2560x64xf32, #tpu.memory_space<vmem>>, %arg2: memref<1x64xf32, #tpu.memory_space<vmem>>, %arg3: memref<1x64xf32, #tpu.memory_space<vmem>>, %arg4: memref<1x64xf32, #tpu.memory_space<vmem>>, %arg5: memref<1x64xf32, #tpu.memory_space<vmem>>, %arg6: memref<64x64xf32, #tpu.memory_space<vmem>>, %arg7: memref<2560x128xf32, #tpu.memory_space<vmem>>) attributes {dimension_semantics = [#tpu.dimension_semantics<arbitrary>], iteration_bounds = array<i64: 125>, scalar_prefetch = 0 : i64, scratch_operands = 0 : i64, tpu.core_type = #tpu.core_type<tc>, window_params = [{transform_indices = @transform_0, window_bounds = array<i64: 2560, 64>}, {pipeline_mode = #tpu.pipeline_mode<synchronous>, transform_indices = @transform_1, window_bounds = array<i64: 1, 64>}, {pipeline_mode = #tpu.pipeline_mode<synchronous>, transform_indices = @transform_2, window_bounds = array<i64: 1, 64>}, {pipeline_mode = #tpu.pipeline_mode<synchronous>, transform_indices = @transform_3, window_bounds = array<i64: 1, 64>}, {pipeline_mode = #tpu.pipeline_mode<synchronous>, transform_indices = @transform_4, window_bounds = array<i64: 1, 64>}, {pipeline_mode = #tpu.pipeline_mode<synchronous>, transform_indices = @transform_5, window_bounds = array<i64: 64, 64>}, {transform_indices = @transform_6, window_bounds = array<i64: 2560, 128>}]} {
    %get3A = arith.constant 0 : index
    %get3A_0 = arith.constant 0 : index
    %get3A_1 = vector.load %arg1[%get3A, %get3A_0] : memref<2560x64xf32, #tpu.memory_space<vmem>>, vector<2560x64xf32>
    %get3A_2 = arith.constant 0 : index
    %get3A_3 = arith.constant 0 : index
    %get3A_4 = vector.load %arg2[%get3A_2, %get3A_3] : memref<1x64xf32, #tpu.memory_space<vmem>>, vector<1x64xf32>
    %get3A_5 = arith.constant 0 : index
    %get3A_6 = arith.constant 0 : index
    %get3A_7 = vector.load %arg3[%get3A_5, %get3A_6] : memref<1x64xf32, #tpu.memory_space<vmem>>, vector<1x64xf32>
    %get3A_8 = arith.constant 0 : index
    %get3A_9 = arith.constant 0 : index
    %get3A_10 = vector.load %arg4[%get3A_8, %get3A_9] : memref<1x64xf32, #tpu.memory_space<vmem>>, vector<1x64xf32>
    %get3A_11 = arith.constant 0 : index
    %get3A_12 = arith.constant 0 : index
    %get3A_13 = vector.load %arg5[%get3A_11, %get3A_12] : memref<1x64xf32, #tpu.memory_space<vmem>>, vector<1x64xf32>
    %sub3A = vector.broadcast %get3A_4 : vector<1x64xf32> to vector<2560x64xf32>
    %sub3A_14 = arith.subf %get3A_1, %sub3A : vector<2560x64xf32>
    %add3A = arith.constant 9.99999974E-6 : f32
    %add3A_15 = vector.broadcast %add3A : f32 to vector<1x64xf32>
    %add3A_16 = arith.addf %get3A_7, %add3A_15 : vector<1x64xf32>
    %sqrt3A = math.sqrt %add3A_16 : vector<1x64xf32>
    %div3A = vector.broadcast %sqrt3A : vector<1x64xf32> to vector<2560x64xf32>
    %div3A_17 = arith.divf %sub3A_14, %div3A : vector<2560x64xf32>
    %mul3A = vector.broadcast %get3A_10 : vector<1x64xf32> to vector<2560x64xf32>
    %mul3A_18 = arith.mulf %div3A_17, %mul3A : vector<2560x64xf32>
    %add3A_19 = vector.broadcast %get3A_13 : vector<1x64xf32> to vector<2560x64xf32>
    %add3A_20 = arith.addf %mul3A_18, %add3A_19 : vector<2560x64xf32>
    %gt3A = arith.constant 0.000000e+00 : f32
    %gt3A_21 = vector.broadcast %gt3A : f32 to vector<2560x64xf32>
    %gt3A_22 = arith.cmpf ogt, %add3A_20, %gt3A_21 : vector<2560x64xf32>
    %mul3A_23 = arith.constant 2.000000e-01 : f32
    %mul3A_24 = vector.broadcast %mul3A_23 : f32 to vector<2560x64xf32>
    %mul3A_25 = arith.mulf %mul3A_24, %add3A_20 : vector<2560x64xf32>
    %select_n3A = arith.select %gt3A_22, %add3A_20, %mul3A_25 : vector<2560x64xi1>, vector<2560x64xf32>
    %get3A_26 = arith.constant 0 : index
    %get3A_27 = arith.constant 0 : index
    %get3A_28 = vector.load %arg6[%get3A_26, %get3A_27] : memref<64x64xf32, #tpu.memory_space<vmem>>, vector<64x64xf32>
    %dot_general3A = arith.constant dense<0.000000e+00> : vector<2560x64xf32>
    %dot_general3A_29 = tpu.matmul %select_n3A, %get3A_28, %dot_general3A {dimension_numbers = #tpu.dot_dimension_numbers<[1], [0], [0], [1], [0, 0, 1, 1], [], []>, transpose_lhs_hint = false} : vector<2560x64xf32>, vector<64x64xf32>, vector<2560x64xf32> -> vector<2560x64xf32>
    %broadcast_in_dim3A = arith.constant 1.000000e+00 : f32
    %broadcast_in_dim3A_30 = vector.broadcast %broadcast_in_dim3A : f32 to vector<2560x1xf32>
    %broadcast_in_dim3A_31 = arith.constant 0.000000e+00 : f32
    %broadcast_in_dim3A_32 = vector.broadcast %broadcast_in_dim3A_31 : f32 to vector<2560x63xf32>
    %concatenate3A = tpu.concatenate %dot_general3A_29, %broadcast_in_dim3A_30, %broadcast_in_dim3A_32 in 1 : vector<2560x64xf32>, vector<2560x1xf32>, vector<2560x63xf32> -> vector<2560x128xf32>
    %swap3A = arith.constant 0 : index
    %swap3A_33 = arith.constant 0 : index
    %swap3A_34 = vector.load %arg7[%swap3A, %swap3A_33] : memref<2560x128xf32, #tpu.memory_space<vmem>>, vector<2560x128xf32>
    tpu.vector_store %arg7[%swap3A, %swap3A_33], %concatenate3A {strides = array<i32>} : memref<2560x128xf32, #tpu.memory_space<vmem>>, vector<2560x128xf32>,
    return
  }
  func.func @transform_0(%arg0: i32) -> (i32, i32) {
    %c0_i32 = arith.constant 0 : i32
    %c0_i32_0 = arith.constant 0 : i32
    return %arg0, %c0_i32 : i32, i32
  }
  func.func @transform_1(%arg0: i32) -> (i32, i32) {
    %c0_i32 = arith.constant 0 : i32
    %c0_i32_0 = arith.constant 0 : i32
    %c0_i32_1 = arith.constant 0 : i32
    return %c0_i32, %c0_i32_0 : i32, i32
  }
  func.func @transform_2(%arg0: i32) -> (i32, i32) {
    %c0_i32 = arith.constant 0 : i32
    %c0_i32_0 = arith.constant 0 : i32
    %c0_i32_1 = arith.constant 0 : i32
    return %c0_i32, %c0_i32_0 : i32, i32
  }
  func.func @transform_3(%arg0: i32) -> (i32, i32) {
    %c0_i32 = arith.constant 0 : i32
    %c0_i32_0 = arith.constant 0 : i32
    %c0_i32_1 = arith.constant 0 : i32
    return %c0_i32, %c0_i32_0 : i32, i32
  }
  func.func @transform_4(%arg0: i32) -> (i32, i32) {
    %c0_i32 = arith.constant 0 : i32
    %c0_i32_0 = arith.constant 0 : i32
    %c0_i32_1 = arith.constant 0 : i32
    return %c0_i32, %c0_i32_0 : i32, i32
  }
  func.func @transform_5(%arg0: i32) -> (i32, i32) {
    %c0_i32 = arith.constant 0 : i32
    %c0_i32_0 = arith.constant 0 : i32
    %c0_i32_1 = arith.constant 0 : i32
    return %c0_i32, %c0_i32_0 : i32, i32
  }
  func.func @transform_6(%arg0: i32) -> (i32, i32) {
    %c0_i32 = arith.constant 0 : i32
    %c0_i32_0 = arith.constant 0 : i32
    return %arg0, %c0_i32 : i32, i32
  }
}

module attributes {stable_mosaic.version = 14 : i64} {
  func.func @_agg_mean_body(%arg0: memref<2x10240x128xf32, #tpu.memory_space<vmem>>, %arg1: memref<1x64xf32, #tpu.memory_space<vmem>>, %arg2: memref<1x64xf32, #tpu.memory_space<vmem>>, %arg3: memref<1x64xf32, #tpu.memory_space<vmem>>, %arg4: memref<1x64xf32, #tpu.memory_space<vmem>>, %arg5: memref<64x128xf32, #tpu.memory_space<vmem>>, %arg6: memref<10000x128xf32, #tpu.memory_space<vmem>>, %arg7: memref<10000x1xf32, #tpu.memory_space<vmem>>) attributes {dimension_semantics = [], scalar_prefetch = 0 : i64, scratch_operands = 0 : i64, tpu.core_type = #tpu.core_type<tc>} {
    %get3A = arith.constant 0 : index
    %get3A_0 = arith.constant 0 : index
    %get3A_1 = arith.constant 0 : index
    %get3A_2 = vector.load %arg0[%get3A, %get3A_0, %get3A_1] : memref<2x10240x128xf32, #tpu.memory_space<vmem>>, vector<1x10240x128xf32>
    %get3A_3 = vector.shape_cast %get3A_2 : vector<1x10240x128xf32> to vector<10240x128xf32>
    %get3A_4 = arith.constant 1 : index
    %get3A_5 = arith.constant 0 : index
    %get3A_6 = arith.constant 0 : index
    %get3A_7 = vector.load %arg0[%get3A_4, %get3A_5, %get3A_6] : memref<2x10240x128xf32, #tpu.memory_space<vmem>>, vector<1x10240x128xf32>
    %get3A_8 = vector.shape_cast %get3A_7 : vector<1x10240x128xf32> to vector<10240x128xf32>
    %add3A = arith.addf %get3A_3, %get3A_8 : vector<10240x128xf32>
    %slice3A = vector.extract_strided_slice %add3A {offsets = [0, 64], sizes = [10000, 1], strides = [1, 1]} : vector<10240x128xf32> to vector<10000x1xf32>
    %swap3A = arith.constant 0 : index
    %swap3A_9 = arith.constant 0 : index
    %swap3A_10 = vector.load %arg7[%swap3A, %swap3A_9] : memref<10000x1xf32, #tpu.memory_space<vmem>>, vector<10000x1xf32>
    tpu.vector_store %arg7[%swap3A, %swap3A_9], %slice3A {strides = array<i32>} : memref<10000x1xf32, #tpu.memory_space<vmem>>, vector<10000x1xf32>,
    %slice3A_11 = vector.extract_strided_slice %add3A {offsets = [0, 0], sizes = [10000, 64], strides = [1, 1]} : vector<10240x128xf32> to vector<10000x64xf32>
    %max3A = arith.constant 1.000000e+00 : f32
    %max3A_12 = vector.broadcast %max3A : f32 to vector<10000x1xf32>
    %max3A_13 = arith.maximumf %slice3A, %max3A_12 : vector<10000x1xf32>
    %div3A = vector.broadcast %max3A_13 : vector<10000x1xf32> to vector<10000x64xf32>
    %div3A_14 = arith.divf %slice3A_11, %div3A : vector<10000x64xf32>
    %gt3A = arith.constant 0.000000e+00 : f32
    %gt3A_15 = vector.broadcast %gt3A : f32 to vector<10000x1xf32>
    %gt3A_16 = arith.cmpf ogt, %slice3A, %gt3A_15 : vector<10000x1xf32>
    %get3A_17 = arith.constant 0 : index
    %get3A_18 = arith.constant 0 : index
    %get3A_19 = vector.load %arg1[%get3A_17, %get3A_18] : memref<1x64xf32, #tpu.memory_space<vmem>>, vector<1x64xf32>
    %get3A_20 = arith.constant 0 : index
    %get3A_21 = arith.constant 0 : index
    %get3A_22 = vector.load %arg2[%get3A_20, %get3A_21] : memref<1x64xf32, #tpu.memory_space<vmem>>, vector<1x64xf32>
    %get3A_23 = arith.constant 0 : index
    %get3A_24 = arith.constant 0 : index
    %get3A_25 = vector.load %arg3[%get3A_23, %get3A_24] : memref<1x64xf32, #tpu.memory_space<vmem>>, vector<1x64xf32>
    %get3A_26 = arith.constant 0 : index
    %get3A_27 = arith.constant 0 : index
    %get3A_28 = vector.load %arg4[%get3A_26, %get3A_27] : memref<1x64xf32, #tpu.memory_space<vmem>>, vector<1x64xf32>
    %sub3A = vector.broadcast %get3A_19 : vector<1x64xf32> to vector<10000x64xf32>
    %sub3A_29 = arith.subf %div3A_14, %sub3A : vector<10000x64xf32>
    %add3A_30 = arith.constant 9.99999974E-6 : f32
    %add3A_31 = vector.broadcast %add3A_30 : f32 to vector<1x64xf32>
    %add3A_32 = arith.addf %get3A_22, %add3A_31 : vector<1x64xf32>
    %sqrt3A = math.sqrt %add3A_32 : vector<1x64xf32>
    %div3A_33 = vector.broadcast %sqrt3A : vector<1x64xf32> to vector<10000x64xf32>
    %div3A_34 = arith.divf %sub3A_29, %div3A_33 : vector<10000x64xf32>
    %mul3A = vector.broadcast %get3A_25 : vector<1x64xf32> to vector<10000x64xf32>
    %mul3A_35 = arith.mulf %div3A_34, %mul3A : vector<10000x64xf32>
    %add3A_36 = vector.broadcast %get3A_28 : vector<1x64xf32> to vector<10000x64xf32>
    %add3A_37 = arith.addf %mul3A_35, %add3A_36 : vector<10000x64xf32>
    %jit3A = arith.constant 0.000000e+00 : f32
    %broadcast_in_dim3A = vector.shape_cast %gt3A_16 : vector<10000x1xi1> to vector<10000x1xi1>
    %broadcast_in_dim3A_38 = vector.broadcast %broadcast_in_dim3A : vector<10000x1xi1> to vector<10000x64xi1>
    %broadcast_in_dim3A_39 = vector.broadcast %jit3A : f32 to vector<10000x64xf32>
    %select_n3A = arith.select %broadcast_in_dim3A_38, %add3A_37, %broadcast_in_dim3A_39 : vector<10000x64xi1>, vector<10000x64xf32>
    %get3A_40 = arith.constant 0 : index
    %get3A_41 = arith.constant 0 : index
    %get3A_42 = vector.load %arg5[%get3A_40, %get3A_41] : memref<64x128xf32, #tpu.memory_space<vmem>>, vector<64x128xf32>
    %dot_general3A = arith.constant dense<0.000000e+00> : vector<10000x128xf32>
    %dot_general3A_43 = tpu.matmul %select_n3A, %get3A_42, %dot_general3A {dimension_numbers = #tpu.dot_dimension_numbers<[1], [0], [0], [1], [0, 0, 1, 1], [], []>, transpose_lhs_hint = false} : vector<10000x64xf32>, vector<64x128xf32>, vector<10000x128xf32> -> vector<10000x128xf32>
    %swap3A_44 = arith.constant 0 : index
    %swap3A_45 = arith.constant 0 : index
    %swap3A_46 = vector.load %arg6[%swap3A_44, %swap3A_45] : memref<10000x128xf32, #tpu.memory_space<vmem>>, vector<10000x128xf32>
    tpu.vector_store %arg6[%swap3A_44, %swap3A_45], %dot_general3A_43 {strides = array<i32>} : memref<10000x128xf32, #tpu.memory_space<vmem>>, vector<10000x128xf32>,
    return
  }
}

module attributes {stable_mosaic.version = 14 : i64} {
  func.func @_bnmm_body(%arg0: memref<10000x128xf32, #tpu.memory_space<vmem>>, %arg1: memref<1x128xf32, #tpu.memory_space<vmem>>, %arg2: memref<1x128xf32, #tpu.memory_space<vmem>>, %arg3: memref<1x128xf32, #tpu.memory_space<vmem>>, %arg4: memref<1x128xf32, #tpu.memory_space<vmem>>, %arg5: memref<128x64xf32, #tpu.memory_space<vmem>>, %arg6: memref<10000x64xf32, #tpu.memory_space<vmem>>) attributes {dimension_semantics = [], scalar_prefetch = 0 : i64, scratch_operands = 0 : i64, tpu.core_type = #tpu.core_type<tc>} {
    %get3A = arith.constant 0 : index
    %get3A_0 = arith.constant 0 : index
    %get3A_1 = vector.load %arg0[%get3A, %get3A_0] : memref<10000x128xf32, #tpu.memory_space<vmem>>, vector<10000x128xf32>
    %get3A_2 = arith.constant 0 : index
    %get3A_3 = arith.constant 0 : index
    %get3A_4 = vector.load %arg1[%get3A_2, %get3A_3] : memref<1x128xf32, #tpu.memory_space<vmem>>, vector<1x128xf32>
    %get3A_5 = arith.constant 0 : index
    %get3A_6 = arith.constant 0 : index
    %get3A_7 = vector.load %arg2[%get3A_5, %get3A_6] : memref<1x128xf32, #tpu.memory_space<vmem>>, vector<1x128xf32>
    %get3A_8 = arith.constant 0 : index
    %get3A_9 = arith.constant 0 : index
    %get3A_10 = vector.load %arg3[%get3A_8, %get3A_9] : memref<1x128xf32, #tpu.memory_space<vmem>>, vector<1x128xf32>
    %get3A_11 = arith.constant 0 : index
    %get3A_12 = arith.constant 0 : index
    %get3A_13 = vector.load %arg4[%get3A_11, %get3A_12] : memref<1x128xf32, #tpu.memory_space<vmem>>, vector<1x128xf32>
    %sub3A = vector.broadcast %get3A_4 : vector<1x128xf32> to vector<10000x128xf32>
    %sub3A_14 = arith.subf %get3A_1, %sub3A : vector<10000x128xf32>
    %add3A = arith.constant 9.99999974E-6 : f32
    %add3A_15 = vector.broadcast %add3A : f32 to vector<1x128xf32>
    %add3A_16 = arith.addf %get3A_7, %add3A_15 : vector<1x128xf32>
    %sqrt3A = math.sqrt %add3A_16 : vector<1x128xf32>
    %div3A = vector.broadcast %sqrt3A : vector<1x128xf32> to vector<10000x128xf32>
    %div3A_17 = arith.divf %sub3A_14, %div3A : vector<10000x128xf32>
    %mul3A = vector.broadcast %get3A_10 : vector<1x128xf32> to vector<10000x128xf32>
    %mul3A_18 = arith.mulf %div3A_17, %mul3A : vector<10000x128xf32>
    %add3A_19 = vector.broadcast %get3A_13 : vector<1x128xf32> to vector<10000x128xf32>
    %add3A_20 = arith.addf %mul3A_18, %add3A_19 : vector<10000x128xf32>
    %gt3A = arith.constant 0.000000e+00 : f32
    %gt3A_21 = vector.broadcast %gt3A : f32 to vector<10000x128xf32>
    %gt3A_22 = arith.cmpf ogt, %add3A_20, %gt3A_21 : vector<10000x128xf32>
    %mul3A_23 = arith.constant 2.000000e-01 : f32
    %mul3A_24 = vector.broadcast %mul3A_23 : f32 to vector<10000x128xf32>
    %mul3A_25 = arith.mulf %mul3A_24, %add3A_20 : vector<10000x128xf32>
    %select_n3A = arith.select %gt3A_22, %add3A_20, %mul3A_25 : vector<10000x128xi1>, vector<10000x128xf32>
    %get3A_26 = arith.constant 0 : index
    %get3A_27 = arith.constant 0 : index
    %get3A_28 = vector.load %arg5[%get3A_26, %get3A_27] : memref<128x64xf32, #tpu.memory_space<vmem>>, vector<128x64xf32>
    %dot_general3A = arith.constant dense<0.000000e+00> : vector<10000x64xf32>
    %dot_general3A_29 = tpu.matmul %select_n3A, %get3A_28, %dot_general3A {dimension_numbers = #tpu.dot_dimension_numbers<[1], [0], [0], [1], [0, 0, 1, 1], [], []>, transpose_lhs_hint = false} : vector<10000x128xf32>, vector<128x64xf32>, vector<10000x64xf32> -> vector<10000x64xf32>
    %swap3A = arith.constant 0 : index
    %swap3A_30 = arith.constant 0 : index
    %swap3A_31 = vector.load %arg6[%swap3A, %swap3A_30] : memref<10000x64xf32, #tpu.memory_space<vmem>>, vector<10000x64xf32>
    tpu.vector_store %arg6[%swap3A, %swap3A_30], %dot_general3A_29 {strides = array<i32>} : memref<10000x64xf32, #tpu.memory_space<vmem>>, vector<10000x64xf32>,
    return
  }
}

module attributes {stable_mosaic.version = 14 : i64} {
  func.func @_bnmm_body(%arg0: memref<10000x64xf32, #tpu.memory_space<vmem>>, %arg1: memref<1x64xf32, #tpu.memory_space<vmem>>, %arg2: memref<1x64xf32, #tpu.memory_space<vmem>>, %arg3: memref<1x64xf32, #tpu.memory_space<vmem>>, %arg4: memref<1x64xf32, #tpu.memory_space<vmem>>, %arg5: memref<64x64xf32, #tpu.memory_space<vmem>>, %arg6: memref<10000x64xf32, #tpu.memory_space<vmem>>) attributes {dimension_semantics = [], scalar_prefetch = 0 : i64, scratch_operands = 0 : i64, tpu.core_type = #tpu.core_type<tc>} {
    %get3A = arith.constant 0 : index
    %get3A_0 = arith.constant 0 : index
    %get3A_1 = vector.load %arg0[%get3A, %get3A_0] : memref<10000x64xf32, #tpu.memory_space<vmem>>, vector<10000x64xf32>
    %get3A_2 = arith.constant 0 : index
    %get3A_3 = arith.constant 0 : index
    %get3A_4 = vector.load %arg1[%get3A_2, %get3A_3] : memref<1x64xf32, #tpu.memory_space<vmem>>, vector<1x64xf32>
    %get3A_5 = arith.constant 0 : index
    %get3A_6 = arith.constant 0 : index
    %get3A_7 = vector.load %arg2[%get3A_5, %get3A_6] : memref<1x64xf32, #tpu.memory_space<vmem>>, vector<1x64xf32>
    %get3A_8 = arith.constant 0 : index
    %get3A_9 = arith.constant 0 : index
    %get3A_10 = vector.load %arg3[%get3A_8, %get3A_9] : memref<1x64xf32, #tpu.memory_space<vmem>>, vector<1x64xf32>
    %get3A_11 = arith.constant 0 : index
    %get3A_12 = arith.constant 0 : index
    %get3A_13 = vector.load %arg4[%get3A_11, %get3A_12] : memref<1x64xf32, #tpu.memory_space<vmem>>, vector<1x64xf32>
    %sub3A = vector.broadcast %get3A_4 : vector<1x64xf32> to vector<10000x64xf32>
    %sub3A_14 = arith.subf %get3A_1, %sub3A : vector<10000x64xf32>
    %add3A = arith.constant 9.99999974E-6 : f32
    %add3A_15 = vector.broadcast %add3A : f32 to vector<1x64xf32>
    %add3A_16 = arith.addf %get3A_7, %add3A_15 : vector<1x64xf32>
    %sqrt3A = math.sqrt %add3A_16 : vector<1x64xf32>
    %div3A = vector.broadcast %sqrt3A : vector<1x64xf32> to vector<10000x64xf32>
    %div3A_17 = arith.divf %sub3A_14, %div3A : vector<10000x64xf32>
    %mul3A = vector.broadcast %get3A_10 : vector<1x64xf32> to vector<10000x64xf32>
    %mul3A_18 = arith.mulf %div3A_17, %mul3A : vector<10000x64xf32>
    %add3A_19 = vector.broadcast %get3A_13 : vector<1x64xf32> to vector<10000x64xf32>
    %add3A_20 = arith.addf %mul3A_18, %add3A_19 : vector<10000x64xf32>
    %gt3A = arith.constant 0.000000e+00 : f32
    %gt3A_21 = vector.broadcast %gt3A : f32 to vector<10000x64xf32>
    %gt3A_22 = arith.cmpf ogt, %add3A_20, %gt3A_21 : vector<10000x64xf32>
    %mul3A_23 = arith.constant 2.000000e-01 : f32
    %mul3A_24 = vector.broadcast %mul3A_23 : f32 to vector<10000x64xf32>
    %mul3A_25 = arith.mulf %mul3A_24, %add3A_20 : vector<10000x64xf32>
    %select_n3A = arith.select %gt3A_22, %add3A_20, %mul3A_25 : vector<10000x64xi1>, vector<10000x64xf32>
    %get3A_26 = arith.constant 0 : index
    %get3A_27 = arith.constant 0 : index
    %get3A_28 = vector.load %arg5[%get3A_26, %get3A_27] : memref<64x64xf32, #tpu.memory_space<vmem>>, vector<64x64xf32>
    %dot_general3A = arith.constant dense<0.000000e+00> : vector<10000x64xf32>
    %dot_general3A_29 = tpu.matmul %select_n3A, %get3A_28, %dot_general3A {dimension_numbers = #tpu.dot_dimension_numbers<[1], [0], [0], [1], [0, 0, 1, 1], [], []>, transpose_lhs_hint = false} : vector<10000x64xf32>, vector<64x64xf32>, vector<10000x64xf32> -> vector<10000x64xf32>
    %swap3A = arith.constant 0 : index
    %swap3A_30 = arith.constant 0 : index
    %swap3A_31 = vector.load %arg6[%swap3A, %swap3A_30] : memref<10000x64xf32, #tpu.memory_space<vmem>>, vector<10000x64xf32>
    tpu.vector_store %arg6[%swap3A, %swap3A_30], %dot_general3A_29 {strides = array<i32>} : memref<10000x64xf32, #tpu.memory_space<vmem>>, vector<10000x64xf32>,
    return
  }
}

module attributes {stable_mosaic.version = 14 : i64} {
  func.func @_bn_only_body(%arg0: memref<10000x64xf32, #tpu.memory_space<vmem>>, %arg1: memref<1x64xf32, #tpu.memory_space<vmem>>, %arg2: memref<1x64xf32, #tpu.memory_space<vmem>>, %arg3: memref<1x64xf32, #tpu.memory_space<vmem>>, %arg4: memref<1x64xf32, #tpu.memory_space<vmem>>, %arg5: memref<10000x64xf32, #tpu.memory_space<vmem>>) attributes {dimension_semantics = [], scalar_prefetch = 0 : i64, scratch_operands = 0 : i64, tpu.core_type = #tpu.core_type<tc>} {
    %get3A = arith.constant 0 : index
    %get3A_0 = arith.constant 0 : index
    %get3A_1 = vector.load %arg0[%get3A, %get3A_0] : memref<10000x64xf32, #tpu.memory_space<vmem>>, vector<10000x64xf32>
    %get3A_2 = arith.constant 0 : index
    %get3A_3 = arith.constant 0 : index
    %get3A_4 = vector.load %arg1[%get3A_2, %get3A_3] : memref<1x64xf32, #tpu.memory_space<vmem>>, vector<1x64xf32>
    %get3A_5 = arith.constant 0 : index
    %get3A_6 = arith.constant 0 : index
    %get3A_7 = vector.load %arg2[%get3A_5, %get3A_6] : memref<1x64xf32, #tpu.memory_space<vmem>>, vector<1x64xf32>
    %get3A_8 = arith.constant 0 : index
    %get3A_9 = arith.constant 0 : index
    %get3A_10 = vector.load %arg3[%get3A_8, %get3A_9] : memref<1x64xf32, #tpu.memory_space<vmem>>, vector<1x64xf32>
    %get3A_11 = arith.constant 0 : index
    %get3A_12 = arith.constant 0 : index
    %get3A_13 = vector.load %arg4[%get3A_11, %get3A_12] : memref<1x64xf32, #tpu.memory_space<vmem>>, vector<1x64xf32>
    %sub3A = vector.broadcast %get3A_4 : vector<1x64xf32> to vector<10000x64xf32>
    %sub3A_14 = arith.subf %get3A_1, %sub3A : vector<10000x64xf32>
    %add3A = arith.constant 9.99999974E-6 : f32
    %add3A_15 = vector.broadcast %add3A : f32 to vector<1x64xf32>
    %add3A_16 = arith.addf %get3A_7, %add3A_15 : vector<1x64xf32>
    %sqrt3A = math.sqrt %add3A_16 : vector<1x64xf32>
    %div3A = vector.broadcast %sqrt3A : vector<1x64xf32> to vector<10000x64xf32>
    %div3A_17 = arith.divf %sub3A_14, %div3A : vector<10000x64xf32>
    %mul3A = vector.broadcast %get3A_10 : vector<1x64xf32> to vector<10000x64xf32>
    %mul3A_18 = arith.mulf %div3A_17, %mul3A : vector<10000x64xf32>
    %add3A_19 = vector.broadcast %get3A_13 : vector<1x64xf32> to vector<10000x64xf32>
    %add3A_20 = arith.addf %mul3A_18, %add3A_19 : vector<10000x64xf32>
    %swap3A = arith.constant 0 : index
    %swap3A_21 = arith.constant 0 : index
    %swap3A_22 = vector.load %arg5[%swap3A, %swap3A_21] : memref<10000x64xf32, #tpu.memory_space<vmem>>, vector<10000x64xf32>
    tpu.vector_store %arg5[%swap3A, %swap3A_21], %add3A_20 {strides = array<i32>} : memref<10000x64xf32, #tpu.memory_space<vmem>>, vector<10000x64xf32>,
    return
  }
}

module attributes {stable_mosaic.version = 14 : i64} {
  func.func @_bnmm_body(%arg0: memref<10000x64xf32, #tpu.memory_space<vmem>>, %arg1: memref<1x64xf32, #tpu.memory_space<vmem>>, %arg2: memref<1x64xf32, #tpu.memory_space<vmem>>, %arg3: memref<1x64xf32, #tpu.memory_space<vmem>>, %arg4: memref<1x64xf32, #tpu.memory_space<vmem>>, %arg5: memref<64x128xf32, #tpu.memory_space<vmem>>, %arg6: memref<10000x128xf32, #tpu.memory_space<vmem>>) attributes {dimension_semantics = [], scalar_prefetch = 0 : i64, scratch_operands = 0 : i64, tpu.core_type = #tpu.core_type<tc>} {
    %get3A = arith.constant 0 : index
    %get3A_0 = arith.constant 0 : index
    %get3A_1 = vector.load %arg0[%get3A, %get3A_0] : memref<10000x64xf32, #tpu.memory_space<vmem>>, vector<10000x64xf32>
    %get3A_2 = arith.constant 0 : index
    %get3A_3 = arith.constant 0 : index
    %get3A_4 = vector.load %arg1[%get3A_2, %get3A_3] : memref<1x64xf32, #tpu.memory_space<vmem>>, vector<1x64xf32>
    %get3A_5 = arith.constant 0 : index
    %get3A_6 = arith.constant 0 : index
    %get3A_7 = vector.load %arg2[%get3A_5, %get3A_6] : memref<1x64xf32, #tpu.memory_space<vmem>>, vector<1x64xf32>
    %get3A_8 = arith.constant 0 : index
    %get3A_9 = arith.constant 0 : index
    %get3A_10 = vector.load %arg3[%get3A_8, %get3A_9] : memref<1x64xf32, #tpu.memory_space<vmem>>, vector<1x64xf32>
    %get3A_11 = arith.constant 0 : index
    %get3A_12 = arith.constant 0 : index
    %get3A_13 = vector.load %arg4[%get3A_11, %get3A_12] : memref<1x64xf32, #tpu.memory_space<vmem>>, vector<1x64xf32>
    %sub3A = vector.broadcast %get3A_4 : vector<1x64xf32> to vector<10000x64xf32>
    %sub3A_14 = arith.subf %get3A_1, %sub3A : vector<10000x64xf32>
    %add3A = arith.constant 9.99999974E-6 : f32
    %add3A_15 = vector.broadcast %add3A : f32 to vector<1x64xf32>
    %add3A_16 = arith.addf %get3A_7, %add3A_15 : vector<1x64xf32>
    %sqrt3A = math.sqrt %add3A_16 : vector<1x64xf32>
    %div3A = vector.broadcast %sqrt3A : vector<1x64xf32> to vector<10000x64xf32>
    %div3A_17 = arith.divf %sub3A_14, %div3A : vector<10000x64xf32>
    %mul3A = vector.broadcast %get3A_10 : vector<1x64xf32> to vector<10000x64xf32>
    %mul3A_18 = arith.mulf %div3A_17, %mul3A : vector<10000x64xf32>
    %add3A_19 = vector.broadcast %get3A_13 : vector<1x64xf32> to vector<10000x64xf32>
    %add3A_20 = arith.addf %mul3A_18, %add3A_19 : vector<10000x64xf32>
    %get3A_21 = arith.constant 0 : index
    %get3A_22 = arith.constant 0 : index
    %get3A_23 = vector.load %arg5[%get3A_21, %get3A_22] : memref<64x128xf32, #tpu.memory_space<vmem>>, vector<64x128xf32>
    %dot_general3A = arith.constant dense<0.000000e+00> : vector<10000x128xf32>
    %dot_general3A_24 = tpu.matmul %add3A_20, %get3A_23, %dot_general3A {dimension_numbers = #tpu.dot_dimension_numbers<[1], [0], [0], [1], [0, 0, 1, 1], [], []>, transpose_lhs_hint = false} : vector<10000x64xf32>, vector<64x128xf32>, vector<10000x128xf32> -> vector<10000x128xf32>
    %swap3A = arith.constant 0 : index
    %swap3A_25 = arith.constant 0 : index
    %swap3A_26 = vector.load %arg6[%swap3A, %swap3A_25] : memref<10000x128xf32, #tpu.memory_space<vmem>>, vector<10000x128xf32>
    tpu.vector_store %arg6[%swap3A, %swap3A_25], %dot_general3A_24 {strides = array<i32>} : memref<10000x128xf32, #tpu.memory_space<vmem>>, vector<10000x128xf32>,
    return
  }
}

module attributes {stable_mosaic.version = 14 : i64} {
  func.func @_bn_only_body(%arg0: memref<10000x64xf32, #tpu.memory_space<vmem>>, %arg1: memref<1x64xf32, #tpu.memory_space<vmem>>, %arg2: memref<1x64xf32, #tpu.memory_space<vmem>>, %arg3: memref<1x64xf32, #tpu.memory_space<vmem>>, %arg4: memref<1x64xf32, #tpu.memory_space<vmem>>, %arg5: memref<10000x64xf32, #tpu.memory_space<vmem>>) attributes {dimension_semantics = [], scalar_prefetch = 0 : i64, scratch_operands = 0 : i64, tpu.core_type = #tpu.core_type<tc>} {
    %get3A = arith.constant 0 : index
    %get3A_0 = arith.constant 0 : index
    %get3A_1 = vector.load %arg0[%get3A, %get3A_0] : memref<10000x64xf32, #tpu.memory_space<vmem>>, vector<10000x64xf32>
    %get3A_2 = arith.constant 0 : index
    %get3A_3 = arith.constant 0 : index
    %get3A_4 = vector.load %arg1[%get3A_2, %get3A_3] : memref<1x64xf32, #tpu.memory_space<vmem>>, vector<1x64xf32>
    %get3A_5 = arith.constant 0 : index
    %get3A_6 = arith.constant 0 : index
    %get3A_7 = vector.load %arg2[%get3A_5, %get3A_6] : memref<1x64xf32, #tpu.memory_space<vmem>>, vector<1x64xf32>
    %get3A_8 = arith.constant 0 : index
    %get3A_9 = arith.constant 0 : index
    %get3A_10 = vector.load %arg3[%get3A_8, %get3A_9] : memref<1x64xf32, #tpu.memory_space<vmem>>, vector<1x64xf32>
    %get3A_11 = arith.constant 0 : index
    %get3A_12 = arith.constant 0 : index
    %get3A_13 = vector.load %arg4[%get3A_11, %get3A_12] : memref<1x64xf32, #tpu.memory_space<vmem>>, vector<1x64xf32>
    %sub3A = vector.broadcast %get3A_4 : vector<1x64xf32> to vector<10000x64xf32>
    %sub3A_14 = arith.subf %get3A_1, %sub3A : vector<10000x64xf32>
    %add3A = arith.constant 9.99999974E-6 : f32
    %add3A_15 = vector.broadcast %add3A : f32 to vector<1x64xf32>
    %add3A_16 = arith.addf %get3A_7, %add3A_15 : vector<1x64xf32>
    %sqrt3A = math.sqrt %add3A_16 : vector<1x64xf32>
    %div3A = vector.broadcast %sqrt3A : vector<1x64xf32> to vector<10000x64xf32>
    %div3A_17 = arith.divf %sub3A_14, %div3A : vector<10000x64xf32>
    %mul3A = vector.broadcast %get3A_10 : vector<1x64xf32> to vector<10000x64xf32>
    %mul3A_18 = arith.mulf %div3A_17, %mul3A : vector<10000x64xf32>
    %add3A_19 = vector.broadcast %get3A_13 : vector<1x64xf32> to vector<10000x64xf32>
    %add3A_20 = arith.addf %mul3A_18, %add3A_19 : vector<10000x64xf32>
    %tanh3A = math.tanh %add3A_20 : vector<10000x64xf32>
    %swap3A = arith.constant 0 : index
    %swap3A_21 = arith.constant 0 : index
    %swap3A_22 = vector.load %arg5[%swap3A, %swap3A_21] : memref<10000x64xf32, #tpu.memory_space<vmem>>, vector<10000x64xf32>
    tpu.vector_store %arg5[%swap3A, %swap3A_21], %tanh3A {strides = array<i32>} : memref<10000x64xf32, #tpu.memory_space<vmem>>, vector<10000x64xf32>,
    return
  }
}

module attributes {stable_mosaic.version = 14 : i64} {
  func.func @_pass1_body(%arg0: i32, %arg1: memref<2560x16xf32, #tpu.memory_space<vmem>>, %arg2: memref<2560x128xf32, #tpu.memory_space<vmem>>, %arg3: memref<2560x128xf32, #tpu.memory_space<vmem>>, %arg4: memref<1x16xf32, #tpu.memory_space<vmem>>, %arg5: memref<1x16xf32, #tpu.memory_space<vmem>>, %arg6: memref<1x16xf32, #tpu.memory_space<vmem>>, %arg7: memref<1x16xf32, #tpu.memory_space<vmem>>, %arg8: memref<144x128xf32, #tpu.memory_space<vmem>>, %arg9: memref<2560x128xf32, #tpu.memory_space<vmem>>) attributes {dimension_semantics = [#tpu.dimension_semantics<arbitrary>], iteration_bounds = array<i64: 125>, scalar_prefetch = 0 : i64, scratch_operands = 0 : i64, tpu.core_type = #tpu.core_type<tc>, window_params = [{transform_indices = @transform_0, window_bounds = array<i64: 2560, 16>}, {transform_indices = @transform_1, window_bounds = array<i64: 2560, 128>}, {transform_indices = @transform_2, window_bounds = array<i64: 2560, 128>}, {pipeline_mode = #tpu.pipeline_mode<synchronous>, transform_indices = @transform_3, window_bounds = array<i64: 1, 16>}, {pipeline_mode = #tpu.pipeline_mode<synchronous>, transform_indices = @transform_4, window_bounds = array<i64: 1, 16>}, {pipeline_mode = #tpu.pipeline_mode<synchronous>, transform_indices = @transform_5, window_bounds = array<i64: 1, 16>}, {pipeline_mode = #tpu.pipeline_mode<synchronous>, transform_indices = @transform_6, window_bounds = array<i64: 1, 16>}, {pipeline_mode = #tpu.pipeline_mode<synchronous>, transform_indices = @transform_7, window_bounds = array<i64: 144, 128>}, {transform_indices = @transform_8, window_bounds = array<i64: 2560, 128>}]} {
    %get3A = arith.constant 0 : index
    %get3A_0 = arith.constant 0 : index
    %get3A_1 = vector.load %arg1[%get3A, %get3A_0] : memref<2560x16xf32, #tpu.memory_space<vmem>>, vector<2560x16xf32>
    %get3A_2 = arith.constant 0 : index
    %get3A_3 = arith.constant 0 : index
    %get3A_4 = vector.load %arg4[%get3A_2, %get3A_3] : memref<1x16xf32, #tpu.memory_space<vmem>>, vector<1x16xf32>
    %get3A_5 = arith.constant 0 : index
    %get3A_6 = arith.constant 0 : index
    %get3A_7 = vector.load %arg5[%get3A_5, %get3A_6] : memref<1x16xf32, #tpu.memory_space<vmem>>, vector<1x16xf32>
    %get3A_8 = arith.constant 0 : index
    %get3A_9 = arith.constant 0 : index
    %get3A_10 = vector.load %arg6[%get3A_8, %get3A_9] : memref<1x16xf32, #tpu.memory_space<vmem>>, vector<1x16xf32>
    %get3A_11 = arith.constant 0 : index
    %get3A_12 = arith.constant 0 : index
    %get3A_13 = vector.load %arg7[%get3A_11, %get3A_12] : memref<1x16xf32, #tpu.memory_space<vmem>>, vector<1x16xf32>
    %sub3A = vector.broadcast %get3A_4 : vector<1x16xf32> to vector<2560x16xf32>
    %sub3A_14 = arith.subf %get3A_1, %sub3A : vector<2560x16xf32>
    %add3A = arith.constant 9.99999974E-6 : f32
    %add3A_15 = vector.broadcast %add3A : f32 to vector<1x16xf32>
    %add3A_16 = arith.addf %get3A_7, %add3A_15 : vector<1x16xf32>
    %sqrt3A = math.sqrt %add3A_16 : vector<1x16xf32>
    %div3A = vector.broadcast %sqrt3A : vector<1x16xf32> to vector<2560x16xf32>
    %div3A_17 = arith.divf %sub3A_14, %div3A : vector<2560x16xf32>
    %mul3A = vector.broadcast %get3A_10 : vector<1x16xf32> to vector<2560x16xf32>
    %mul3A_18 = arith.mulf %div3A_17, %mul3A : vector<2560x16xf32>
    %add3A_19 = vector.broadcast %get3A_13 : vector<1x16xf32> to vector<2560x16xf32>
    %add3A_20 = arith.addf %mul3A_18, %add3A_19 : vector<2560x16xf32>
    %tanh3A = math.tanh %add3A_20 : vector<2560x16xf32>
    %get3A_21 = arith.constant 0 : index
    %get3A_22 = arith.constant 0 : index
    %get3A_23 = vector.load %arg2[%get3A_21, %get3A_22] : memref<2560x128xf32, #tpu.memory_space<vmem>>, vector<2560x128xf32>
    %slice3A = vector.extract_strided_slice %get3A_23 {offsets = [0, 0], sizes = [2560, 64], strides = [1, 1]} : vector<2560x128xf32> to vector<2560x64xf32>
    %get3A_24 = arith.constant 0 : index
    %get3A_25 = arith.constant 0 : index
    %get3A_26 = vector.load %arg3[%get3A_24, %get3A_25] : memref<2560x128xf32, #tpu.memory_space<vmem>>, vector<2560x128xf32>
    %slice3A_27 = vector.extract_strided_slice %get3A_26 {offsets = [0, 0], sizes = [2560, 64], strides = [1, 1]} : vector<2560x128xf32> to vector<2560x64xf32>
    %concatenate3A = tpu.concatenate %tanh3A, %slice3A, %slice3A_27 in 1 : vector<2560x16xf32>, vector<2560x64xf32>, vector<2560x64xf32> -> vector<2560x144xf32>
    %get3A_28 = arith.constant 0 : index
    %get3A_29 = arith.constant 0 : index
    %get3A_30 = vector.load %arg8[%get3A_28, %get3A_29] : memref<144x128xf32, #tpu.memory_space<vmem>>, vector<144x128xf32>
    %dot_general3A = arith.constant dense<0.000000e+00> : vector<2560x128xf32>
    %dot_general3A_31 = tpu.matmul %concatenate3A, %get3A_30, %dot_general3A {dimension_numbers = #tpu.dot_dimension_numbers<[1], [0], [0], [1], [0, 0, 1, 1], [], []>, transpose_lhs_hint = false} : vector<2560x144xf32>, vector<144x128xf32>, vector<2560x128xf32> -> vector<2560x128xf32>
    %swap3A = arith.constant 0 : index
    %swap3A_32 = arith.constant 0 : index
    %swap3A_33 = vector.load %arg9[%swap3A, %swap3A_32] : memref<2560x128xf32, #tpu.memory_space<vmem>>, vector<2560x128xf32>
    tpu.vector_store %arg9[%swap3A, %swap3A_32], %dot_general3A_31 {strides = array<i32>} : memref<2560x128xf32, #tpu.memory_space<vmem>>, vector<2560x128xf32>,
    return
  }
  func.func @transform_0(%arg0: i32) -> (i32, i32) {
    %c0_i32 = arith.constant 0 : i32
    %c0_i32_0 = arith.constant 0 : i32
    return %arg0, %c0_i32 : i32, i32
  }
  func.func @transform_1(%arg0: i32) -> (i32, i32) {
    %c0_i32 = arith.constant 0 : i32
    %c0_i32_0 = arith.constant 0 : i32
    return %arg0, %c0_i32 : i32, i32
  }
  func.func @transform_2(%arg0: i32) -> (i32, i32) {
    %c0_i32 = arith.constant 0 : i32
    %c0_i32_0 = arith.constant 0 : i32
    return %arg0, %c0_i32 : i32, i32
  }
  func.func @transform_3(%arg0: i32) -> (i32, i32) {
    %c0_i32 = arith.constant 0 : i32
    %c0_i32_0 = arith.constant 0 : i32
    %c0_i32_1 = arith.constant 0 : i32
    return %c0_i32, %c0_i32_0 : i32, i32
  }
  func.func @transform_4(%arg0: i32) -> (i32, i32) {
    %c0_i32 = arith.constant 0 : i32
    %c0_i32_0 = arith.constant 0 : i32
    %c0_i32_1 = arith.constant 0 : i32
    return %c0_i32, %c0_i32_0 : i32, i32
  }
  func.func @transform_5(%arg0: i32) -> (i32, i32) {
    %c0_i32 = arith.constant 0 : i32
    %c0_i32_0 = arith.constant 0 : i32
    %c0_i32_1 = arith.constant 0 : i32
    return %c0_i32, %c0_i32_0 : i32, i32
  }
  func.func @transform_6(%arg0: i32) -> (i32, i32) {
    %c0_i32 = arith.constant 0 : i32
    %c0_i32_0 = arith.constant 0 : i32
    %c0_i32_1 = arith.constant 0 : i32
    return %c0_i32, %c0_i32_0 : i32, i32
  }
  func.func @transform_7(%arg0: i32) -> (i32, i32) {
    %c0_i32 = arith.constant 0 : i32
    %c0_i32_0 = arith.constant 0 : i32
    %c0_i32_1 = arith.constant 0 : i32
    return %c0_i32, %c0_i32_0 : i32, i32
  }
  func.func @transform_8(%arg0: i32) -> (i32, i32) {
    %c0_i32 = arith.constant 0 : i32
    %c0_i32_0 = arith.constant 0 : i32
    return %arg0, %c0_i32 : i32, i32
  }
}

module attributes {stable_mosaic.version = 14 : i64} {
  func.func @_mid_body(%arg0: i32, %arg1: memref<2560x64xf32, #tpu.memory_space<vmem>>, %arg2: memref<1x64xf32, #tpu.memory_space<vmem>>, %arg3: memref<1x64xf32, #tpu.memory_space<vmem>>, %arg4: memref<1x64xf32, #tpu.memory_space<vmem>>, %arg5: memref<1x64xf32, #tpu.memory_space<vmem>>, %arg6: memref<64x64xf32, #tpu.memory_space<vmem>>, %arg7: memref<2560x64xf32, #tpu.memory_space<vmem>>) attributes {dimension_semantics = [#tpu.dimension_semantics<arbitrary>], iteration_bounds = array<i64: 125>, scalar_prefetch = 0 : i64, scratch_operands = 0 : i64, tpu.core_type = #tpu.core_type<tc>, window_params = [{transform_indices = @transform_0, window_bounds = array<i64: 2560, 64>}, {pipeline_mode = #tpu.pipeline_mode<synchronous>, transform_indices = @transform_1, window_bounds = array<i64: 1, 64>}, {pipeline_mode = #tpu.pipeline_mode<synchronous>, transform_indices = @transform_2, window_bounds = array<i64: 1, 64>}, {pipeline_mode = #tpu.pipeline_mode<synchronous>, transform_indices = @transform_3, window_bounds = array<i64: 1, 64>}, {pipeline_mode = #tpu.pipeline_mode<synchronous>, transform_indices = @transform_4, window_bounds = array<i64: 1, 64>}, {pipeline_mode = #tpu.pipeline_mode<synchronous>, transform_indices = @transform_5, window_bounds = array<i64: 64, 64>}, {transform_indices = @transform_6, window_bounds = array<i64: 2560, 64>}]} {
    %get3A = arith.constant 0 : index
    %get3A_0 = arith.constant 0 : index
    %get3A_1 = vector.load %arg1[%get3A, %get3A_0] : memref<2560x64xf32, #tpu.memory_space<vmem>>, vector<2560x64xf32>
    %get3A_2 = arith.constant 0 : index
    %get3A_3 = arith.constant 0 : index
    %get3A_4 = vector.load %arg2[%get3A_2, %get3A_3] : memref<1x64xf32, #tpu.memory_space<vmem>>, vector<1x64xf32>
    %get3A_5 = arith.constant 0 : index
    %get3A_6 = arith.constant 0 : index
    %get3A_7 = vector.load %arg3[%get3A_5, %get3A_6] : memref<1x64xf32, #tpu.memory_space<vmem>>, vector<1x64xf32>
    %get3A_8 = arith.constant 0 : index
    %get3A_9 = arith.constant 0 : index
    %get3A_10 = vector.load %arg4[%get3A_8, %get3A_9] : memref<1x64xf32, #tpu.memory_space<vmem>>, vector<1x64xf32>
    %get3A_11 = arith.constant 0 : index
    %get3A_12 = arith.constant 0 : index
    %get3A_13 = vector.load %arg5[%get3A_11, %get3A_12] : memref<1x64xf32, #tpu.memory_space<vmem>>, vector<1x64xf32>
    %sub3A = vector.broadcast %get3A_4 : vector<1x64xf32> to vector<2560x64xf32>
    %sub3A_14 = arith.subf %get3A_1, %sub3A : vector<2560x64xf32>
    %add3A = arith.constant 9.99999974E-6 : f32
    %add3A_15 = vector.broadcast %add3A : f32 to vector<1x64xf32>
    %add3A_16 = arith.addf %get3A_7, %add3A_15 : vector<1x64xf32>
    %sqrt3A = math.sqrt %add3A_16 : vector<1x64xf32>
    %div3A = vector.broadcast %sqrt3A : vector<1x64xf32> to vector<2560x64xf32>
    %div3A_17 = arith.divf %sub3A_14, %div3A : vector<2560x64xf32>
    %mul3A = vector.broadcast %get3A_10 : vector<1x64xf32> to vector<2560x64xf32>
    %mul3A_18 = arith.mulf %div3A_17, %mul3A : vector<2560x64xf32>
    %add3A_19 = vector.broadcast %get3A_13 : vector<1x64xf32> to vector<2560x64xf32>
    %add3A_20 = arith.addf %mul3A_18, %add3A_19 : vector<2560x64xf32>
    %gt3A = arith.constant 0.000000e+00 : f32
    %gt3A_21 = vector.broadcast %gt3A : f32 to vector<2560x64xf32>
    %gt3A_22 = arith.cmpf ogt, %add3A_20, %gt3A_21 : vector<2560x64xf32>
    %mul3A_23 = arith.constant 2.000000e-01 : f32
    %mul3A_24 = vector.broadcast %mul3A_23 : f32 to vector<2560x64xf32>
    %mul3A_25 = arith.mulf %mul3A_24, %add3A_20 : vector<2560x64xf32>
    %select_n3A = arith.select %gt3A_22, %add3A_20, %mul3A_25 : vector<2560x64xi1>, vector<2560x64xf32>
    %get3A_26 = arith.constant 0 : index
    %get3A_27 = arith.constant 0 : index
    %get3A_28 = vector.load %arg6[%get3A_26, %get3A_27] : memref<64x64xf32, #tpu.memory_space<vmem>>, vector<64x64xf32>
    %dot_general3A = arith.constant dense<0.000000e+00> : vector<2560x64xf32>
    %dot_general3A_29 = tpu.matmul %select_n3A, %get3A_28, %dot_general3A {dimension_numbers = #tpu.dot_dimension_numbers<[1], [0], [0], [1], [0, 0, 1, 1], [], []>, transpose_lhs_hint = false} : vector<2560x64xf32>, vector<64x64xf32>, vector<2560x64xf32> -> vector<2560x64xf32>
    %swap3A = arith.constant 0 : index
    %swap3A_30 = arith.constant 0 : index
    %swap3A_31 = vector.load %arg7[%swap3A, %swap3A_30] : memref<2560x64xf32, #tpu.memory_space<vmem>>, vector<2560x64xf32>
    tpu.vector_store %arg7[%swap3A, %swap3A_30], %dot_general3A_29 {strides = array<i32>} : memref<2560x64xf32, #tpu.memory_space<vmem>>, vector<2560x64xf32>,
    return
  }
  func.func @transform_0(%arg0: i32) -> (i32, i32) {
    %c0_i32 = arith.constant 0 : i32
    %c0_i32_0 = arith.constant 0 : i32
    return %arg0, %c0_i32 : i32, i32
  }
  func.func @transform_1(%arg0: i32) -> (i32, i32) {
    %c0_i32 = arith.constant 0 : i32
    %c0_i32_0 = arith.constant 0 : i32
    %c0_i32_1 = arith.constant 0 : i32
    return %c0_i32, %c0_i32_0 : i32, i32
  }
  func.func @transform_2(%arg0: i32) -> (i32, i32) {
    %c0_i32 = arith.constant 0 : i32
    %c0_i32_0 = arith.constant 0 : i32
    %c0_i32_1 = arith.constant 0 : i32
    return %c0_i32, %c0_i32_0 : i32, i32
  }
  func.func @transform_3(%arg0: i32) -> (i32, i32) {
    %c0_i32 = arith.constant 0 : i32
    %c0_i32_0 = arith.constant 0 : i32
    %c0_i32_1 = arith.constant 0 : i32
    return %c0_i32, %c0_i32_0 : i32, i32
  }
  func.func @transform_4(%arg0: i32) -> (i32, i32) {
    %c0_i32 = arith.constant 0 : i32
    %c0_i32_0 = arith.constant 0 : i32
    %c0_i32_1 = arith.constant 0 : i32
    return %c0_i32, %c0_i32_0 : i32, i32
  }
  func.func @transform_5(%arg0: i32) -> (i32, i32) {
    %c0_i32 = arith.constant 0 : i32
    %c0_i32_0 = arith.constant 0 : i32
    %c0_i32_1 = arith.constant 0 : i32
    return %c0_i32, %c0_i32_0 : i32, i32
  }
  func.func @transform_6(%arg0: i32) -> (i32, i32) {
    %c0_i32 = arith.constant 0 : i32
    %c0_i32_0 = arith.constant 0 : i32
    return %arg0, %c0_i32 : i32, i32
  }
}

module attributes {stable_mosaic.version = 14 : i64} {
  func.func @_p35_body(%arg0: i32, %arg1: memref<2560x64xf32, #tpu.memory_space<vmem>>, %arg2: memref<1x64xf32, #tpu.memory_space<vmem>>, %arg3: memref<1x64xf32, #tpu.memory_space<vmem>>, %arg4: memref<1x64xf32, #tpu.memory_space<vmem>>, %arg5: memref<1x64xf32, #tpu.memory_space<vmem>>, %arg6: memref<64x2560xf32, #tpu.memory_space<vmem>>) attributes {dimension_semantics = [#tpu.dimension_semantics<arbitrary>], iteration_bounds = array<i64: 125>, scalar_prefetch = 0 : i64, scratch_operands = 0 : i64, tpu.core_type = #tpu.core_type<tc>, window_params = [{transform_indices = @transform_0, window_bounds = array<i64: 2560, 64>}, {pipeline_mode = #tpu.pipeline_mode<synchronous>, transform_indices = @transform_1, window_bounds = array<i64: 1, 64>}, {pipeline_mode = #tpu.pipeline_mode<synchronous>, transform_indices = @transform_2, window_bounds = array<i64: 1, 64>}, {pipeline_mode = #tpu.pipeline_mode<synchronous>, transform_indices = @transform_3, window_bounds = array<i64: 1, 64>}, {pipeline_mode = #tpu.pipeline_mode<synchronous>, transform_indices = @transform_4, window_bounds = array<i64: 1, 64>}, {transform_indices = @transform_5, window_bounds = array<i64: 64, 2560>}]} {
    %get3A = arith.constant 0 : index
    %get3A_0 = arith.constant 0 : index
    %get3A_1 = vector.load %arg1[%get3A, %get3A_0] : memref<2560x64xf32, #tpu.memory_space<vmem>>, vector<2560x64xf32>
    %get3A_2 = arith.constant 0 : index
    %get3A_3 = arith.constant 0 : index
    %get3A_4 = vector.load %arg2[%get3A_2, %get3A_3] : memref<1x64xf32, #tpu.memory_space<vmem>>, vector<1x64xf32>
    %get3A_5 = arith.constant 0 : index
    %get3A_6 = arith.constant 0 : index
    %get3A_7 = vector.load %arg3[%get3A_5, %get3A_6] : memref<1x64xf32, #tpu.memory_space<vmem>>, vector<1x64xf32>
    %get3A_8 = arith.constant 0 : index
    %get3A_9 = arith.constant 0 : index
    %get3A_10 = vector.load %arg4[%get3A_8, %get3A_9] : memref<1x64xf32, #tpu.memory_space<vmem>>, vector<1x64xf32>
    %get3A_11 = arith.constant 0 : index
    %get3A_12 = arith.constant 0 : index
    %get3A_13 = vector.load %arg5[%get3A_11, %get3A_12] : memref<1x64xf32, #tpu.memory_space<vmem>>, vector<1x64xf32>
    %sub3A = vector.broadcast %get3A_4 : vector<1x64xf32> to vector<2560x64xf32>
    %sub3A_14 = arith.subf %get3A_1, %sub3A : vector<2560x64xf32>
    %add3A = arith.constant 9.99999974E-6 : f32
    %add3A_15 = vector.broadcast %add3A : f32 to vector<1x64xf32>
    %add3A_16 = arith.addf %get3A_7, %add3A_15 : vector<1x64xf32>
    %sqrt3A = math.sqrt %add3A_16 : vector<1x64xf32>
    %div3A = vector.broadcast %sqrt3A : vector<1x64xf32> to vector<2560x64xf32>
    %div3A_17 = arith.divf %sub3A_14, %div3A : vector<2560x64xf32>
    %mul3A = vector.broadcast %get3A_10 : vector<1x64xf32> to vector<2560x64xf32>
    %mul3A_18 = arith.mulf %div3A_17, %mul3A : vector<2560x64xf32>
    %add3A_19 = vector.broadcast %get3A_13 : vector<1x64xf32> to vector<2560x64xf32>
    %add3A_20 = arith.addf %mul3A_18, %add3A_19 : vector<2560x64xf32>
    %transpose3A = tpu.transpose %add3A_20, [1, 0] : vector<2560x64xf32> -> vector<64x2560xf32>
    %swap3A = arith.constant 0 : index
    %swap3A_21 = arith.constant 0 : index
    %swap3A_22 = vector.load %arg6[%swap3A, %swap3A_21] : memref<64x2560xf32, #tpu.memory_space<vmem>>, vector<64x2560xf32>
    tpu.vector_store %arg6[%swap3A, %swap3A_21], %transpose3A {strides = array<i32>} : memref<64x2560xf32, #tpu.memory_space<vmem>>, vector<64x2560xf32>,
    return
  }
  func.func @transform_0(%arg0: i32) -> (i32, i32) {
    %c0_i32 = arith.constant 0 : i32
    %c0_i32_0 = arith.constant 0 : i32
    return %arg0, %c0_i32 : i32, i32
  }
  func.func @transform_1(%arg0: i32) -> (i32, i32) {
    %c0_i32 = arith.constant 0 : i32
    %c0_i32_0 = arith.constant 0 : i32
    %c0_i32_1 = arith.constant 0 : i32
    return %c0_i32, %c0_i32_0 : i32, i32
  }
  func.func @transform_2(%arg0: i32) -> (i32, i32) {
    %c0_i32 = arith.constant 0 : i32
    %c0_i32_0 = arith.constant 0 : i32
    %c0_i32_1 = arith.constant 0 : i32
    return %c0_i32, %c0_i32_0 : i32, i32
  }
  func.func @transform_3(%arg0: i32) -> (i32, i32) {
    %c0_i32 = arith.constant 0 : i32
    %c0_i32_0 = arith.constant 0 : i32
    %c0_i32_1 = arith.constant 0 : i32
    return %c0_i32, %c0_i32_0 : i32, i32
  }
  func.func @transform_4(%arg0: i32) -> (i32, i32) {
    %c0_i32 = arith.constant 0 : i32
    %c0_i32_0 = arith.constant 0 : i32
    %c0_i32_1 = arith.constant 0 : i32
    return %c0_i32, %c0_i32_0 : i32, i32
  }
  func.func @transform_5(%arg0: i32) -> (i32, i32) {
    %c0_i32 = arith.constant 0 : i32
    %c0_i32_0 = arith.constant 0 : i32
    return %c0_i32, %arg0 : i32, i32
  }
}

module attributes {stable_mosaic.version = 14 : i64} {
  func.func @_agg_max_body(%arg0: memref<64x10000xf32, #tpu.memory_space<vmem>>, %arg1: memref<10000x1xf32, #tpu.memory_space<vmem>>, %arg2: memref<64x128xf32, #tpu.memory_space<vmem>>, %arg3: memref<10000x128xf32, #tpu.memory_space<vmem>>) attributes {dimension_semantics = [], scalar_prefetch = 0 : i64, scratch_operands = 0 : i64, tpu.core_type = #tpu.core_type<tc>} {
    %get3A = arith.constant 0 : index
    %get3A_0 = arith.constant 0 : index
    %get3A_1 = vector.load %arg1[%get3A, %get3A_0] : memref<10000x1xf32, #tpu.memory_space<vmem>>, vector<10000x1xf32>
    %gt3A = arith.constant 0.000000e+00 : f32
    %gt3A_2 = vector.broadcast %gt3A : f32 to vector<10000x1xf32>
    %gt3A_3 = arith.cmpf ogt, %get3A_1, %gt3A_2 : vector<10000x1xf32>
    %get3A_4 = arith.constant 0 : index
    %get3A_5 = arith.constant 0 : index
    %get3A_6 = vector.load %arg0[%get3A_4, %get3A_5] : memref<64x10000xf32, #tpu.memory_space<vmem>>, vector<64x10000xf32>
    %transpose3A = tpu.transpose %get3A_6, [1, 0] : vector<64x10000xf32> -> vector<10000x64xf32>
    %jit3A = arith.constant 0.000000e+00 : f32
    %broadcast_in_dim3A = vector.shape_cast %gt3A_3 : vector<10000x1xi1> to vector<10000x1xi1>
    %broadcast_in_dim3A_7 = vector.broadcast %broadcast_in_dim3A : vector<10000x1xi1> to vector<10000x64xi1>
    %broadcast_in_dim3A_8 = vector.broadcast %jit3A : f32 to vector<10000x64xf32>
    %select_n3A = arith.select %broadcast_in_dim3A_7, %transpose3A, %broadcast_in_dim3A_8 : vector<10000x64xi1>, vector<10000x64xf32>
    %get3A_9 = arith.constant 0 : index
    %get3A_10 = arith.constant 0 : index
    %get3A_11 = vector.load %arg2[%get3A_9, %get3A_10] : memref<64x128xf32, #tpu.memory_space<vmem>>, vector<64x128xf32>
    %dot_general3A = arith.constant dense<0.000000e+00> : vector<10000x128xf32>
    %dot_general3A_12 = tpu.matmul %select_n3A, %get3A_11, %dot_general3A {dimension_numbers = #tpu.dot_dimension_numbers<[1], [0], [0], [1], [0, 0, 1, 1], [], []>, transpose_lhs_hint = false} : vector<10000x64xf32>, vector<64x128xf32>, vector<10000x128xf32> -> vector<10000x128xf32>
    %swap3A = arith.constant 0 : index
    %swap3A_13 = arith.constant 0 : index
    %swap3A_14 = vector.load %arg3[%swap3A, %swap3A_13] : memref<10000x128xf32, #tpu.memory_space<vmem>>, vector<10000x128xf32>
    tpu.vector_store %arg3[%swap3A, %swap3A_13], %dot_general3A_12 {strides = array<i32>} : memref<10000x128xf32, #tpu.memory_space<vmem>>, vector<10000x128xf32>,
    return
  }
}

module attributes {stable_mosaic.version = 14 : i64} {
  func.func @_agg_mean_body(%arg0: memref<2x10240x128xf32, #tpu.memory_space<vmem>>, %arg1: memref<1x64xf32, #tpu.memory_space<vmem>>, %arg2: memref<1x64xf32, #tpu.memory_space<vmem>>, %arg3: memref<1x64xf32, #tpu.memory_space<vmem>>, %arg4: memref<1x64xf32, #tpu.memory_space<vmem>>, %arg5: memref<64x128xf32, #tpu.memory_space<vmem>>, %arg6: memref<10000x128xf32, #tpu.memory_space<vmem>>, %arg7: memref<10000x1xf32, #tpu.memory_space<vmem>>) attributes {dimension_semantics = [], scalar_prefetch = 0 : i64, scratch_operands = 0 : i64, tpu.core_type = #tpu.core_type<tc>} {
    %get3A = arith.constant 0 : index
    %get3A_0 = arith.constant 0 : index
    %get3A_1 = arith.constant 0 : index
    %get3A_2 = vector.load %arg0[%get3A, %get3A_0, %get3A_1] : memref<2x10240x128xf32, #tpu.memory_space<vmem>>, vector<1x10240x128xf32>
    %get3A_3 = vector.shape_cast %get3A_2 : vector<1x10240x128xf32> to vector<10240x128xf32>
    %get3A_4 = arith.constant 1 : index
    %get3A_5 = arith.constant 0 : index
    %get3A_6 = arith.constant 0 : index
    %get3A_7 = vector.load %arg0[%get3A_4, %get3A_5, %get3A_6] : memref<2x10240x128xf32, #tpu.memory_space<vmem>>, vector<1x10240x128xf32>
    %get3A_8 = vector.shape_cast %get3A_7 : vector<1x10240x128xf32> to vector<10240x128xf32>
    %add3A = arith.addf %get3A_3, %get3A_8 : vector<10240x128xf32>
    %slice3A = vector.extract_strided_slice %add3A {offsets = [0, 64], sizes = [10000, 1], strides = [1, 1]} : vector<10240x128xf32> to vector<10000x1xf32>
    %swap3A = arith.constant 0 : index
    %swap3A_9 = arith.constant 0 : index
    %swap3A_10 = vector.load %arg7[%swap3A, %swap3A_9] : memref<10000x1xf32, #tpu.memory_space<vmem>>, vector<10000x1xf32>
    tpu.vector_store %arg7[%swap3A, %swap3A_9], %slice3A {strides = array<i32>} : memref<10000x1xf32, #tpu.memory_space<vmem>>, vector<10000x1xf32>,
    %slice3A_11 = vector.extract_strided_slice %add3A {offsets = [0, 0], sizes = [10000, 64], strides = [1, 1]} : vector<10240x128xf32> to vector<10000x64xf32>
    %max3A = arith.constant 1.000000e+00 : f32
    %max3A_12 = vector.broadcast %max3A : f32 to vector<10000x1xf32>
    %max3A_13 = arith.maximumf %slice3A, %max3A_12 : vector<10000x1xf32>
    %div3A = vector.broadcast %max3A_13 : vector<10000x1xf32> to vector<10000x64xf32>
    %div3A_14 = arith.divf %slice3A_11, %div3A : vector<10000x64xf32>
    %gt3A = arith.constant 0.000000e+00 : f32
    %gt3A_15 = vector.broadcast %gt3A : f32 to vector<10000x1xf32>
    %gt3A_16 = arith.cmpf ogt, %slice3A, %gt3A_15 : vector<10000x1xf32>
    %get3A_17 = arith.constant 0 : index
    %get3A_18 = arith.constant 0 : index
    %get3A_19 = vector.load %arg1[%get3A_17, %get3A_18] : memref<1x64xf32, #tpu.memory_space<vmem>>, vector<1x64xf32>
    %get3A_20 = arith.constant 0 : index
    %get3A_21 = arith.constant 0 : index
    %get3A_22 = vector.load %arg2[%get3A_20, %get3A_21] : memref<1x64xf32, #tpu.memory_space<vmem>>, vector<1x64xf32>
    %get3A_23 = arith.constant 0 : index
    %get3A_24 = arith.constant 0 : index
    %get3A_25 = vector.load %arg3[%get3A_23, %get3A_24] : memref<1x64xf32, #tpu.memory_space<vmem>>, vector<1x64xf32>
    %get3A_26 = arith.constant 0 : index
    %get3A_27 = arith.constant 0 : index
    %get3A_28 = vector.load %arg4[%get3A_26, %get3A_27] : memref<1x64xf32, #tpu.memory_space<vmem>>, vector<1x64xf32>
    %sub3A = vector.broadcast %get3A_19 : vector<1x64xf32> to vector<10000x64xf32>
    %sub3A_29 = arith.subf %div3A_14, %sub3A : vector<10000x64xf32>
    %add3A_30 = arith.constant 9.99999974E-6 : f32
    %add3A_31 = vector.broadcast %add3A_30 : f32 to vector<1x64xf32>
    %add3A_32 = arith.addf %get3A_22, %add3A_31 : vector<1x64xf32>
    %sqrt3A = math.sqrt %add3A_32 : vector<1x64xf32>
    %div3A_33 = vector.broadcast %sqrt3A : vector<1x64xf32> to vector<10000x64xf32>
    %div3A_34 = arith.divf %sub3A_29, %div3A_33 : vector<10000x64xf32>
    %mul3A = vector.broadcast %get3A_25 : vector<1x64xf32> to vector<10000x64xf32>
    %mul3A_35 = arith.mulf %div3A_34, %mul3A : vector<10000x64xf32>
    %add3A_36 = vector.broadcast %get3A_28 : vector<1x64xf32> to vector<10000x64xf32>
    %add3A_37 = arith.addf %mul3A_35, %add3A_36 : vector<10000x64xf32>
    %jit3A = arith.constant 0.000000e+00 : f32
    %broadcast_in_dim3A = vector.shape_cast %gt3A_16 : vector<10000x1xi1> to vector<10000x1xi1>
    %broadcast_in_dim3A_38 = vector.broadcast %broadcast_in_dim3A : vector<10000x1xi1> to vector<10000x64xi1>
    %broadcast_in_dim3A_39 = vector.broadcast %jit3A : f32 to vector<10000x64xf32>
    %select_n3A = arith.select %broadcast_in_dim3A_38, %add3A_37, %broadcast_in_dim3A_39 : vector<10000x64xi1>, vector<10000x64xf32>
    %get3A_40 = arith.constant 0 : index
    %get3A_41 = arith.constant 0 : index
    %get3A_42 = vector.load %arg5[%get3A_40, %get3A_41] : memref<64x128xf32, #tpu.memory_space<vmem>>, vector<64x128xf32>
    %dot_general3A = arith.constant dense<0.000000e+00> : vector<10000x128xf32>
    %dot_general3A_43 = tpu.matmul %select_n3A, %get3A_42, %dot_general3A {dimension_numbers = #tpu.dot_dimension_numbers<[1], [0], [0], [1], [0, 0, 1, 1], [], []>, transpose_lhs_hint = false} : vector<10000x64xf32>, vector<64x128xf32>, vector<10000x128xf32> -> vector<10000x128xf32>
    %swap3A_44 = arith.constant 0 : index
    %swap3A_45 = arith.constant 0 : index
    %swap3A_46 = vector.load %arg6[%swap3A_44, %swap3A_45] : memref<10000x128xf32, #tpu.memory_space<vmem>>, vector<10000x128xf32>
    tpu.vector_store %arg6[%swap3A_44, %swap3A_45], %dot_general3A_43 {strides = array<i32>} : memref<10000x128xf32, #tpu.memory_space<vmem>>, vector<10000x128xf32>,
    return
  }
}

module attributes {stable_mosaic.version = 14 : i64} {
  func.func @_gate1_body(%arg0: memref<10000x64xf32, #tpu.memory_space<vmem>>, %arg1: memref<10000x64xf32, #tpu.memory_space<vmem>>, %arg2: memref<10000x64xf32, #tpu.memory_space<vmem>>, %arg3: memref<192x64xf32, #tpu.memory_space<vmem>>, %arg4: memref<10000x64xf32, #tpu.memory_space<vmem>>) attributes {dimension_semantics = [], scalar_prefetch = 0 : i64, scratch_operands = 0 : i64, tpu.core_type = #tpu.core_type<tc>} {
    %get3A = arith.constant 0 : index
    %get3A_0 = arith.constant 0 : index
    %get3A_1 = vector.load %arg0[%get3A, %get3A_0] : memref<10000x64xf32, #tpu.memory_space<vmem>>, vector<10000x64xf32>
    %get3A_2 = arith.constant 0 : index
    %get3A_3 = arith.constant 0 : index
    %get3A_4 = vector.load %arg1[%get3A_2, %get3A_3] : memref<10000x64xf32, #tpu.memory_space<vmem>>, vector<10000x64xf32>
    %get3A_5 = arith.constant 0 : index
    %get3A_6 = arith.constant 0 : index
    %get3A_7 = vector.load %arg2[%get3A_5, %get3A_6] : memref<10000x64xf32, #tpu.memory_space<vmem>>, vector<10000x64xf32>
    %concatenate3A = tpu.concatenate %get3A_1, %get3A_4, %get3A_7 in 1 : vector<10000x64xf32>, vector<10000x64xf32>, vector<10000x64xf32> -> vector<10000x192xf32>
    %get3A_8 = arith.constant 0 : index
    %get3A_9 = arith.constant 0 : index
    %get3A_10 = vector.load %arg3[%get3A_8, %get3A_9] : memref<192x64xf32, #tpu.memory_space<vmem>>, vector<192x64xf32>
    %dot_general3A = arith.constant dense<0.000000e+00> : vector<10000x64xf32>
    %dot_general3A_11 = tpu.matmul %concatenate3A, %get3A_10, %dot_general3A {dimension_numbers = #tpu.dot_dimension_numbers<[1], [0], [0], [1], [0, 0, 1, 1], [], []>, transpose_lhs_hint = false} : vector<10000x192xf32>, vector<192x64xf32>, vector<10000x64xf32> -> vector<10000x64xf32>
    %swap3A = arith.constant 0 : index
    %swap3A_12 = arith.constant 0 : index
    %swap3A_13 = vector.load %arg4[%swap3A, %swap3A_12] : memref<10000x64xf32, #tpu.memory_space<vmem>>, vector<10000x64xf32>
    tpu.vector_store %arg4[%swap3A, %swap3A_12], %dot_general3A_11 {strides = array<i32>} : memref<10000x64xf32, #tpu.memory_space<vmem>>, vector<10000x64xf32>,
    return
  }
}

module attributes {stable_mosaic.version = 14 : i64} {
  func.func @_bnmm_body(%arg0: memref<10000x64xf32, #tpu.memory_space<vmem>>, %arg1: memref<1x64xf32, #tpu.memory_space<vmem>>, %arg2: memref<1x64xf32, #tpu.memory_space<vmem>>, %arg3: memref<1x64xf32, #tpu.memory_space<vmem>>, %arg4: memref<1x64xf32, #tpu.memory_space<vmem>>, %arg5: memref<64x32xf32, #tpu.memory_space<vmem>>, %arg6: memref<10000x32xf32, #tpu.memory_space<vmem>>) attributes {dimension_semantics = [], scalar_prefetch = 0 : i64, scratch_operands = 0 : i64, tpu.core_type = #tpu.core_type<tc>} {
    %get3A = arith.constant 0 : index
    %get3A_0 = arith.constant 0 : index
    %get3A_1 = vector.load %arg0[%get3A, %get3A_0] : memref<10000x64xf32, #tpu.memory_space<vmem>>, vector<10000x64xf32>
    %get3A_2 = arith.constant 0 : index
    %get3A_3 = arith.constant 0 : index
    %get3A_4 = vector.load %arg1[%get3A_2, %get3A_3] : memref<1x64xf32, #tpu.memory_space<vmem>>, vector<1x64xf32>
    %get3A_5 = arith.constant 0 : index
    %get3A_6 = arith.constant 0 : index
    %get3A_7 = vector.load %arg2[%get3A_5, %get3A_6] : memref<1x64xf32, #tpu.memory_space<vmem>>, vector<1x64xf32>
    %get3A_8 = arith.constant 0 : index
    %get3A_9 = arith.constant 0 : index
    %get3A_10 = vector.load %arg3[%get3A_8, %get3A_9] : memref<1x64xf32, #tpu.memory_space<vmem>>, vector<1x64xf32>
    %get3A_11 = arith.constant 0 : index
    %get3A_12 = arith.constant 0 : index
    %get3A_13 = vector.load %arg4[%get3A_11, %get3A_12] : memref<1x64xf32, #tpu.memory_space<vmem>>, vector<1x64xf32>
    %sub3A = vector.broadcast %get3A_4 : vector<1x64xf32> to vector<10000x64xf32>
    %sub3A_14 = arith.subf %get3A_1, %sub3A : vector<10000x64xf32>
    %add3A = arith.constant 9.99999974E-6 : f32
    %add3A_15 = vector.broadcast %add3A : f32 to vector<1x64xf32>
    %add3A_16 = arith.addf %get3A_7, %add3A_15 : vector<1x64xf32>
    %sqrt3A = math.sqrt %add3A_16 : vector<1x64xf32>
    %div3A = vector.broadcast %sqrt3A : vector<1x64xf32> to vector<10000x64xf32>
    %div3A_17 = arith.divf %sub3A_14, %div3A : vector<10000x64xf32>
    %mul3A = vector.broadcast %get3A_10 : vector<1x64xf32> to vector<10000x64xf32>
    %mul3A_18 = arith.mulf %div3A_17, %mul3A : vector<10000x64xf32>
    %add3A_19 = vector.broadcast %get3A_13 : vector<1x64xf32> to vector<10000x64xf32>
    %add3A_20 = arith.addf %mul3A_18, %add3A_19 : vector<10000x64xf32>
    %gt3A = arith.constant 0.000000e+00 : f32
    %gt3A_21 = vector.broadcast %gt3A : f32 to vector<10000x64xf32>
    %gt3A_22 = arith.cmpf ogt, %add3A_20, %gt3A_21 : vector<10000x64xf32>
    %mul3A_23 = arith.constant 2.000000e-01 : f32
    %mul3A_24 = vector.broadcast %mul3A_23 : f32 to vector<10000x64xf32>
    %mul3A_25 = arith.mulf %mul3A_24, %add3A_20 : vector<10000x64xf32>
    %select_n3A = arith.select %gt3A_22, %add3A_20, %mul3A_25 : vector<10000x64xi1>, vector<10000x64xf32>
    %get3A_26 = arith.constant 0 : index
    %get3A_27 = arith.constant 0 : index
    %get3A_28 = vector.load %arg5[%get3A_26, %get3A_27] : memref<64x32xf32, #tpu.memory_space<vmem>>, vector<64x32xf32>
    %dot_general3A = arith.constant dense<0.000000e+00> : vector<10000x32xf32>
    %dot_general3A_29 = tpu.matmul %select_n3A, %get3A_28, %dot_general3A {dimension_numbers = #tpu.dot_dimension_numbers<[1], [0], [0], [1], [0, 0, 1, 1], [], []>, transpose_lhs_hint = false} : vector<10000x64xf32>, vector<64x32xf32>, vector<10000x32xf32> -> vector<10000x32xf32>
    %swap3A = arith.constant 0 : index
    %swap3A_30 = arith.constant 0 : index
    %swap3A_31 = vector.load %arg6[%swap3A, %swap3A_30] : memref<10000x32xf32, #tpu.memory_space<vmem>>, vector<10000x32xf32>
    tpu.vector_store %arg6[%swap3A, %swap3A_30], %dot_general3A_29 {strides = array<i32>} : memref<10000x32xf32, #tpu.memory_space<vmem>>, vector<10000x32xf32>,
    return
  }
}

module attributes {stable_mosaic.version = 14 : i64} {
  func.func @_bnmm_body(%arg0: memref<10000x32xf32, #tpu.memory_space<vmem>>, %arg1: memref<1x32xf32, #tpu.memory_space<vmem>>, %arg2: memref<1x32xf32, #tpu.memory_space<vmem>>, %arg3: memref<1x32xf32, #tpu.memory_space<vmem>>, %arg4: memref<1x32xf32, #tpu.memory_space<vmem>>, %arg5: memref<32x1xf32, #tpu.memory_space<vmem>>, %arg6: memref<10000x1xf32, #tpu.memory_space<vmem>>) attributes {dimension_semantics = [], scalar_prefetch = 0 : i64, scratch_operands = 0 : i64, tpu.core_type = #tpu.core_type<tc>} {
    %get3A = arith.constant 0 : index
    %get3A_0 = arith.constant 0 : index
    %get3A_1 = vector.load %arg0[%get3A, %get3A_0] : memref<10000x32xf32, #tpu.memory_space<vmem>>, vector<10000x32xf32>
    %get3A_2 = arith.constant 0 : index
    %get3A_3 = arith.constant 0 : index
    %get3A_4 = vector.load %arg1[%get3A_2, %get3A_3] : memref<1x32xf32, #tpu.memory_space<vmem>>, vector<1x32xf32>
    %get3A_5 = arith.constant 0 : index
    %get3A_6 = arith.constant 0 : index
    %get3A_7 = vector.load %arg2[%get3A_5, %get3A_6] : memref<1x32xf32, #tpu.memory_space<vmem>>, vector<1x32xf32>
    %get3A_8 = arith.constant 0 : index
    %get3A_9 = arith.constant 0 : index
    %get3A_10 = vector.load %arg3[%get3A_8, %get3A_9] : memref<1x32xf32, #tpu.memory_space<vmem>>, vector<1x32xf32>
    %get3A_11 = arith.constant 0 : index
    %get3A_12 = arith.constant 0 : index
    %get3A_13 = vector.load %arg4[%get3A_11, %get3A_12] : memref<1x32xf32, #tpu.memory_space<vmem>>, vector<1x32xf32>
    %sub3A = vector.broadcast %get3A_4 : vector<1x32xf32> to vector<10000x32xf32>
    %sub3A_14 = arith.subf %get3A_1, %sub3A : vector<10000x32xf32>
    %add3A = arith.constant 9.99999974E-6 : f32
    %add3A_15 = vector.broadcast %add3A : f32 to vector<1x32xf32>
    %add3A_16 = arith.addf %get3A_7, %add3A_15 : vector<1x32xf32>
    %sqrt3A = math.sqrt %add3A_16 : vector<1x32xf32>
    %div3A = vector.broadcast %sqrt3A : vector<1x32xf32> to vector<10000x32xf32>
    %div3A_17 = arith.divf %sub3A_14, %div3A : vector<10000x32xf32>
    %mul3A = vector.broadcast %get3A_10 : vector<1x32xf32> to vector<10000x32xf32>
    %mul3A_18 = arith.mulf %div3A_17, %mul3A : vector<10000x32xf32>
    %add3A_19 = vector.broadcast %get3A_13 : vector<1x32xf32> to vector<10000x32xf32>
    %add3A_20 = arith.addf %mul3A_18, %add3A_19 : vector<10000x32xf32>
    %gt3A = arith.constant 0.000000e+00 : f32
    %gt3A_21 = vector.broadcast %gt3A : f32 to vector<10000x32xf32>
    %gt3A_22 = arith.cmpf ogt, %add3A_20, %gt3A_21 : vector<10000x32xf32>
    %mul3A_23 = arith.constant 2.000000e-01 : f32
    %mul3A_24 = vector.broadcast %mul3A_23 : f32 to vector<10000x32xf32>
    %mul3A_25 = arith.mulf %mul3A_24, %add3A_20 : vector<10000x32xf32>
    %select_n3A = arith.select %gt3A_22, %add3A_20, %mul3A_25 : vector<10000x32xi1>, vector<10000x32xf32>
    %get3A_26 = arith.constant 0 : index
    %get3A_27 = arith.constant 0 : index
    %get3A_28 = vector.load %arg5[%get3A_26, %get3A_27] : memref<32x1xf32, #tpu.memory_space<vmem>>, vector<32x1xf32>
    %dot_general3A = arith.constant dense<0.000000e+00> : vector<10000x1xf32>
    %dot_general3A_29 = tpu.matmul %select_n3A, %get3A_28, %dot_general3A {dimension_numbers = #tpu.dot_dimension_numbers<[1], [0], [0], [1], [0, 0, 1, 1], [], []>, transpose_lhs_hint = false} : vector<10000x32xf32>, vector<32x1xf32>, vector<10000x1xf32> -> vector<10000x1xf32>
    %swap3A = arith.constant 0 : index
    %swap3A_30 = arith.constant 0 : index
    %swap3A_31 = vector.load %arg6[%swap3A, %swap3A_30] : memref<10000x1xf32, #tpu.memory_space<vmem>>, vector<10000x1xf32>
    tpu.vector_store %arg6[%swap3A, %swap3A_30], %dot_general3A_29 {strides = array<i32>} : memref<10000x1xf32, #tpu.memory_space<vmem>>, vector<10000x1xf32>,
    return
  }
}

module attributes {stable_mosaic.version = 14 : i64} {
  func.func @_pool_body(%arg0: memref<10000x64xf32, #tpu.memory_space<vmem>>, %arg1: memref<10000x64xf32, #tpu.memory_space<vmem>>, %arg2: memref<10000x64xf32, #tpu.memory_space<vmem>>, %arg3: memref<10000x1xf32, #tpu.memory_space<vmem>>, %arg4: memref<1x1xf32, #tpu.memory_space<vmem>>, %arg5: memref<1x1xf32, #tpu.memory_space<vmem>>, %arg6: memref<1x1xf32, #tpu.memory_space<vmem>>, %arg7: memref<1x1xf32, #tpu.memory_space<vmem>>, %arg8: memref<10000x1xi32, #tpu.memory_space<vmem>>, %arg9: memref<192x8xf32, #tpu.memory_space<vmem>>, %arg10: memref<16x8xf32, #tpu.memory_space<vmem>>) attributes {dimension_semantics = [], scalar_prefetch = 0 : i64, scratch_operands = 0 : i64, tpu.core_type = #tpu.core_type<tc>} {
    %get3A = arith.constant 0 : index
    %get3A_0 = arith.constant 0 : index
    %get3A_1 = vector.load %arg0[%get3A, %get3A_0] : memref<10000x64xf32, #tpu.memory_space<vmem>>, vector<10000x64xf32>
    %get3A_2 = arith.constant 0 : index
    %get3A_3 = arith.constant 0 : index
    %get3A_4 = vector.load %arg1[%get3A_2, %get3A_3] : memref<10000x64xf32, #tpu.memory_space<vmem>>, vector<10000x64xf32>
    %get3A_5 = arith.constant 0 : index
    %get3A_6 = arith.constant 0 : index
    %get3A_7 = vector.load %arg2[%get3A_5, %get3A_6] : memref<10000x64xf32, #tpu.memory_space<vmem>>, vector<10000x64xf32>
    %concatenate3A = tpu.concatenate %get3A_1, %get3A_4, %get3A_7 in 1 : vector<10000x64xf32>, vector<10000x64xf32>, vector<10000x64xf32> -> vector<10000x192xf32>
    %get3A_8 = arith.constant 0 : index
    %get3A_9 = arith.constant 0 : index
    %get3A_10 = vector.load %arg3[%get3A_8, %get3A_9] : memref<10000x1xf32, #tpu.memory_space<vmem>>, vector<10000x1xf32>
    %get3A_11 = arith.constant 0 : index
    %get3A_12 = arith.constant 0 : index
    %get3A_13 = vector.load %arg4[%get3A_11, %get3A_12] : memref<1x1xf32, #tpu.memory_space<vmem>>, vector<1x1xf32>
    %get3A_14 = arith.constant 0 : index
    %get3A_15 = arith.constant 0 : index
    %get3A_16 = vector.load %arg5[%get3A_14, %get3A_15] : memref<1x1xf32, #tpu.memory_space<vmem>>, vector<1x1xf32>
    %get3A_17 = arith.constant 0 : index
    %get3A_18 = arith.constant 0 : index
    %get3A_19 = vector.load %arg6[%get3A_17, %get3A_18] : memref<1x1xf32, #tpu.memory_space<vmem>>, vector<1x1xf32>
    %get3A_20 = arith.constant 0 : index
    %get3A_21 = arith.constant 0 : index
    %get3A_22 = vector.load %arg7[%get3A_20, %get3A_21] : memref<1x1xf32, #tpu.memory_space<vmem>>, vector<1x1xf32>
    %sub3A = vector.broadcast %get3A_13 : vector<1x1xf32> to vector<10000x1xf32>
    %sub3A_23 = arith.subf %get3A_10, %sub3A : vector<10000x1xf32>
    %add3A = arith.constant 9.99999974E-6 : f32
    %add3A_24 = vector.broadcast %add3A : f32 to vector<1x1xf32>
    %add3A_25 = arith.addf %get3A_16, %add3A_24 : vector<1x1xf32>
    %sqrt3A = math.sqrt %add3A_25 : vector<1x1xf32>
    %div3A = vector.broadcast %sqrt3A : vector<1x1xf32> to vector<10000x1xf32>
    %div3A_26 = arith.divf %sub3A_23, %div3A : vector<10000x1xf32>
    %mul3A = vector.broadcast %get3A_19 : vector<1x1xf32> to vector<10000x1xf32>
    %mul3A_27 = arith.mulf %div3A_26, %mul3A : vector<10000x1xf32>
    %add3A_28 = vector.broadcast %get3A_22 : vector<1x1xf32> to vector<10000x1xf32>
    %add3A_29 = arith.addf %mul3A_27, %add3A_28 : vector<10000x1xf32>
    %get3A_30 = arith.constant 0 : index
    %get3A_31 = arith.constant 0 : index
    %get3A_32 = vector.load %arg8[%get3A_30, %get3A_31] : memref<10000x1xi32, #tpu.memory_space<vmem>>, vector<10000x1xi32>
    %iota3A = tpu.iota {dimensions = array<i32: 1>} : vector<1x16xi32>
    %eq3A = vector.broadcast %get3A_32 : vector<10000x1xi32> to vector<10000x16xi32>
    %eq3A_33 = vector.broadcast %iota3A : vector<1x16xi32> to vector<10000x16xi32>
    %eq3A_34 = arith.cmpi eq, %eq3A, %eq3A_33 : vector<10000x16xi32>
    %convert_element_type3A = arith.extui %eq3A_34 : vector<10000x16xi1> to vector<10000x16xi32>
    %convert_element_type3A_35 = arith.sitofp %convert_element_type3A : vector<10000x16xi32> to vector<10000x16xf32>
    %gt3A = arith.constant 0.000000e+00 : f32
    %gt3A_36 = vector.broadcast %gt3A : f32 to vector<10000x16xf32>
    %gt3A_37 = arith.cmpf ogt, %convert_element_type3A_35, %gt3A_36 : vector<10000x16xf32>
    %jit3A = arith.constant -3.000000e+38 : f32
    %broadcast_in_dim3A = vector.shape_cast %add3A_29 : vector<10000x1xf32> to vector<10000x1xf32>
    %broadcast_in_dim3A_38 = vector.broadcast %broadcast_in_dim3A : vector<10000x1xf32> to vector<10000x16xf32>
    %broadcast_in_dim3A_39 = vector.broadcast %jit3A : f32 to vector<10000x16xf32>
    %select_n3A = arith.select %gt3A_37, %broadcast_in_dim3A_38, %broadcast_in_dim3A_39 : vector<10000x16xi1>, vector<10000x16xf32>
    %reduce_max3A = arith.constant dense<0xFF800000> : vector<16xf32>
    %reduce_max3A_40 = vector.multi_reduction <maximumf>, %select_n3A, %reduce_max3A [0] : vector<10000x16xf32> to vector<16xf32>
    %broadcast_in_dim3A_41 = vector.shape_cast %reduce_max3A_40 : vector<16xf32> to vector<1x16xf32>
    %gt3A_42 = arith.constant -9.99999968E+37 : f32
    %gt3A_43 = vector.broadcast %gt3A_42 : f32 to vector<1x16xf32>
    %gt3A_44 = arith.cmpf ogt, %broadcast_in_dim3A_41, %gt3A_43 : vector<1x16xf32>
    %jit3A_45 = arith.constant 0.000000e+00 : f32
    %broadcast_in_dim3A_46 = vector.broadcast %jit3A_45 : f32 to vector<1x16xf32>
    %select_n3A_47 = arith.select %gt3A_44, %broadcast_in_dim3A_41, %broadcast_in_dim3A_46 : vector<1x16xi1>, vector<1x16xf32>
    %transpose3A = tpu.transpose %select_n3A_47, [1, 0] : vector<1x16xf32> -> vector<16x1xf32>
    %dot_general3A = arith.constant dense<0.000000e+00> : vector<10000x1xf32>
    %dot_general3A_48 = tpu.matmul %convert_element_type3A_35, %transpose3A, %dot_general3A {dimension_numbers = #tpu.dot_dimension_numbers<[1], [0], [0], [1], [0, 0, 1, 1], [], []>, precision = #tpu.contract_precision<fp32>, transpose_lhs_hint = false} : vector<10000x16xf32>, vector<16x1xf32>, vector<10000x1xf32> -> vector<10000x1xf32>
    %sub3A_49 = arith.subf %add3A_29, %dot_general3A_48 : vector<10000x1xf32>
    %exp3A = math.exp %sub3A_49 : vector<10000x1xf32>
    %dot_general3A_50 = arith.constant dense<0.000000e+00> : vector<16x1xf32>
    %dot_general3A_51 = tpu.matmul %convert_element_type3A_35, %exp3A, %dot_general3A_50 {dimension_numbers = #tpu.dot_dimension_numbers<[0], [0], [1], [1], [0, 1, 1, 1], [], []>, precision = #tpu.contract_precision<fp32>, transpose_lhs_hint = false} : vector<10000x16xf32>, vector<10000x1xf32>, vector<16x1xf32> -> vector<16x1xf32>
    %dot_general3A_52 = arith.constant dense<0.000000e+00> : vector<10000x1xf32>
    %dot_general3A_53 = tpu.matmul %convert_element_type3A_35, %dot_general3A_51, %dot_general3A_52 {dimension_numbers = #tpu.dot_dimension_numbers<[1], [0], [0], [1], [0, 0, 1, 1], [], []>, precision = #tpu.contract_precision<fp32>, transpose_lhs_hint = false} : vector<10000x16xf32>, vector<16x1xf32>, vector<10000x1xf32> -> vector<10000x1xf32>
    %max3A = arith.constant 1.000000e-16 : f32
    %max3A_54 = vector.broadcast %max3A : f32 to vector<10000x1xf32>
    %max3A_55 = arith.maximumf %dot_general3A_53, %max3A_54 : vector<10000x1xf32>
    %div3A_56 = arith.divf %exp3A, %max3A_55 : vector<10000x1xf32>
    %mul3A_57 = vector.broadcast %div3A_56 : vector<10000x1xf32> to vector<10000x192xf32>
    %mul3A_58 = arith.mulf %mul3A_57, %concatenate3A : vector<10000x192xf32>
    %dot_general3A_59 = arith.constant dense<0.000000e+00> : vector<16x192xf32>
    %dot_general3A_60 = tpu.matmul %convert_element_type3A_35, %mul3A_58, %dot_general3A_59 {dimension_numbers = #tpu.dot_dimension_numbers<[0], [0], [1], [1], [0, 1, 1, 1], [], []>, precision = #tpu.contract_precision<fp32>, transpose_lhs_hint = false} : vector<10000x16xf32>, vector<10000x192xf32>, vector<16x192xf32> -> vector<16x192xf32>
    %get3A_61 = arith.constant 0 : index
    %get3A_62 = arith.constant 0 : index
    %get3A_63 = vector.load %arg9[%get3A_61, %get3A_62] : memref<192x8xf32, #tpu.memory_space<vmem>>, vector<192x8xf32>
    %dot_general3A_64 = arith.constant dense<0.000000e+00> : vector<16x8xf32>
    %dot_general3A_65 = tpu.matmul %dot_general3A_60, %get3A_63, %dot_general3A_64 {dimension_numbers = #tpu.dot_dimension_numbers<[1], [0], [0], [1], [0, 0, 1, 1], [], []>, transpose_lhs_hint = false} : vector<16x192xf32>, vector<192x8xf32>, vector<16x8xf32> -> vector<16x8xf32>
    %swap3A = arith.constant 0 : index
    %swap3A_66 = arith.constant 0 : index
    %swap3A_67 = vector.load %arg10[%swap3A, %swap3A_66] : memref<16x8xf32, #tpu.memory_space<vmem>>, vector<16x8xf32>
    tpu.vector_store %arg10[%swap3A, %swap3A_66], %dot_general3A_65 {strides = array<i32>} : memref<16x8xf32, #tpu.memory_space<vmem>>, vector<16x8xf32>,
    return
  }
}

module attributes {stable_mosaic.version = 14 : i64} {
  func.func @_bn_only_body(%arg0: memref<16x8xf32, #tpu.memory_space<vmem>>, %arg1: memref<1x8xf32, #tpu.memory_space<vmem>>, %arg2: memref<1x8xf32, #tpu.memory_space<vmem>>, %arg3: memref<1x8xf32, #tpu.memory_space<vmem>>, %arg4: memref<1x8xf32, #tpu.memory_space<vmem>>, %arg5: memref<16x8xf32, #tpu.memory_space<vmem>>) attributes {dimension_semantics = [], scalar_prefetch = 0 : i64, scratch_operands = 0 : i64, tpu.core_type = #tpu.core_type<tc>} {
    %get3A = arith.constant 0 : index
    %get3A_0 = arith.constant 0 : index
    %get3A_1 = vector.load %arg0[%get3A, %get3A_0] : memref<16x8xf32, #tpu.memory_space<vmem>>, vector<16x8xf32>
    %get3A_2 = arith.constant 0 : index
    %get3A_3 = arith.constant 0 : index
    %get3A_4 = vector.load %arg1[%get3A_2, %get3A_3] : memref<1x8xf32, #tpu.memory_space<vmem>>, vector<1x8xf32>
    %get3A_5 = arith.constant 0 : index
    %get3A_6 = arith.constant 0 : index
    %get3A_7 = vector.load %arg2[%get3A_5, %get3A_6] : memref<1x8xf32, #tpu.memory_space<vmem>>, vector<1x8xf32>
    %get3A_8 = arith.constant 0 : index
    %get3A_9 = arith.constant 0 : index
    %get3A_10 = vector.load %arg3[%get3A_8, %get3A_9] : memref<1x8xf32, #tpu.memory_space<vmem>>, vector<1x8xf32>
    %get3A_11 = arith.constant 0 : index
    %get3A_12 = arith.constant 0 : index
    %get3A_13 = vector.load %arg4[%get3A_11, %get3A_12] : memref<1x8xf32, #tpu.memory_space<vmem>>, vector<1x8xf32>
    %sub3A = vector.broadcast %get3A_4 : vector<1x8xf32> to vector<16x8xf32>
    %sub3A_14 = arith.subf %get3A_1, %sub3A : vector<16x8xf32>
    %add3A = arith.constant 9.99999974E-6 : f32
    %add3A_15 = vector.broadcast %add3A : f32 to vector<1x8xf32>
    %add3A_16 = arith.addf %get3A_7, %add3A_15 : vector<1x8xf32>
    %sqrt3A = math.sqrt %add3A_16 : vector<1x8xf32>
    %div3A = vector.broadcast %sqrt3A : vector<1x8xf32> to vector<16x8xf32>
    %div3A_17 = arith.divf %sub3A_14, %div3A : vector<16x8xf32>
    %mul3A = vector.broadcast %get3A_10 : vector<1x8xf32> to vector<16x8xf32>
    %mul3A_18 = arith.mulf %div3A_17, %mul3A : vector<16x8xf32>
    %add3A_19 = vector.broadcast %get3A_13 : vector<1x8xf32> to vector<16x8xf32>
    %add3A_20 = arith.addf %mul3A_18, %add3A_19 : vector<16x8xf32>
    %swap3A = arith.constant 0 : index
    %swap3A_21 = arith.constant 0 : index
    %swap3A_22 = vector.load %arg5[%swap3A, %swap3A_21] : memref<16x8xf32, #tpu.memory_space<vmem>>, vector<16x8xf32>
    tpu.vector_store %arg5[%swap3A, %swap3A_21], %add3A_20 {strides = array<i32>} : memref<16x8xf32, #tpu.memory_space<vmem>>, vector<16x8xf32>,
    return
  }
}

</mosaic_0001>

<sc_bundles>
// kernel: kernel.48.cloned.1.call-start
scs
__scs_entry_jumppad:
0x0: {  	(pc) =	sbr.rel $0x88, $3  }
0x1: {  	(tag) =	ssettag $0x0;
	lr =	simm.s32 $0x1  }
0x2: {  	[smem:$0x3F2B] =	sst lr;
	_ =	strace $0xD0000000  }
0x3: {  	_ = 	snop  }
0x4: {  	_ = 	snop  }
0x5: {  	_ = 	snop  }
0x6: {  	_ = 	snop  }
0x7: {  	_ = 	snop  }
__scs_overlays_trampoline_lowered:
0x8: {  	[smem:$0x3F3A] =	sst s0  }
0x9: {  	[smem:$0x3F3B] =	sst s1  }
0xa: {  	[smem:$0x3F3C] =	sst s2  }
0xb: {  	[smem:$0x3F3D] =	sst s3  }
0xc: {  	[smem:$0x3F3E] =	sst s4  }
0xd: {  	[smem:$0x3F3F] =	sst s5  }
0xe: {  	[smem:$0x3F40] =	sst s6  }
0xf: {  	[smem:$0x3F41] =	sst s7  }
0x10: {  	[smem:$0x3F42] =	sst s8  }
0x11: {  	[smem:$0x3F43] =	sst s9;
	s0 =	simm.s32 @!p0 $0x0  }
0x12: {  	s1 =	sld [smem:$0x3F29];
	s0 =	simm.s32 @p0 $0x1  }
0x13: {  	[smem:$0x3F44] =	sst s0;
	s0 =	simm.s32 @!p1 $0x0  }
0x14: {  	s2 =	sld [smem:$0x3F28];
	s0 =	simm.s32 @p1 $0x1  }
0x15: {  	[smem:$0x3F45] =	sst s0;
	s0 =	simm.s32 @!p2 $0x0  }
0x16: {  	s3 =	sld [smem:$0x3FDB];
	s0 =	simm.s32 @p2 $0x1  }
0x17: {  	s4 =	simm.s32 $0x1BF5;
	[smem:$0x3F47] =	sst s0  }
0x18: {  	s0 =	sld [smem:$0x3F2A];
	_ =	swait.ge [sflag:s4], $0x0  }
0x19: {  	s7 =	sld [smem:$0x3F2B]  }
0x1a: {  	s8 =	sadd.s32 $0xFFFFE003, lr  }
0x1b: {  	s9 =	sadd.s32 $0xFFFFFEF7, lr;
	s5 =	simm.s32 $0xFFFFFFFF;
	p2 =	slt.u32 s8, $0xFFFFF086  }
0x1c: {  	p1 =	slt.u32 s9, $0xF7A;
	s5 =	simm.s32 @!p2 $0x0  }
0x1d: {  	s5 =	simm.s32 @p1 $0x1;
	p0 =	seq.s32 s7, s2  }
0x1e: {  	s7 =	smul.u32 @!p0 $0xF7A, s2;
	p2 =	seq.s32 @!p0 s5, $0x0  }
0x1f: {  	s9 =	smul.u32 $0xF7A, s1;
	s8 =	simm.s32 @!p0 $0x1BF5;
	p2 =	por !p2, p0  }
0x20: {  	[sflag:s8] =	ssyncset.s32 @!p0 $0xFFFFF086;
	s6 =	sadd.s32 @!p0 s3, s7;
	s7 =	simm.s32 @!p0 $0x108  }
0x21: {  	s3 =	sadd.s32 s3, s9;
	s6 =	sadd.s32 @!p0 $0x88, s6;
	s7 =	simm.s32 @p2 $0x1082  }
0x22: {  	[simem:s7], [sflag:s8] =	dma.local @!p0 [hbm:s6], $0xF7A  }
0x23: {  	s9 =	sor.u32 $0xD0000000, s2;
	s6 =	simm.s32 $0x108;
	_ =	swait.ge @!p0 [sflag:s8], $0x0  }
0x24: {  	s3 =	sadd.s32 $0x88, s3;
	s6 =	simm.s32 @!p1 $0x1082;
	[sflag:s4] =	ssyncset.s32 $0xFFFFF086  }
0x25: {  	[simem:s6], [sflag:s4] =	dma.local [hbm:s3], $0xF7A  }
0x26: {  	[smem:$0x3F2B] =	sst s1;
	(tag) =	ssettag s2;
	_ =	strace s9  }
0x27: {  	s1 =	sld [smem:$0x3F3B]  }
0x28: {  	s2 =	sld [smem:$0x3F3C]  }
0x29: {  	s4 =	sld [smem:$0x3F3E]  }
0x2a: {  	p0 =	seq.s32 s5, $0x0;
	s5 =	sld [smem:$0x3F3F]  }
0x2b: {  	s6 =	sld [smem:$0x3F40]  }
0x2c: {  	s7 =	sld [smem:$0x3F41]  }
0x2d: {  	s3 =	simm.s32 $0x108;
	s8 =	sld [smem:$0x3F42]  }
0x2e: {  	s3 =	simm.s32 @!p0 $0x1082;
	s9 =	sld [smem:$0x3F43]  }
0x2f: {  	lr =	sadd.s32 s0, s3;
	s0 =	sld [smem:$0x3F3A]  }
0x30: {  	s3 =	sld [smem:$0x3F3D]  }
0x31: {  	[smem:$0x3F46] =	sst s10  }
0x32: {  	s10 =	sld [smem:$0x3F44];
	_ =	sdelay $0x3  }
0x33: {  	p0 =	seq.s32 s10, $0x1;
	s10 =	sld [smem:$0x3F46];
	_ =	sdelay $0x3  }
0x34: {  	[smem:$0x3F46] =	sst s10  }
0x35: {  	s10 =	sld [smem:$0x3F45];
	_ =	sdelay $0x3  }
0x36: {  	p1 =	seq.s32 s10, $0x1;
	s10 =	sld [smem:$0x3F46];
	_ =	sdelay $0x3  }
0x37: {  	[smem:$0x3F46] =	sst s10  }
0x38: {  	s10 =	sld [smem:$0x3F47]  }
0x39: {  	_ = 	snop;
	(pc) =	sbr.ind lr, $3  }
0x3a: {  	_ = 	snop  }
0x3b: {  	_ = 	snop  }
0x3c: {  	p2 =	seq.s32 s10, $0x1;
	s10 =	sld [smem:$0x3F46]  }
0x3d: {  	_ =	shalt  }
0x3e: {  	_ =	shalt  }
0x3f: {  	_ =	shalt  }
0x40: {  	_ =	shalt  }
0x41: {  	_ =	shalt  }
0x42: {  	_ =	shalt  }
0x43: {  	_ =	shalt  }
0x44: {  	_ =	shalt  }
0x45: {  	_ =	shalt  }
0x46: {  	_ =	shalt  }
0x47: {  	_ =	shalt  }
0x48: {  	_ =	shalt  }
0x49: {  	_ =	shalt  }
0x4a: {  	_ =	shalt  }
0x4b: {  	_ =	shalt  }
0x4c: {  	_ =	shalt  }
0x4d: {  	_ =	shalt  }
0x4e: {  	_ =	shalt  }
0x4f: {  	_ =	shalt  }
0x50: {  	_ =	shalt  }
0x51: {  	_ =	shalt  }
0x52: {  	_ =	shalt  }
0x53: {  	_ =	shalt  }
0x54: {  	_ =	shalt  }
0x55: {  	_ =	shalt  }
0x56: {  	_ =	shalt  }
0x57: {  	_ =	shalt  }
0x58: {  	_ =	shalt  }
0x59: {  	_ =	shalt  }
0x5a: {  	_ =	shalt  }
0x5b: {  	_ =	shalt  }
0x5c: {  	_ =	shalt  }
0x5d: {  	_ =	shalt  }
0x5e: {  	_ =	shalt  }
0x5f: {  	_ =	shalt  }
0x60: {  	_ =	shalt  }
0x61: {  	_ =	shalt  }
0x62: {  	_ =	shalt  }
0x63: {  	_ =	shalt  }
0x64: {  	_ =	shalt  }
0x65: {  	_ =	shalt  }
0x66: {  	_ =	shalt  }
0x67: {  	_ =	shalt  }
0x68: {  	_ =	shalt  }
0x69: {  	_ =	shalt  }
0x6a: {  	_ =	shalt  }
0x6b: {  	_ =	shalt  }
0x6c: {  	_ =	shalt  }
0x6d: {  	_ =	shalt  }
0x6e: {  	_ =	shalt  }
0x6f: {  	_ =	shalt  }
0x70: {  	_ =	shalt  }
0x71: {  	_ =	shalt  }
0x72: {  	_ =	shalt  }
0x73: {  	_ =	shalt  }
0x74: {  	_ =	shalt  }
0x75: {  	_ =	shalt  }
0x76: {  	_ =	shalt  }
0x77: {  	_ =	shalt  }
0x78: {  	_ =	shalt  }
0x79: {  	_ =	shalt  }
0x7a: {  	_ =	shalt  }
0x7b: {  	_ =	shalt  }
0x7c: {  	_ =	shalt  }
0x7d: {  	_ =	shalt  }
0x7e: {  	_ =	shalt  }
0x7f: {  	_ =	shalt  }
0x80: {  	_ =	shalt  }
0x81: {  	_ =	shalt  }
0x82: {  	_ =	shalt  }
0x83: {  	_ =	shalt  }
0x84: {  	_ =	shalt  }
0x85: {  	_ =	shalt  }
0x86: {  	_ =	shalt  }
0x87: {  	_ =	shalt  }
.Lfunc_end0:
.L_simem_size_0:
called_computation_lowered:
.L_overlay_start_0:
0x88: {  	s2 =	sld [smem:$0x3FD9]  }
0x89: {  	s3 =	sld [smem:$0x3FFE];
	_ =	sdelay $0x1  }
0x8a: {  	s1 =	srdreg.scid  }
0x8b: {  	s0 =	sand.u32 $0x1, s1  }
0x8c: {  	s16 =	sshll.u32 s0, $0xA;
	s2 =	sadd.s32 s3, s2  }
0x8d: {  	s2 =	sadd.s32 s2, s16  }
0x8e: {  	[smem:$0x3F52] =	sst s2  }
0x8f: {  	_ = 	snop  }
0x90: {  	(tm) =	ssettm $0x1  }
0x91: {  	s17 =	sld [smem:$0x3FFB];
	_ =	sdelay $0x3  }
0x92: {  	_ =	strace s17  }
0x93: {  	s2 =	sld [smem:$0x3FFC];
	_ =	sdelay $0x3  }
0x94: {  	_ =	strace s2  }
0x95: {  	s2 =	sld [smem:$0x3FFD];
	_ =	sdelay $0x3  }
0x96: {  	_ =	strace s2  }
0x97: {  	_ =	strace $0x8FFFFFFF  }
0x98: {  	s18 =	sld [smem:$0x3FDB];
	_ =	sdelay $0x1  }
0x99: {  	s19 =	simm.s32 $_scs_section_size  }
0x9a: {  	s4 =	simm.s32 $_size__tile_overlayer_lowered;
	s5 =	simm.s32 $_tile_overlayer_lowered  }
0x9b: {  	s22 =	simm.s32 $0x1BFF;
	s21 =	sshll.u32 s5, $0x1;
	s2 =	sadd.s32 s19, s18  }
0x9c: {  	s6 =	simm.s32 $0x0;
	s20 =	sshll.u32 s4, $0x1;
	s4 =	sadd.s32 s21, s2  }
0x9d: {  	[timem:s6], [sflag:s22] =	dma.local [hbm:s4], s20  }
0x9e: {  	_ =	swait.ge [sflag:s22], s20  }
0x9f: {  	s3 =	ssub.s32 $0x0, s20;
	[sflag:s22] =	ssyncset.done $0x0  }
0xa0: {  	[sflag:s22] =	ssyncadd.s32 s3;
	_ =	sdelay $0x1  }
0xa1: {  	s23 =	simm.s32 $0x1B8B  }
0xa2: {  	_ =	swait.ge [sflag:s23], $0x1  }
0xa3: {  	[sflag:s23] =	ssyncset.done $0x0  }
0xa4: {  	s25 =	simm.s32 $0x1B8E;
	s24 =	sld [smem:$0x3FFE];
	[sflag:s23] =	ssyncadd.s32 $0xFFFFFFFF  }
0xa5: {  	s26 =	simm.s32 $execute0_lowered;
	[smem:$0x3FD2] =	sst s25  }
0xa6: {  	s4 =	sshll.u32 s26, $0x1;
	_ =	strace $0x80000046;
	[dreg:$0x1] =	wrdreg $0xFFFFFFFF  }
0xa7: {  	s28 =	simm.s32 $_size_execute0_lowered;
	s2 =	sadd.s32 s2, s4;
	[dreg:$0x0] =	wrdreg $0x0  }
0xa8: {  	s4 =	sshll.u32 s28, $0x1;
	[dreg:$0x2] =	wrdreg s2  }
0xa9: {  	[dreg:$0x3] =	wrdreg s4  }
0xaa: {  	[dreg:$0x4] =	wrdreg $0xC0  }
0xab: {  	_ =	task [dreg:s6], $0x5FFFF  }
0xac: {  	[dreg:$0x1] =	wrdreg $0xFFFFFFFF  }
0xad: {  	[dreg:$0x0] =	wrdreg $0x60  }
0xae: {  	[dreg:$0x2] =	wrdreg s24  }
0xaf: {  	[dreg:$0x3] =	wrdreg $0x9  }
0xb0: {  	_ =	task.clear_ibuf [dreg:s6], $0x4FFFF;
	_ =	strace $0x90000046  }
0xb1: {  	s29 =	simm.s32 $0x9;
	_ =	strace $0x80000048  }
0xb2: {  	_ =	swait.ge [sflag:s29], $0x1  }
0xb3: {  	[sflag:s29] =	ssyncadd.s32 $0xFFFFFFFF  }
0xb4: {  	_ =	strace $0x90000048  }
0xb5: {  	_ =	sfence  }
0xb6: {  	s30 =	sld [smem:$0x0];
	_ =	sdelay $0x2  }
0xb7: {  	s31 =	sshll.u32 s1, $0xD;
	s1 =	sshrl.u32 s1, $0x2  }
0xb8: {  	s3 =	sand.u32 $0x4000, s31;
	s1 =	sadd.s32 s1, s30  }
0xb9: {  	s0 =	sor.u32 s3, s0;
	s1 =	sshll.u32 s1, $0x11  }
0xba: {  	s0 =	sor.u32 s1, s0  }
0xbb: {  	s0 =	sadd.s32 $0x8F2B, s0  }
0xbc: {  	[sflag:s0] =	ssyncadd.remote.s32 $0x1  }
0xbd: {  	_ =	sfence.sel $0xFFFF  }
0xbe: {  	[dreg:$0x0] =	wrdreg $0xFFFFFFFF;
	(pc) =	sbr.abs _section_cstart, $3  }
0xbf: {  	[dreg:$0x1] =	wrdreg $0xFFFFFFFF  }
0xc0: {  	_ =	task.clear_ibuf [dreg:s6], $0x2FFFF;
	_ =	strace $0x9FFFFFFF  }
0xc1: {  	(tm) =	ssettm $0x7FFFFFFF  }
tec
execute0_lowered:
.L_overlay_start_1:
0x0: {  	(tag) =	ssettag $0x1  }
0x1: {  	s7 =	rddreg [dreg:$0x0]  }
0x2: {  	s0 =	rddreg [dreg:$0x1];
	s1 =	stileid.u32  }
0x3: {  	s2 =	simm.s32 $0x0;
	s3 =	srdreg.scid;
	s12 =	simm.s32 $0x100  }
0x4: {  	s13 =	simm.s32 $0x2900;
	s14 =	simm.s32 $0x1;
	s4 =	smul.u32 $0x4E200, s1  }
0x5: {  	s15 =	simm.s32 $0x2;
	s5 =	sand.u32 $0x1, s3;
	s6 =	smul.u32 $0x4E20, s1  }
0x6: {  	s16 =	simm.s32 $0x0;
	[smem:$0x7FF] =	sst s2;
	s9 =	smul.u32 $0x2710, s5  }
0x7: {  	s3 =	sadd.s32 $0x13C00, s7;
	s8 =	ssub.s32 $0x2, s5;
	s5 =	smul.u32 $0x27100, s5  }
0x8: {  	_ =	strace $0x80000047;
	s10 =	sshrl.u32 s8, $0x1;
	s11 =	sadd.s32 s4, s7  }
0x9: {  	s30 =	ssub.s32 s8, s10;
	s6 =	sadd.s32 s9, s6;
	s31 =	sadd.s32 s5, s11  }
0xa: {  	s10 =	simm.s32 $0x80;
	s11 =	simm.s32 $0x50;
	s9 =	sshrl.u32 s6, $0x3  }
0xb: {  	s4 =	smax.u32 s30, $0x1;
	s5 =	sadd.s32 $0x3AE00, s31;
	s7 =	sadd.s32 s9, s7  }
0xc: {  	s6 =	sadd.s32 $0x51CE00, s31;
	s9 =	simm.s32 $0x3;
	s8 =	sadd.s32 $0x9E00, s7  }
.LBB2_1:
0xd: {  	s17 =	sadd.s32 $0x0, s7  }
0xe: {  	[tilespmem:s2], [sflag:$0x3] =	stream.linear.gather [hbm4b:s17+s2], $0x50, $0x38;
	[tilespmem:$0x5100] =	vst v63  }
0xf: {  	_ =	swait.ge [sflag:s9], $0x50  }
0x10: {  	[sflag:s9] =	ssyncset.done $0x0  }
0x11: {  	s31 =	sadd.s32 $0x0, s8;
	[sflag:s9] =	ssyncadd.s32 $0xFFFFFFB0  }
0x12: {  	[tilespmem:s10], [sflag:$0x3] =	stream.linear.gather [hbm4b:s31+s2], $0x50, $0x38;
	[tilespmem:$0x5100] =	vst v63  }
0x13: {  	_ =	swait.ge [sflag:s9], $0x50  }
0x14: {  	[sflag:s9] =	ssyncset.done $0x0  }
0x15: {  	[sflag:s9] =	ssyncadd.s32 $0xFFFFFFB0  }
0x16: {  	[tilespmem:s12], [sflag:$0x1] =	stream.indirect.gather [hbm4b:s3+s11], $0x80, s2, s11, $0xb8;
	[tilespmem:$0x5100] =	vst v63  }
0x17: {  	_ = 	snop  }
0x18: {  	[tilespmem:s13], [sflag:$0x2] =	stream.indirect.gather [hbm4b:s3+s11], $0x80, s10, s11, $0xb8;
	[tilespmem:$0x5100] =	vst v63  }
0x19: {  	_ =	swait.ge [sflag:s14], $0x2800  }
0x1a: {  	[sflag:s14] =	ssyncset.done $0x0  }
0x1b: {  	[sflag:s14] =	ssyncadd.s32 $0xFFFFD800  }
0x1c: {  	[hbm4b:s5+s2] =	stream.linear.scatter [tilespmem:s12], [sflag:$0x3], $0x2800, $0x38;
	[tilespmem:$0x5100] =	vst v63  }
0x1d: {  	_ =	swait.ge [sflag:s9], $0x2800  }
0x1e: {  	[sflag:s9] =	ssyncset.done $0x0  }
0x1f: {  	[sflag:s9] =	ssyncadd.s32 $0xFFFFD800  }
0x20: {  	_ =	swait.ge [sflag:s15], $0x2800  }
0x21: {  	[sflag:s15] =	ssyncset.done $0x0  }
0x22: {  	[sflag:s15] =	ssyncadd.s32 $0xFFFFD800  }
0x23: {  	[hbm4b:s6+s2] =	stream.linear.scatter [tilespmem:s13], [sflag:$0x3], $0x2800, $0x38;
	[tilespmem:$0x5100] =	vst v63  }
0x24: {  	s19 =	simm.s32 $0xA;
	s20 =	simm.s32 $0x14;
	_ =	swait.ge [sflag:s9], $0x2800  }
0x25: {  	s18 =	sadd.s32 $0x500, s5;
	s17 =	sadd.s32 $0x500, s6;
	[sflag:s9] =	ssyncset.done $0x0  }
.LBB2_2:
0x26: {  	s21 =	sadd.s32 s19, s7  }
0x27: {  	[sflag:s9] =	ssyncadd.s32 $0xFFFFD800;
	s22 =	smov.u32 s20;
	s23 =	sadd.s32 $0xA, s20  }
0x28: {  	[tilespmem:s2], [sflag:$0x3] =	stream.linear.gather [hbm4b:s21+s2], $0x50, $0x38;
	[tilespmem:$0x5100] =	vst v63  }
0x29: {  	p0 =	sne.s32 s20, $0x4D8;
	_ =	swait.ge [sflag:s9], $0x50  }
0x2a: {  	[sflag:s9] =	ssyncset.done $0x0  }
0x2b: {  	s20 =	sadd.s32 s19, s8;
	s19 =	smov.u32 s22;
	[sflag:s9] =	ssyncadd.s32 $0xFFFFFFB0  }
0x2c: {  	[tilespmem:s10], [sflag:$0x3] =	stream.linear.gather [hbm4b:s20+s2], $0x50, $0x38;
	[tilespmem:$0x5100] =	vst v63  }
0x2d: {  	_ =	swait.ge [sflag:s9], $0x50  }
0x2e: {  	[sflag:s9] =	ssyncset.done $0x0  }
0x2f: {  	[sflag:s9] =	ssyncadd.s32 $0xFFFFFFB0  }
0x30: {  	[tilespmem:s12], [sflag:$0x1] =	stream.indirect.gather [hbm4b:s3+s11], $0x80, s2, s11, $0xb8;
	[tilespmem:$0x5100] =	vst v63  }
0x31: {  	_ = 	snop  }
0x32: {  	[tilespmem:s13], [sflag:$0x2] =	stream.indirect.gather [hbm4b:s3+s11], $0x80, s10, s11, $0xb8;
	[tilespmem:$0x5100] =	vst v63  }
0x33: {  	_ =	swait.ge [sflag:s14], $0x2800  }
0x34: {  	[sflag:s14] =	ssyncset.done $0x0  }
0x35: {  	[sflag:s14] =	ssyncadd.s32 $0xFFFFD800  }
0x36: {  	[hbm4b:s18+s2] =	stream.linear.scatter [tilespmem:s12], [sflag:$0x3], $0x2800, $0x38;
	[tilespmem:$0x5100] =	vst v63  }
0x37: {  	_ =	swait.ge [sflag:s9], $0x2800  }
0x38: {  	[sflag:s9] =	ssyncset.done $0x0  }
0x39: {  	[sflag:s9] =	ssyncadd.s32 $0xFFFFD800  }
0x3a: {  	_ =	swait.ge [sflag:s15], $0x2800  }
.Ltmp0:
0x3b: {  	[sflag:s15] =	ssyncset.done $0x0;
	(pc) =	sbr.rel @p0 .LBB2_2-.Ltmp0, $4  }
0x3c: {  	[sflag:s15] =	ssyncadd.s32 $0xFFFFD800  }
0x3d: {  	[hbm4b:s17+s2] =	stream.linear.scatter [tilespmem:s13], [sflag:$0x3], $0x2800, $0x38;
	[tilespmem:$0x5100] =	vst v63  }
0x3e: {  	s20 =	smov.u32 s23;
	_ =	swait.ge [sflag:s9], $0x2800  }
0x3f: {  	s18 =	sadd.s32 $0x500, s18;
	s17 =	sadd.s32 $0x500, s17;
	[sflag:s9] =	ssyncset.done $0x0  }
0x40: {  	s20 =	sadd.s32 s19, s7;
	[sflag:s9] =	ssyncadd.s32 $0xFFFFD800  }
0x41: {  	[tilespmem:s2], [sflag:$0x3] =	stream.linear.gather [hbm4b:s20+s2], $0x50, $0x38;
	[tilespmem:$0x5100] =	vst v63  }
0x42: {  	_ =	swait.ge [sflag:s9], $0x50  }
0x43: {  	[sflag:s9] =	ssyncset.done $0x0  }
0x44: {  	s31 =	sadd.s32 s19, s8;
	[sflag:s9] =	ssyncadd.s32 $0xFFFFFFB0  }
0x45: {  	[tilespmem:s10], [sflag:$0x3] =	stream.linear.gather [hbm4b:s31+s2], $0x50, $0x38;
	[tilespmem:$0x5100] =	vst v63  }
0x46: {  	_ =	swait.ge [sflag:s9], $0x50  }
0x47: {  	[sflag:s9] =	ssyncset.done $0x0  }
0x48: {  	[sflag:s9] =	ssyncadd.s32 $0xFFFFFFB0  }
0x49: {  	[tilespmem:s12], [sflag:$0x1] =	stream.indirect.gather [hbm4b:s3+s11], $0x80, s2, s11, $0xb8;
	[tilespmem:$0x5100] =	vst v63  }
0x4a: {  	_ = 	snop  }
0x4b: {  	[tilespmem:s13], [sflag:$0x2] =	stream.indirect.gather [hbm4b:s3+s11], $0x80, s10, s11, $0xb8;
	[tilespmem:$0x5100] =	vst v63  }
0x4c: {  	_ =	swait.ge [sflag:s14], $0x2800  }
0x4d: {  	[sflag:s14] =	ssyncset.done $0x0  }
0x4e: {  	[sflag:s14] =	ssyncadd.s32 $0xFFFFD800  }
0x4f: {  	[hbm4b:s18+s2] =	stream.linear.scatter [tilespmem:s12], [sflag:$0x3], $0x2800, $0x38;
	[tilespmem:$0x5100] =	vst v63  }
0x50: {  	_ =	swait.ge [sflag:s9], $0x2800  }
0x51: {  	[sflag:s9] =	ssyncset.done $0x0  }
0x52: {  	[sflag:s9] =	ssyncadd.s32 $0xFFFFD800  }
0x53: {  	s16 =	sadd.s32 $0x1, s16;
	_ =	swait.ge [sflag:s15], $0x2800  }
0x54: {  	p0 =	sne.s32 s16, s4;
	[sflag:s15] =	ssyncset.done $0x0  }
.Ltmp1:
0x55: {  	[sflag:s15] =	ssyncadd.s32 $0xFFFFD800;
	(pc) =	sbr.rel @p0 .LBB2_1-.Ltmp1, $4  }
0x56: {  	[hbm4b:s17+s2] =	stream.linear.scatter [tilespmem:s13], [sflag:$0x3], $0x2800, $0x38;
	[tilespmem:$0x5100] =	vst v63  }
0x57: {  	_ =	swait.ge [sflag:s9], $0x2800  }
0x58: {  	[sflag:s9] =	ssyncset.done $0x0  }
0x59: {  	[sflag:s9] =	ssyncadd.s32 $0xFFFFD800  }
0x5a: {  	_ =	sfence.sel $0x180000  }
0x5b: {  	[bflag:$0x0] =	sbarrier.arrive $0xFFFF  }
0x5c: {  	p0 =	sne.s32 s1, $0x0;
	_ =	strace $0x90000047  }
0x5d: {  	s0 =	sadd.s32 @!p0 $0x100000, s0;
	[bflag:$0x2] =	sbarrier.arrive $0xFFFF  }
0x5e: {  	[sflag:s0] =	ssyncadd.tile.s32 @!p0 $0x1;
	_ =	shalt  }
.Lfunc_end2:
_tile_overlayer_lowered:
.L_overlay_start_2:
0x5f: {  	(tag) =	ssettag $0x2  }
0x60: {  	s0 =	rddreg [dreg:$0x0];
	s2 =	stileid.u32  }
0x61: {  	s1 =	rddreg [dreg:$0x1];
	p0 =	sne.s32 s2, $0x0  }
0x62: {  	s3 =	rddreg [dreg:$0x2];
	[bflag:$0x3] =	sbarrier.arrive $0xFFFF;
	s2 =	simm.s32 @!p0 $0x1C03  }
0x63: {  	[timem:s3], [sflag:s2] =	dma.local @!p0 [hbm:s0], s1  }
0x64: {  	s0 =	simm.s32 @!p0 $0x3  }
0x65: {  	_ =	swait.ge @!p0 [sflag:s0], s1  }
0x66: {  	s1 =	ssub.s32 @!p0 $0x0, s1;
	[sflag:s0] =	ssyncset.done @!p0 $0x0  }
0x67: {  	[sflag:s0] =	ssyncadd.s32 @!p0 s1  }
0x68: {  	[bflag:$0x3] =	sbarrier.arrive $0xFFFF  }
0x69: {  	_ =	shalt  }

// kernel: kernel.51.cloned.1.call-start
scs
__scs_entry_jumppad:
0x0: {  	(pc) =	sbr.rel $0x88, $3  }
0x1: {  	(tag) =	ssettag $0x0;
	lr =	simm.s32 $0x1  }
0x2: {  	[smem:$0x3F2B] =	sst lr;
	_ =	strace $0xD0000000  }
0x3: {  	_ = 	snop  }
0x4: {  	_ = 	snop  }
0x5: {  	_ = 	snop  }
0x6: {  	_ = 	snop  }
0x7: {  	_ = 	snop  }
__scs_overlays_trampoline_lowered:
0x8: {  	[smem:$0x3F3A] =	sst s0  }
0x9: {  	[smem:$0x3F3B] =	sst s1  }
0xa: {  	[smem:$0x3F3C] =	sst s2  }
0xb: {  	[smem:$0x3F3D] =	sst s3  }
0xc: {  	[smem:$0x3F3E] =	sst s4  }
0xd: {  	[smem:$0x3F3F] =	sst s5  }
0xe: {  	[smem:$0x3F40] =	sst s6  }
0xf: {  	[smem:$0x3F41] =	sst s7  }
0x10: {  	[smem:$0x3F42] =	sst s8  }
0x11: {  	[smem:$0x3F43] =	sst s9;
	s0 =	simm.s32 @!p0 $0x0  }
0x12: {  	s1 =	sld [smem:$0x3F29];
	s0 =	simm.s32 @p0 $0x1  }
0x13: {  	[smem:$0x3F44] =	sst s0;
	s0 =	simm.s32 @!p1 $0x0  }
0x14: {  	s2 =	sld [smem:$0x3F28];
	s0 =	simm.s32 @p1 $0x1  }
0x15: {  	[smem:$0x3F45] =	sst s0;
	s0 =	simm.s32 @!p2 $0x0  }
0x16: {  	s3 =	sld [smem:$0x3FDB];
	s0 =	simm.s32 @p2 $0x1  }
0x17: {  	s4 =	simm.s32 $0x1BF5;
	[smem:$0x3F47] =	sst s0  }
0x18: {  	s0 =	sld [smem:$0x3F2A];
	_ =	swait.ge [sflag:s4], $0x0  }
0x19: {  	s7 =	sld [smem:$0x3F2B]  }
0x1a: {  	s8 =	sadd.s32 $0xFFFFE003, lr  }
0x1b: {  	s9 =	sadd.s32 $0xFFFFFEF7, lr;
	s5 =	simm.s32 $0xFFFFFFFF;
	p2 =	slt.u32 s8, $0xFFFFF086  }
0x1c: {  	p1 =	slt.u32 s9, $0xF7A;
	s5 =	simm.s32 @!p2 $0x0  }
0x1d: {  	s5 =	simm.s32 @p1 $0x1;
	p0 =	seq.s32 s7, s2  }
0x1e: {  	s7 =	smul.u32 @!p0 $0xF7A, s2;
	p2 =	seq.s32 @!p0 s5, $0x0  }
0x1f: {  	s9 =	smul.u32 $0xF7A, s1;
	s8 =	simm.s32 @!p0 $0x1BF5;
	p2 =	por !p2, p0  }
0x20: {  	[sflag:s8] =	ssyncset.s32 @!p0 $0xFFFFF086;
	s6 =	sadd.s32 @!p0 s3, s7;
	s7 =	simm.s32 @!p0 $0x108  }
0x21: {  	s3 =	sadd.s32 s3, s9;
	s6 =	sadd.s32 @!p0 $0x88, s6;
	s7 =	simm.s32 @p2 $0x1082  }
0x22: {  	[simem:s7], [sflag:s8] =	dma.local @!p0 [hbm:s6], $0xF7A  }
0x23: {  	s9 =	sor.u32 $0xD0000000, s2;
	s6 =	simm.s32 $0x108;
	_ =	swait.ge @!p0 [sflag:s8], $0x0  }
0x24: {  	s3 =	sadd.s32 $0x88, s3;
	s6 =	simm.s32 @!p1 $0x1082;
	[sflag:s4] =	ssyncset.s32 $0xFFFFF086  }
0x25: {  	[simem:s6], [sflag:s4] =	dma.local [hbm:s3], $0xF7A  }
0x26: {  	[smem:$0x3F2B] =	sst s1;
	(tag) =	ssettag s2;
	_ =	strace s9  }
0x27: {  	s1 =	sld [smem:$0x3F3B]  }
0x28: {  	s2 =	sld [smem:$0x3F3C]  }
0x29: {  	s4 =	sld [smem:$0x3F3E]  }
0x2a: {  	p0 =	seq.s32 s5, $0x0;
	s5 =	sld [smem:$0x3F3F]  }
0x2b: {  	s6 =	sld [smem:$0x3F40]  }
0x2c: {  	s7 =	sld [smem:$0x3F41]  }
0x2d: {  	s3 =	simm.s32 $0x108;
	s8 =	sld [smem:$0x3F42]  }
0x2e: {  	s3 =	simm.s32 @!p0 $0x1082;
	s9 =	sld [smem:$0x3F43]  }
0x2f: {  	lr =	sadd.s32 s0, s3;
	s0 =	sld [smem:$0x3F3A]  }
0x30: {  	s3 =	sld [smem:$0x3F3D]  }
0x31: {  	[smem:$0x3F46] =	sst s10  }
0x32: {  	s10 =	sld [smem:$0x3F44];
	_ =	sdelay $0x3  }
0x33: {  	p0 =	seq.s32 s10, $0x1;
	s10 =	sld [smem:$0x3F46];
	_ =	sdelay $0x3  }
0x34: {  	[smem:$0x3F46] =	sst s10  }
0x35: {  	s10 =	sld [smem:$0x3F45];
	_ =	sdelay $0x3  }
0x36: {  	p1 =	seq.s32 s10, $0x1;
	s10 =	sld [smem:$0x3F46];
	_ =	sdelay $0x3  }
0x37: {  	[smem:$0x3F46] =	sst s10  }
0x38: {  	s10 =	sld [smem:$0x3F47]  }
0x39: {  	_ = 	snop;
	(pc) =	sbr.ind lr, $3  }
0x3a: {  	_ = 	snop  }
0x3b: {  	_ = 	snop  }
0x3c: {  	p2 =	seq.s32 s10, $0x1;
	s10 =	sld [smem:$0x3F46]  }
0x3d: {  	_ =	shalt  }
0x3e: {  	_ =	shalt  }
0x3f: {  	_ =	shalt  }
0x40: {  	_ =	shalt  }
0x41: {  	_ =	shalt  }
0x42: {  	_ =	shalt  }
0x43: {  	_ =	shalt  }
0x44: {  	_ =	shalt  }
0x45: {  	_ =	shalt  }
0x46: {  	_ =	shalt  }
0x47: {  	_ =	shalt  }
0x48: {  	_ =	shalt  }
0x49: {  	_ =	shalt  }
0x4a: {  	_ =	shalt  }
0x4b: {  	_ =	shalt  }
0x4c: {  	_ =	shalt  }
0x4d: {  	_ =	shalt  }
0x4e: {  	_ =	shalt  }
0x4f: {  	_ =	shalt  }
0x50: {  	_ =	shalt  }
0x51: {  	_ =	shalt  }
0x52: {  	_ =	shalt  }
0x53: {  	_ =	shalt  }
0x54: {  	_ =	shalt  }
0x55: {  	_ =	shalt  }
0x56: {  	_ =	shalt  }
0x57: {  	_ =	shalt  }
0x58: {  	_ =	shalt  }
0x59: {  	_ =	shalt  }
0x5a: {  	_ =	shalt  }
0x5b: {  	_ =	shalt  }
0x5c: {  	_ =	shalt  }
0x5d: {  	_ =	shalt  }
0x5e: {  	_ =	shalt  }
0x5f: {  	_ =	shalt  }
0x60: {  	_ =	shalt  }
0x61: {  	_ =	shalt  }
0x62: {  	_ =	shalt  }
0x63: {  	_ =	shalt  }
0x64: {  	_ =	shalt  }
0x65: {  	_ =	shalt  }
0x66: {  	_ =	shalt  }
0x67: {  	_ =	shalt  }
0x68: {  	_ =	shalt  }
0x69: {  	_ =	shalt  }
0x6a: {  	_ =	shalt  }
0x6b: {  	_ =	shalt  }
0x6c: {  	_ =	shalt  }
0x6d: {  	_ =	shalt  }
0x6e: {  	_ =	shalt  }
0x6f: {  	_ =	shalt  }
0x70: {  	_ =	shalt  }
0x71: {  	_ =	shalt  }
0x72: {  	_ =	shalt  }
0x73: {  	_ =	shalt  }
0x74: {  	_ =	shalt  }
0x75: {  	_ =	shalt  }
0x76: {  	_ =	shalt  }
0x77: {  	_ =	shalt  }
0x78: {  	_ =	shalt  }
0x79: {  	_ =	shalt  }
0x7a: {  	_ =	shalt  }
0x7b: {  	_ =	shalt  }
0x7c: {  	_ =	shalt  }
0x7d: {  	_ =	shalt  }
0x7e: {  	_ =	shalt  }
0x7f: {  	_ =	shalt  }
0x80: {  	_ =	shalt  }
0x81: {  	_ =	shalt  }
0x82: {  	_ =	shalt  }
0x83: {  	_ =	shalt  }
0x84: {  	_ =	shalt  }
0x85: {  	_ =	shalt  }
0x86: {  	_ =	shalt  }
0x87: {  	_ =	shalt  }
.Lfunc_end0:
.L_simem_size_0:
called_computation.1_lowered:
.L_overlay_start_0:
0x88: {  	s2 =	sld [smem:$0x3FD9]  }
0x89: {  	s3 =	sld [smem:$0x3FFE];
	_ =	sdelay $0x1  }
0x8a: {  	s1 =	srdreg.scid  }
0x8b: {  	s0 =	sand.u32 $0x1, s1  }
0x8c: {  	s16 =	sshll.u32 s0, $0xA;
	s2 =	sadd.s32 s3, s2  }
0x8d: {  	s2 =	sadd.s32 s2, s16  }
0x8e: {  	[smem:$0x3F52] =	sst s2  }
0x8f: {  	_ = 	snop  }
0x90: {  	(tm) =	ssettm $0x1  }
0x91: {  	s17 =	sld [smem:$0x3FFB];
	_ =	sdelay $0x3  }
0x92: {  	_ =	strace s17  }
0x93: {  	s2 =	sld [smem:$0x3FFC];
	_ =	sdelay $0x3  }
0x94: {  	_ =	strace s2  }
0x95: {  	s2 =	sld [smem:$0x3FFD];
	_ =	sdelay $0x3  }
0x96: {  	_ =	strace s2  }
0x97: {  	_ =	strace $0x8FFFFFFF  }
0x98: {  	s18 =	sld [smem:$0x3FDB];
	_ =	sdelay $0x1  }
0x99: {  	s19 =	simm.s32 $_scs_section_size  }
0x9a: {  	s4 =	simm.s32 $_size__tile_overlayer_lowered;
	s5 =	simm.s32 $_tile_overlayer_lowered  }
0x9b: {  	s22 =	simm.s32 $0x1BFF;
	s21 =	sshll.u32 s5, $0x1;
	s2 =	sadd.s32 s19, s18  }
0x9c: {  	s6 =	simm.s32 $0x0;
	s20 =	sshll.u32 s4, $0x1;
	s4 =	sadd.s32 s21, s2  }
0x9d: {  	[timem:s6], [sflag:s22] =	dma.local [hbm:s4], s20  }
0x9e: {  	_ =	swait.ge [sflag:s22], s20  }
0x9f: {  	s3 =	ssub.s32 $0x0, s20;
	[sflag:s22] =	ssyncset.done $0x0  }
0xa0: {  	[sflag:s22] =	ssyncadd.s32 s3;
	_ =	sdelay $0x1  }
0xa1: {  	s23 =	simm.s32 $0x1B8B  }
0xa2: {  	_ =	swait.ge [sflag:s23], $0x1  }
0xa3: {  	[sflag:s23] =	ssyncset.done $0x0  }
0xa4: {  	s25 =	simm.s32 $0x1B8E;
	s24 =	sld [smem:$0x3FFE];
	[sflag:s23] =	ssyncadd.s32 $0xFFFFFFFF  }
0xa5: {  	s26 =	simm.s32 $execute0_lowered;
	[smem:$0x3FD2] =	sst s25  }
0xa6: {  	s4 =	sshll.u32 s26, $0x1;
	_ =	strace $0x80000049;
	[dreg:$0x1] =	wrdreg $0xFFFFFFFF  }
0xa7: {  	s28 =	simm.s32 $_size_execute0_lowered;
	s2 =	sadd.s32 s2, s4;
	[dreg:$0x0] =	wrdreg $0x0  }
0xa8: {  	s4 =	sshll.u32 s28, $0x1;
	[dreg:$0x2] =	wrdreg s2  }
0xa9: {  	[dreg:$0x3] =	wrdreg s4  }
0xaa: {  	[dreg:$0x4] =	wrdreg $0xC0  }
0xab: {  	_ =	task [dreg:s6], $0x5FFFF  }
0xac: {  	[dreg:$0x1] =	wrdreg $0xFFFFFFFF  }
0xad: {  	[dreg:$0x0] =	wrdreg $0x60  }
0xae: {  	[dreg:$0x2] =	wrdreg s24  }
0xaf: {  	[dreg:$0x3] =	wrdreg $0x28800  }
0xb0: {  	[dreg:$0x4] =	wrdreg $0x9  }
0xb1: {  	_ =	task.clear_ibuf [dreg:s6], $0x5FFFF;
	_ =	strace $0x90000049  }
0xb2: {  	s29 =	simm.s32 $0x9;
	_ =	strace $0x8000004B  }
0xb3: {  	_ =	swait.ge [sflag:s29], $0x1  }
0xb4: {  	[sflag:s29] =	ssyncadd.s32 $0xFFFFFFFF  }
0xb5: {  	_ =	strace $0x9000004B  }
0xb6: {  	_ =	sfence  }
0xb7: {  	s30 =	sld [smem:$0x0];
	_ =	sdelay $0x2  }
0xb8: {  	s31 =	sshll.u32 s1, $0xD;
	s1 =	sshrl.u32 s1, $0x2  }
0xb9: {  	s3 =	sand.u32 $0x4000, s31;
	s1 =	sadd.s32 s1, s30  }
0xba: {  	s0 =	sor.u32 s3, s0;
	s1 =	sshll.u32 s1, $0x11  }
0xbb: {  	s0 =	sor.u32 s1, s0  }
0xbc: {  	s0 =	sadd.s32 $0x8F2B, s0  }
0xbd: {  	[sflag:s0] =	ssyncadd.remote.s32 $0x1  }
0xbe: {  	_ =	sfence.sel $0xFFFF  }
0xbf: {  	[dreg:$0x0] =	wrdreg $0xFFFFFFFF;
	(pc) =	sbr.abs _section_cstart, $3  }
0xc0: {  	[dreg:$0x1] =	wrdreg $0xFFFFFFFF  }
0xc1: {  	_ =	task.clear_ibuf [dreg:s6], $0x2FFFF;
	_ =	strace $0x9FFFFFFF  }
0xc2: {  	(tm) =	ssettm $0x7FFFFFFF  }
0xc3: {  	_ =	shalt  }
tec
execute0_lowered:
.L_overlay_start_1:
0x0: {  	(tag) =	ssettag $0x1  }
0x1: {  	s0 =	stileid.u32  }
0x2: {  	s1 =	srdreg.scid;
	s4 =	smul.u32 $0x4E200, s0  }
0x3: {  	s5 =	rddreg [dreg:$0x0];
	s7 =	smul.u32 $0x4E20, s0  }
0x4: {  	s2 =	rddreg [dreg:$0x1];
	s3 =	simm.s32 $0x0;
	s22 =	smul.u32 $0x14000, s0  }
0x5: {  	s13 =	simm.s32 $0x50;
	s6 =	sand.u32 $0x1, s1;
	s26 =	smul.u32 $0x50000, s0  }
0x6: {  	s14 =	simm.s32 $0x0;
	s1 =	rddreg [dreg:$0x2];
	s8 =	smul.u32 $0x2710, s6  }
0x7: {  	[smem:$0x7FF] =	sst s3;
	s30 =	sshll.u32 s0, $0x6;
	s9 =	smul.u32 $0x140000, s6  }
0x8: {  	_ =	strace $0x8000004A;
	s25 =	ssub.s32 $0x2, s6;
	s6 =	smul.u32 $0x27100, s6  }
0x9: {  	s10 =	sadd.s32 s4, s5;
	s4 =	sadd.s32 $0x13C00, s5;
	s28 =	sshrl.u32 s25, $0x1  }
0xa: {  	s29 =	sshrl.u32 s26, $0x2;
	s7 =	sadd.s32 s8, s7;
	s24 =	sadd.s32 s22, s9  }
0xb: {  	s8 =	ssub.s32 s25, s28;
	s12 =	sadd.s32 s29, s2;
	s31 =	sadd.s32 s6, s10  }
0xc: {  	s23 =	sshrl.u32 s7, $0x3;
	s7 =	sshrl.u32 s24, $0x3;
	s10 =	sshrl.u32 s12, $0x3  }
0xd: {  	s12 =	simm.s32 $0x80;
	s11 =	sadd.s32 s23, s5;
	s7 =	sadd.s32 s7, s5  }
0xe: {  	s5 =	sor.u32 $0x1C01, s30;
	s6 =	sadd.s32 $0x16400, s7;
	s7 =	smax.u32 s8, $0x1  }
0xf: {  	s8 =	sadd.s32 $0x4F5C00, s31;
	s9 =	sadd.s32 $0x9E00, s11;
	s11 =	simm.s32 $0x1  }
.LBB2_1:
0x10: {  	[spmem:s10], [sflag:s5] =	dma.local [hbm:s4], $0x2800  }
0x11: {  	_ =	swait.ge [sflag:s11], $0x2800  }
0x12: {  	[sflag:s11] =	ssyncset.done $0x0  }
0x13: {  	[sflag:s11] =	ssyncadd.s32 $0xFFFFD800  }
0x14: {  	s15 =	sadd.s32 $0x0, s9;
	[bflag:$0x0] =	sbarrier.arrive $0xFFFF  }
0x15: {  	[tilespmem:s3], [sflag:$0x1] =	stream.linear.gather [hbm4b:s15+s3], $0x50, $0x38;
	[tilespmem:$0x16880] =	vst v63  }
0x16: {  	_ =	swait.ge [sflag:s11], $0x50  }
0x17: {  	[sflag:s11] =	ssyncset.done $0x0  }
0x18: {  	[sflag:s11] =	ssyncadd.s32 $0xFFFFFFB0  }
0x19: {  	[tilespmem:s12], [sflag:$0x1] =	stream.linear.gather [hbm4b:s8+s3], $0x2800, $0x38;
	[tilespmem:$0x16880] =	vst v63  }
0x1a: {  	_ =	swait.ge [sflag:s11], $0x2800  }
0x1b: {  	[sflag:s11] =	ssyncset.done $0x0  }
0x1c: {  	[sflag:s11] =	ssyncadd.s32 $0xFFFFD800  }
0x1d: {  	[spmem:s2] =	stream.indirect.scatter.add.f32 [tilespmem:s12], [sflag:$0x1], $0x80, s3, s13, $0xb8;
	[tilespmem:$0x16880] =	vst v63  }
0x1e: {  	s16 =	simm.s32 $0xA;
	_ =	swait.ge [sflag:s11], $0x2800  }
0x1f: {  	s17 =	simm.s32 $0x14;
	s15 =	sadd.s32 $0x500, s8;
	[sflag:s11] =	ssyncset.done $0x0  }
.LBB2_2:
0x20: {  	s18 =	sadd.s32 s16, s9  }
0x21: {  	[sflag:s11] =	ssyncadd.s32 $0xFFFFD800;
	s16 =	smov.u32 s17;
	s19 =	sadd.s32 $0xA, s17  }
0x22: {  	[tilespmem:s3], [sflag:$0x1] =	stream.linear.gather [hbm4b:s18+s3], $0x50, $0x38;
	[tilespmem:$0x16880] =	vst v63  }
0x23: {  	p0 =	sne.s32 s17, $0x4D8;
	_ =	swait.ge [sflag:s11], $0x50  }
0x24: {  	[sflag:s11] =	ssyncset.done $0x0  }
0x25: {  	[sflag:s11] =	ssyncadd.s32 $0xFFFFFFB0  }
0x26: {  	[tilespmem:s12], [sflag:$0x1] =	stream.linear.gather [hbm4b:s15+s3], $0x2800, $0x38;
	[tilespmem:$0x16880] =	vst v63  }
0x27: {  	_ =	swait.ge [sflag:s11], $0x2800  }
.Ltmp0:
0x28: {  	[sflag:s11] =	ssyncset.done $0x0;
	(pc) =	sbr.rel @p0 .LBB2_2-.Ltmp0, $4  }
0x29: {  	[sflag:s11] =	ssyncadd.s32 $0xFFFFD800  }
0x2a: {  	[spmem:s2] =	stream.indirect.scatter.add.f32 [tilespmem:s12], [sflag:$0x1], $0x80, s3, s13, $0xb8;
	[tilespmem:$0x16880] =	vst v63  }
0x2b: {  	_ =	swait.ge [sflag:s11], $0x2800  }
0x2c: {  	s17 =	smov.u32 s19;
	s15 =	sadd.s32 $0x500, s15;
	[sflag:s11] =	ssyncset.done $0x0  }
0x2d: {  	s16 =	sadd.s32 s16, s9;
	[sflag:s11] =	ssyncadd.s32 $0xFFFFD800  }
0x2e: {  	[tilespmem:s3], [sflag:$0x1] =	stream.linear.gather [hbm4b:s16+s3], $0x50, $0x38;
	[tilespmem:$0x16880] =	vst v63  }
0x2f: {  	_ =	swait.ge [sflag:s11], $0x50  }
0x30: {  	[sflag:s11] =	ssyncset.done $0x0  }
0x31: {  	[sflag:s11] =	ssyncadd.s32 $0xFFFFFFB0  }
0x32: {  	[tilespmem:s12], [sflag:$0x1] =	stream.linear.gather [hbm4b:s15+s3], $0x2800, $0x38;
	[tilespmem:$0x16880] =	vst v63  }
0x33: {  	_ =	swait.ge [sflag:s11], $0x2800  }
0x34: {  	[sflag:s11] =	ssyncset.done $0x0  }
0x35: {  	[sflag:s11] =	ssyncadd.s32 $0xFFFFD800  }
0x36: {  	[spmem:s2] =	stream.indirect.scatter.add.f32 [tilespmem:s12], [sflag:$0x1], $0x80, s3, s13, $0xb8;
	[tilespmem:$0x16880] =	vst v63  }
0x37: {  	_ =	swait.ge [sflag:s11], $0x2800  }
0x38: {  	s14 =	sadd.s32 $0x1, s14;
	[sflag:s11] =	ssyncset.done $0x0  }
0x39: {  	p0 =	sne.s32 s14, s7;
	[sflag:s11] =	ssyncadd.s32 $0xFFFFD800  }
.Ltmp1:
0x3a: {  	[bflag:$0x0] =	sbarrier.arrive $0xFFFF;
	(pc) =	sbr.rel @p0 .LBB2_1-.Ltmp1, $4  }
0x3b: {  	[hbm:s6], [sflag:s5] =	dma.local [spmem:s10], $0x2800  }
0x3c: {  	_ =	swait.ge [sflag:s11], $0x2800  }
0x3d: {  	[sflag:s11] =	ssyncset.done $0x0  }
0x3e: {  	[sflag:s11] =	ssyncadd.s32 $0xFFFFD800  }
0x3f: {  	_ =	sfence.sel $0x180000  }
0x40: {  	[bflag:$0x0] =	sbarrier.arrive $0xFFFF  }
0x41: {  	p0 =	sne.s32 s0, $0x0;
	_ =	strace $0x9000004A  }
0x42: {  	s0 =	sadd.s32 @!p0 $0x100000, s1;
	[bflag:$0x2] =	sbarrier.arrive $0xFFFF  }
0x43: {  	[sflag:s0] =	ssyncadd.tile.s32 @!p0 $0x1;
	_ =	shalt  }
.Lfunc_end2:
_tile_overlayer_lowered:
.L_overlay_start_2:
0x44: {  	(tag) =	ssettag $0x2  }
0x45: {  	s0 =	rddreg [dreg:$0x0];
	s2 =	stileid.u32  }
0x46: {  	s1 =	rddreg [dreg:$0x1];
	p0 =	sne.s32 s2, $0x0  }
0x47: {  	s3 =	rddreg [dreg:$0x2];
	[bflag:$0x3] =	sbarrier.arrive $0xFFFF;
	s2 =	simm.s32 @!p0 $0x1C01  }
0x48: {  	[timem:s3], [sflag:s2] =	dma.local @!p0 [hbm:s0], s1  }
0x49: {  	s0 =	simm.s32 @!p0 $0x1  }
0x4a: {  	_ =	swait.ge @!p0 [sflag:s0], s1  }
0x4b: {  	s1 =	ssub.s32 @!p0 $0x0, s1;
	[sflag:s0] =	ssyncset.done @!p0 $0x0  }
0x4c: {  	[sflag:s0] =	ssyncadd.s32 @!p0 s1  }
0x4d: {  	[bflag:$0x3] =	sbarrier.arrive $0xFFFF  }
0x4e: {  	_ =	shalt  }

// kernel: kernel.54.cloned.1.call-start
scs
__scs_entry_jumppad:
0x0: {  	(pc) =	sbr.rel $0x88, $3  }
0x1: {  	(tag) =	ssettag $0x0;
	lr =	simm.s32 $0x1  }
0x2: {  	[smem:$0x3F2B] =	sst lr;
	_ =	strace $0xD0000000  }
0x3: {  	_ = 	snop  }
0x4: {  	_ = 	snop  }
0x5: {  	_ = 	snop  }
0x6: {  	_ = 	snop  }
0x7: {  	_ = 	snop  }
__scs_overlays_trampoline_lowered:
0x8: {  	[smem:$0x3F3A] =	sst s0  }
0x9: {  	[smem:$0x3F3B] =	sst s1  }
0xa: {  	[smem:$0x3F3C] =	sst s2  }
0xb: {  	[smem:$0x3F3D] =	sst s3  }
0xc: {  	[smem:$0x3F3E] =	sst s4  }
0xd: {  	[smem:$0x3F3F] =	sst s5  }
0xe: {  	[smem:$0x3F40] =	sst s6  }
0xf: {  	[smem:$0x3F41] =	sst s7  }
0x10: {  	[smem:$0x3F42] =	sst s8  }
0x11: {  	[smem:$0x3F43] =	sst s9;
	s0 =	simm.s32 @!p0 $0x0  }
0x12: {  	s1 =	sld [smem:$0x3F29];
	s0 =	simm.s32 @p0 $0x1  }
0x13: {  	[smem:$0x3F44] =	sst s0;
	s0 =	simm.s32 @!p1 $0x0  }
0x14: {  	s2 =	sld [smem:$0x3F28];
	s0 =	simm.s32 @p1 $0x1  }
0x15: {  	[smem:$0x3F45] =	sst s0;
	s0 =	simm.s32 @!p2 $0x0  }
0x16: {  	s3 =	sld [smem:$0x3FDB];
	s0 =	simm.s32 @p2 $0x1  }
0x17: {  	s4 =	simm.s32 $0x1BF5;
	[smem:$0x3F47] =	sst s0  }
0x18: {  	s0 =	sld [smem:$0x3F2A];
	_ =	swait.ge [sflag:s4], $0x0  }
0x19: {  	s7 =	sld [smem:$0x3F2B]  }
0x1a: {  	s8 =	sadd.s32 $0xFFFFE003, lr  }
0x1b: {  	s9 =	sadd.s32 $0xFFFFFEF7, lr;
	s5 =	simm.s32 $0xFFFFFFFF;
	p2 =	slt.u32 s8, $0xFFFFF086  }
0x1c: {  	p1 =	slt.u32 s9, $0xF7A;
	s5 =	simm.s32 @!p2 $0x0  }
0x1d: {  	s5 =	simm.s32 @p1 $0x1;
	p0 =	seq.s32 s7, s2  }
0x1e: {  	s7 =	smul.u32 @!p0 $0xF7A, s2;
	p2 =	seq.s32 @!p0 s5, $0x0  }
0x1f: {  	s9 =	smul.u32 $0xF7A, s1;
	s8 =	simm.s32 @!p0 $0x1BF5;
	p2 =	por !p2, p0  }
0x20: {  	[sflag:s8] =	ssyncset.s32 @!p0 $0xFFFFF086;
	s6 =	sadd.s32 @!p0 s3, s7;
	s7 =	simm.s32 @!p0 $0x108  }
0x21: {  	s3 =	sadd.s32 s3, s9;
	s6 =	sadd.s32 @!p0 $0x88, s6;
	s7 =	simm.s32 @p2 $0x1082  }
0x22: {  	[simem:s7], [sflag:s8] =	dma.local @!p0 [hbm:s6], $0xF7A  }
0x23: {  	s9 =	sor.u32 $0xD0000000, s2;
	s6 =	simm.s32 $0x108;
	_ =	swait.ge @!p0 [sflag:s8], $0x0  }
0x24: {  	s3 =	sadd.s32 $0x88, s3;
	s6 =	simm.s32 @!p1 $0x1082;
	[sflag:s4] =	ssyncset.s32 $0xFFFFF086  }
0x25: {  	[simem:s6], [sflag:s4] =	dma.local [hbm:s3], $0xF7A  }
0x26: {  	[smem:$0x3F2B] =	sst s1;
	(tag) =	ssettag s2;
	_ =	strace s9  }
0x27: {  	s1 =	sld [smem:$0x3F3B]  }
0x28: {  	s2 =	sld [smem:$0x3F3C]  }
0x29: {  	s4 =	sld [smem:$0x3F3E]  }
0x2a: {  	p0 =	seq.s32 s5, $0x0;
	s5 =	sld [smem:$0x3F3F]  }
0x2b: {  	s6 =	sld [smem:$0x3F40]  }
0x2c: {  	s7 =	sld [smem:$0x3F41]  }
0x2d: {  	s3 =	simm.s32 $0x108;
	s8 =	sld [smem:$0x3F42]  }
0x2e: {  	s3 =	simm.s32 @!p0 $0x1082;
	s9 =	sld [smem:$0x3F43]  }
0x2f: {  	lr =	sadd.s32 s0, s3;
	s0 =	sld [smem:$0x3F3A]  }
0x30: {  	s3 =	sld [smem:$0x3F3D]  }
0x31: {  	[smem:$0x3F46] =	sst s10  }
0x32: {  	s10 =	sld [smem:$0x3F44];
	_ =	sdelay $0x3  }
0x33: {  	p0 =	seq.s32 s10, $0x1;
	s10 =	sld [smem:$0x3F46];
	_ =	sdelay $0x3  }
0x34: {  	[smem:$0x3F46] =	sst s10  }
0x35: {  	s10 =	sld [smem:$0x3F45];
	_ =	sdelay $0x3  }
0x36: {  	p1 =	seq.s32 s10, $0x1;
	s10 =	sld [smem:$0x3F46];
	_ =	sdelay $0x3  }
0x37: {  	[smem:$0x3F46] =	sst s10  }
0x38: {  	s10 =	sld [smem:$0x3F47]  }
0x39: {  	_ = 	snop;
	(pc) =	sbr.ind lr, $3  }
0x3a: {  	_ = 	snop  }
0x3b: {  	_ = 	snop  }
0x3c: {  	p2 =	seq.s32 s10, $0x1;
	s10 =	sld [smem:$0x3F46]  }
0x3d: {  	_ =	shalt  }
0x3e: {  	_ =	shalt  }
0x3f: {  	_ =	shalt  }
0x40: {  	_ =	shalt  }
0x41: {  	_ =	shalt  }
0x42: {  	_ =	shalt  }
0x43: {  	_ =	shalt  }
0x44: {  	_ =	shalt  }
0x45: {  	_ =	shalt  }
0x46: {  	_ =	shalt  }
0x47: {  	_ =	shalt  }
0x48: {  	_ =	shalt  }
0x49: {  	_ =	shalt  }
0x4a: {  	_ =	shalt  }
0x4b: {  	_ =	shalt  }
0x4c: {  	_ =	shalt  }
0x4d: {  	_ =	shalt  }
0x4e: {  	_ =	shalt  }
0x4f: {  	_ =	shalt  }
0x50: {  	_ =	shalt  }
0x51: {  	_ =	shalt  }
0x52: {  	_ =	shalt  }
0x53: {  	_ =	shalt  }
0x54: {  	_ =	shalt  }
0x55: {  	_ =	shalt  }
0x56: {  	_ =	shalt  }
0x57: {  	_ =	shalt  }
0x58: {  	_ =	shalt  }
0x59: {  	_ =	shalt  }
0x5a: {  	_ =	shalt  }
0x5b: {  	_ =	shalt  }
0x5c: {  	_ =	shalt  }
0x5d: {  	_ =	shalt  }
0x5e: {  	_ =	shalt  }
0x5f: {  	_ =	shalt  }
0x60: {  	_ =	shalt  }
0x61: {  	_ =	shalt  }
0x62: {  	_ =	shalt  }
0x63: {  	_ =	shalt  }
0x64: {  	_ =	shalt  }
0x65: {  	_ =	shalt  }
0x66: {  	_ =	shalt  }
0x67: {  	_ =	shalt  }
0x68: {  	_ =	shalt  }
0x69: {  	_ =	shalt  }
0x6a: {  	_ =	shalt  }
0x6b: {  	_ =	shalt  }
0x6c: {  	_ =	shalt  }
0x6d: {  	_ =	shalt  }
0x6e: {  	_ =	shalt  }
0x6f: {  	_ =	shalt  }
0x70: {  	_ =	shalt  }
0x71: {  	_ =	shalt  }
0x72: {  	_ =	shalt  }
0x73: {  	_ =	shalt  }
0x74: {  	_ =	shalt  }
0x75: {  	_ =	shalt  }
0x76: {  	_ =	shalt  }
0x77: {  	_ =	shalt  }
0x78: {  	_ =	shalt  }
0x79: {  	_ =	shalt  }
0x7a: {  	_ =	shalt  }
0x7b: {  	_ =	shalt  }
0x7c: {  	_ =	shalt  }
0x7d: {  	_ =	shalt  }
0x7e: {  	_ =	shalt  }
0x7f: {  	_ =	shalt  }
0x80: {  	_ =	shalt  }
0x81: {  	_ =	shalt  }
0x82: {  	_ =	shalt  }
0x83: {  	_ =	shalt  }
0x84: {  	_ =	shalt  }
0x85: {  	_ =	shalt  }
0x86: {  	_ =	shalt  }
0x87: {  	_ =	shalt  }
.Lfunc_end0:
.L_simem_size_0:
called_computation.2_lowered:
.L_overlay_start_0:
0x88: {  	s2 =	sld [smem:$0x3FD9]  }
0x89: {  	s3 =	sld [smem:$0x3FFE];
	_ =	sdelay $0x1  }
0x8a: {  	s1 =	srdreg.scid  }
0x8b: {  	s0 =	sand.u32 $0x1, s1  }
0x8c: {  	s16 =	sshll.u32 s0, $0xA;
	s2 =	sadd.s32 s3, s2  }
0x8d: {  	s2 =	sadd.s32 s2, s16  }
0x8e: {  	[smem:$0x3F52] =	sst s2  }
0x8f: {  	_ = 	snop  }
0x90: {  	(tm) =	ssettm $0x1  }
0x91: {  	s17 =	sld [smem:$0x3FFB];
	_ =	sdelay $0x3  }
0x92: {  	_ =	strace s17  }
0x93: {  	s2 =	sld [smem:$0x3FFC];
	_ =	sdelay $0x3  }
0x94: {  	_ =	strace s2  }
0x95: {  	s2 =	sld [smem:$0x3FFD];
	_ =	sdelay $0x3  }
0x96: {  	_ =	strace s2  }
0x97: {  	_ =	strace $0x8FFFFFFF  }
0x98: {  	s18 =	sld [smem:$0x3FDB];
	_ =	sdelay $0x1  }
0x99: {  	s19 =	simm.s32 $_scs_section_size  }
0x9a: {  	s4 =	simm.s32 $_size__tile_overlayer_lowered;
	s5 =	simm.s32 $_tile_overlayer_lowered  }
0x9b: {  	s22 =	simm.s32 $0x1BFF;
	s21 =	sshll.u32 s5, $0x1;
	s2 =	sadd.s32 s19, s18  }
0x9c: {  	s6 =	simm.s32 $0x0;
	s20 =	sshll.u32 s4, $0x1;
	s4 =	sadd.s32 s21, s2  }
0x9d: {  	[timem:s6], [sflag:s22] =	dma.local [hbm:s4], s20  }
0x9e: {  	_ =	swait.ge [sflag:s22], s20  }
0x9f: {  	s3 =	ssub.s32 $0x0, s20;
	[sflag:s22] =	ssyncset.done $0x0  }
0xa0: {  	[sflag:s22] =	ssyncadd.s32 s3;
	_ =	sdelay $0x1  }
0xa1: {  	s23 =	simm.s32 $0x1B8B  }
0xa2: {  	_ =	swait.ge [sflag:s23], $0x1  }
0xa3: {  	[sflag:s23] =	ssyncset.done $0x0  }
0xa4: {  	s25 =	simm.s32 $0x1B8E;
	s24 =	sld [smem:$0x3FFE];
	[sflag:s23] =	ssyncadd.s32 $0xFFFFFFFF  }
0xa5: {  	s26 =	simm.s32 $execute0_lowered;
	[smem:$0x3FD2] =	sst s25  }
0xa6: {  	s4 =	sshll.u32 s26, $0x1;
	_ =	strace $0x8000004C;
	[dreg:$0x1] =	wrdreg $0xFFFFFFFF  }
0xa7: {  	s28 =	simm.s32 $_size_execute0_lowered;
	s2 =	sadd.s32 s2, s4;
	[dreg:$0x0] =	wrdreg $0x0  }
0xa8: {  	s4 =	sshll.u32 s28, $0x1;
	[dreg:$0x2] =	wrdreg s2  }
0xa9: {  	[dreg:$0x3] =	wrdreg s4  }
0xaa: {  	[dreg:$0x4] =	wrdreg $0xC0  }
0xab: {  	_ =	task [dreg:s6], $0x5FFFF  }
0xac: {  	[dreg:$0x1] =	wrdreg $0xFFFFFFFF  }
0xad: {  	[dreg:$0x0] =	wrdreg $0x60  }
0xae: {  	[dreg:$0x2] =	wrdreg s24  }
0xaf: {  	[dreg:$0x3] =	wrdreg $0x9  }
0xb0: {  	_ =	task.clear_ibuf [dreg:s6], $0x4FFFF;
	_ =	strace $0x9000004C  }
0xb1: {  	s29 =	simm.s32 $0x9;
	_ =	strace $0x8000004E  }
0xb2: {  	_ =	swait.ge [sflag:s29], $0x1  }
0xb3: {  	[sflag:s29] =	ssyncadd.s32 $0xFFFFFFFF  }
0xb4: {  	_ =	strace $0x9000004E  }
0xb5: {  	_ =	sfence  }
0xb6: {  	s30 =	sld [smem:$0x0];
	_ =	sdelay $0x2  }
0xb7: {  	s31 =	sshll.u32 s1, $0xD;
	s1 =	sshrl.u32 s1, $0x2  }
0xb8: {  	s3 =	sand.u32 $0x4000, s31;
	s1 =	sadd.s32 s1, s30  }
0xb9: {  	s0 =	sor.u32 s3, s0;
	s1 =	sshll.u32 s1, $0x11  }
0xba: {  	s0 =	sor.u32 s1, s0  }
0xbb: {  	s0 =	sadd.s32 $0x8F2B, s0  }
0xbc: {  	[sflag:s0] =	ssyncadd.remote.s32 $0x1  }
0xbd: {  	_ =	sfence.sel $0xFFFF  }
0xbe: {  	[dreg:$0x0] =	wrdreg $0xFFFFFFFF;
	(pc) =	sbr.abs _section_cstart, $3  }
0xbf: {  	[dreg:$0x1] =	wrdreg $0xFFFFFFFF  }
0xc0: {  	_ =	task.clear_ibuf [dreg:s6], $0x2FFFF;
	_ =	strace $0x9FFFFFFF  }
0xc1: {  	(tm) =	ssettm $0x7FFFFFFF  }
tec
execute0_lowered:
.L_overlay_start_1:
0x0: {  	(tag) =	ssettag $0x1  }
0x1: {  	s7 =	rddreg [dreg:$0x0]  }
0x2: {  	s0 =	rddreg [dreg:$0x1];
	s1 =	stileid.u32  }
0x3: {  	s2 =	simm.s32 $0x0;
	s3 =	srdreg.scid;
	s12 =	simm.s32 $0x100  }
0x4: {  	s13 =	simm.s32 $0x2900;
	s14 =	simm.s32 $0x1;
	s4 =	smul.u32 $0x4E200, s1  }
0x5: {  	s15 =	simm.s32 $0x2;
	s5 =	sand.u32 $0x1, s3;
	s6 =	smul.u32 $0x4E20, s1  }
0x6: {  	s16 =	simm.s32 $0x0;
	[smem:$0x7FF] =	sst s2;
	s9 =	smul.u32 $0x2710, s5  }
0x7: {  	s3 =	sadd.s32 $0x64800, s7;
	s8 =	ssub.s32 $0x2, s5;
	s5 =	smul.u32 $0x27100, s5  }
0x8: {  	_ =	strace $0x8000004D;
	s10 =	sshrl.u32 s8, $0x1;
	s11 =	sadd.s32 s4, s7  }
0x9: {  	s30 =	ssub.s32 s8, s10;
	s6 =	sadd.s32 s9, s6;
	s31 =	sadd.s32 s5, s11  }
0xa: {  	s10 =	simm.s32 $0x80;
	s11 =	simm.s32 $0x50;
	s9 =	sshrl.u32 s6, $0x3  }
0xb: {  	s4 =	smax.u32 s30, $0x1;
	s5 =	sadd.s32 $0x8BA00, s31;
	s7 =	sadd.s32 s9, s7  }
0xc: {  	s6 =	sadd.s32 $0x56DA00, s31;
	s9 =	simm.s32 $0x3;
	s8 =	sadd.s32 $0x9E00, s7  }
.LBB2_1:
0xd: {  	s17 =	sadd.s32 $0x0, s7  }
0xe: {  	[tilespmem:s2], [sflag:$0x3] =	stream.linear.gather [hbm4b:s17+s2], $0x50, $0x38;
	[tilespmem:$0x5100] =	vst v63  }
0xf: {  	_ =	swait.ge [sflag:s9], $0x50  }
0x10: {  	[sflag:s9] =	ssyncset.done $0x0  }
0x11: {  	s31 =	sadd.s32 $0x0, s8;
	[sflag:s9] =	ssyncadd.s32 $0xFFFFFFB0  }
0x12: {  	[tilespmem:s10], [sflag:$0x3] =	stream.linear.gather [hbm4b:s31+s2], $0x50, $0x38;
	[tilespmem:$0x5100] =	vst v63  }
0x13: {  	_ =	swait.ge [sflag:s9], $0x50  }
0x14: {  	[sflag:s9] =	ssyncset.done $0x0  }
0x15: {  	[sflag:s9] =	ssyncadd.s32 $0xFFFFFFB0  }
0x16: {  	[tilespmem:s12], [sflag:$0x1] =	stream.indirect.gather [hbm4b:s3+s11], $0x80, s2, s11, $0xb8;
	[tilespmem:$0x5100] =	vst v63  }
0x17: {  	_ = 	snop  }
0x18: {  	[tilespmem:s13], [sflag:$0x2] =	stream.indirect.gather [hbm4b:s3+s11], $0x80, s10, s11, $0xb8;
	[tilespmem:$0x5100] =	vst v63  }
0x19: {  	_ =	swait.ge [sflag:s14], $0x2800  }
0x1a: {  	[sflag:s14] =	ssyncset.done $0x0  }
0x1b: {  	[sflag:s14] =	ssyncadd.s32 $0xFFFFD800  }
0x1c: {  	[hbm4b:s5+s2] =	stream.linear.scatter [tilespmem:s12], [sflag:$0x3], $0x2800, $0x38;
	[tilespmem:$0x5100] =	vst v63  }
0x1d: {  	_ =	swait.ge [sflag:s9], $0x2800  }
0x1e: {  	[sflag:s9] =	ssyncset.done $0x0  }
0x1f: {  	[sflag:s9] =	ssyncadd.s32 $0xFFFFD800  }
0x20: {  	_ =	swait.ge [sflag:s15], $0x2800  }
0x21: {  	[sflag:s15] =	ssyncset.done $0x0  }
0x22: {  	[sflag:s15] =	ssyncadd.s32 $0xFFFFD800  }
0x23: {  	[hbm4b:s6+s2] =	stream.linear.scatter [tilespmem:s13], [sflag:$0x3], $0x2800, $0x38;
	[tilespmem:$0x5100] =	vst v63  }
0x24: {  	s19 =	simm.s32 $0xA;
	s20 =	simm.s32 $0x14;
	_ =	swait.ge [sflag:s9], $0x2800  }
0x25: {  	s18 =	sadd.s32 $0x500, s5;
	s17 =	sadd.s32 $0x500, s6;
	[sflag:s9] =	ssyncset.done $0x0  }
.LBB2_2:
0x26: {  	s21 =	sadd.s32 s19, s7  }
0x27: {  	[sflag:s9] =	ssyncadd.s32 $0xFFFFD800;
	s22 =	smov.u32 s20;
	s23 =	sadd.s32 $0xA, s20  }
0x28: {  	[tilespmem:s2], [sflag:$0x3] =	stream.linear.gather [hbm4b:s21+s2], $0x50, $0x38;
	[tilespmem:$0x5100] =	vst v63  }
0x29: {  	p0 =	sne.s32 s20, $0x4D8;
	_ =	swait.ge [sflag:s9], $0x50  }
0x2a: {  	[sflag:s9] =	ssyncset.done $0x0  }
0x2b: {  	s20 =	sadd.s32 s19, s8;
	s19 =	smov.u32 s22;
	[sflag:s9] =	ssyncadd.s32 $0xFFFFFFB0  }
0x2c: {  	[tilespmem:s10], [sflag:$0x3] =	stream.linear.gather [hbm4b:s20+s2], $0x50, $0x38;
	[tilespmem:$0x5100] =	vst v63  }
0x2d: {  	_ =	swait.ge [sflag:s9], $0x50  }
0x2e: {  	[sflag:s9] =	ssyncset.done $0x0  }
0x2f: {  	[sflag:s9] =	ssyncadd.s32 $0xFFFFFFB0  }
0x30: {  	[tilespmem:s12], [sflag:$0x1] =	stream.indirect.gather [hbm4b:s3+s11], $0x80, s2, s11, $0xb8;
	[tilespmem:$0x5100] =	vst v63  }
0x31: {  	_ = 	snop  }
0x32: {  	[tilespmem:s13], [sflag:$0x2] =	stream.indirect.gather [hbm4b:s3+s11], $0x80, s10, s11, $0xb8;
	[tilespmem:$0x5100] =	vst v63  }
0x33: {  	_ =	swait.ge [sflag:s14], $0x2800  }
0x34: {  	[sflag:s14] =	ssyncset.done $0x0  }
0x35: {  	[sflag:s14] =	ssyncadd.s32 $0xFFFFD800  }
0x36: {  	[hbm4b:s18+s2] =	stream.linear.scatter [tilespmem:s12], [sflag:$0x3], $0x2800, $0x38;
	[tilespmem:$0x5100] =	vst v63  }
0x37: {  	_ =	swait.ge [sflag:s9], $0x2800  }
0x38: {  	[sflag:s9] =	ssyncset.done $0x0  }
0x39: {  	[sflag:s9] =	ssyncadd.s32 $0xFFFFD800  }
0x3a: {  	_ =	swait.ge [sflag:s15], $0x2800  }
.Ltmp0:
0x3b: {  	[sflag:s15] =	ssyncset.done $0x0;
	(pc) =	sbr.rel @p0 .LBB2_2-.Ltmp0, $4  }
0x3c: {  	[sflag:s15] =	ssyncadd.s32 $0xFFFFD800  }
0x3d: {  	[hbm4b:s17+s2] =	stream.linear.scatter [tilespmem:s13], [sflag:$0x3], $0x2800, $0x38;
	[tilespmem:$0x5100] =	vst v63  }
0x3e: {  	s20 =	smov.u32 s23;
	_ =	swait.ge [sflag:s9], $0x2800  }
0x3f: {  	s18 =	sadd.s32 $0x500, s18;
	s17 =	sadd.s32 $0x500, s17;
	[sflag:s9] =	ssyncset.done $0x0  }
0x40: {  	s20 =	sadd.s32 s19, s7;
	[sflag:s9] =	ssyncadd.s32 $0xFFFFD800  }
0x41: {  	[tilespmem:s2], [sflag:$0x3] =	stream.linear.gather [hbm4b:s20+s2], $0x50, $0x38;
	[tilespmem:$0x5100] =	vst v63  }
0x42: {  	_ =	swait.ge [sflag:s9], $0x50  }
0x43: {  	[sflag:s9] =	ssyncset.done $0x0  }
0x44: {  	s31 =	sadd.s32 s19, s8;
	[sflag:s9] =	ssyncadd.s32 $0xFFFFFFB0  }
0x45: {  	[tilespmem:s10], [sflag:$0x3] =	stream.linear.gather [hbm4b:s31+s2], $0x50, $0x38;
	[tilespmem:$0x5100] =	vst v63  }
0x46: {  	_ =	swait.ge [sflag:s9], $0x50  }
0x47: {  	[sflag:s9] =	ssyncset.done $0x0  }
0x48: {  	[sflag:s9] =	ssyncadd.s32 $0xFFFFFFB0  }
0x49: {  	[tilespmem:s12], [sflag:$0x1] =	stream.indirect.gather [hbm4b:s3+s11], $0x80, s2, s11, $0xb8;
	[tilespmem:$0x5100] =	vst v63  }
0x4a: {  	_ = 	snop  }
0x4b: {  	[tilespmem:s13], [sflag:$0x2] =	stream.indirect.gather [hbm4b:s3+s11], $0x80, s10, s11, $0xb8;
	[tilespmem:$0x5100] =	vst v63  }
0x4c: {  	_ =	swait.ge [sflag:s14], $0x2800  }
0x4d: {  	[sflag:s14] =	ssyncset.done $0x0  }
0x4e: {  	[sflag:s14] =	ssyncadd.s32 $0xFFFFD800  }
0x4f: {  	[hbm4b:s18+s2] =	stream.linear.scatter [tilespmem:s12], [sflag:$0x3], $0x2800, $0x38;
	[tilespmem:$0x5100] =	vst v63  }
0x50: {  	_ =	swait.ge [sflag:s9], $0x2800  }
0x51: {  	[sflag:s9] =	ssyncset.done $0x0  }
0x52: {  	[sflag:s9] =	ssyncadd.s32 $0xFFFFD800  }
0x53: {  	s16 =	sadd.s32 $0x1, s16;
	_ =	swait.ge [sflag:s15], $0x2800  }
0x54: {  	p0 =	sne.s32 s16, s4;
	[sflag:s15] =	ssyncset.done $0x0  }
.Ltmp1:
0x55: {  	[sflag:s15] =	ssyncadd.s32 $0xFFFFD800;
	(pc) =	sbr.rel @p0 .LBB2_1-.Ltmp1, $4  }
0x56: {  	[hbm4b:s17+s2] =	stream.linear.scatter [tilespmem:s13], [sflag:$0x3], $0x2800, $0x38;
	[tilespmem:$0x5100] =	vst v63  }
0x57: {  	_ =	swait.ge [sflag:s9], $0x2800  }
0x58: {  	[sflag:s9] =	ssyncset.done $0x0  }
0x59: {  	[sflag:s9] =	ssyncadd.s32 $0xFFFFD800  }
0x5a: {  	_ =	sfence.sel $0x180000  }
0x5b: {  	[bflag:$0x0] =	sbarrier.arrive $0xFFFF  }
0x5c: {  	p0 =	sne.s32 s1, $0x0;
	_ =	strace $0x9000004D  }
0x5d: {  	s0 =	sadd.s32 @!p0 $0x100000, s0;
	[bflag:$0x2] =	sbarrier.arrive $0xFFFF  }
0x5e: {  	[sflag:s0] =	ssyncadd.tile.s32 @!p0 $0x1;
	_ =	shalt  }
.Lfunc_end2:
_tile_overlayer_lowered:
.L_overlay_start_2:
0x5f: {  	(tag) =	ssettag $0x2  }
0x60: {  	s0 =	rddreg [dreg:$0x0];
	s2 =	stileid.u32  }
0x61: {  	s1 =	rddreg [dreg:$0x1];
	p0 =	sne.s32 s2, $0x0  }
0x62: {  	s3 =	rddreg [dreg:$0x2];
	[bflag:$0x3] =	sbarrier.arrive $0xFFFF;
	s2 =	simm.s32 @!p0 $0x1C03  }
0x63: {  	[timem:s3], [sflag:s2] =	dma.local @!p0 [hbm:s0], s1  }
0x64: {  	s0 =	simm.s32 @!p0 $0x3  }
0x65: {  	_ =	swait.ge @!p0 [sflag:s0], s1  }
0x66: {  	s1 =	ssub.s32 @!p0 $0x0, s1;
	[sflag:s0] =	ssyncset.done @!p0 $0x0  }
0x67: {  	[sflag:s0] =	ssyncadd.s32 @!p0 s1  }
0x68: {  	[bflag:$0x3] =	sbarrier.arrive $0xFFFF  }
0x69: {  	_ =	shalt  }

// kernel: kernel.57.cloned.1.call-start
scs
__scs_entry_jumppad:
0x0: {  	(pc) =	sbr.rel $0x88, $3  }
0x1: {  	(tag) =	ssettag $0x0;
	lr =	simm.s32 $0x1  }
0x2: {  	[smem:$0x3F2B] =	sst lr;
	_ =	strace $0xD0000000  }
0x3: {  	_ = 	snop  }
0x4: {  	_ = 	snop  }
0x5: {  	_ = 	snop  }
0x6: {  	_ = 	snop  }
0x7: {  	_ = 	snop  }
__scs_overlays_trampoline_lowered:
0x8: {  	[smem:$0x3F3A] =	sst s0  }
0x9: {  	[smem:$0x3F3B] =	sst s1  }
0xa: {  	[smem:$0x3F3C] =	sst s2  }
0xb: {  	[smem:$0x3F3D] =	sst s3  }
0xc: {  	[smem:$0x3F3E] =	sst s4  }
0xd: {  	[smem:$0x3F3F] =	sst s5  }
0xe: {  	[smem:$0x3F40] =	sst s6  }
0xf: {  	[smem:$0x3F41] =	sst s7  }
0x10: {  	[smem:$0x3F42] =	sst s8  }
0x11: {  	[smem:$0x3F43] =	sst s9;
	s0 =	simm.s32 @!p0 $0x0  }
0x12: {  	s1 =	sld [smem:$0x3F29];
	s0 =	simm.s32 @p0 $0x1  }
0x13: {  	[smem:$0x3F44] =	sst s0;
	s0 =	simm.s32 @!p1 $0x0  }
0x14: {  	s2 =	sld [smem:$0x3F28];
	s0 =	simm.s32 @p1 $0x1  }
0x15: {  	[smem:$0x3F45] =	sst s0;
	s0 =	simm.s32 @!p2 $0x0  }
0x16: {  	s3 =	sld [smem:$0x3FDB];
	s0 =	simm.s32 @p2 $0x1  }
0x17: {  	s4 =	simm.s32 $0x1BF5;
	[smem:$0x3F47] =	sst s0  }
0x18: {  	s0 =	sld [smem:$0x3F2A];
	_ =	swait.ge [sflag:s4], $0x0  }
0x19: {  	s7 =	sld [smem:$0x3F2B]  }
0x1a: {  	s8 =	sadd.s32 $0xFFFFE003, lr  }
0x1b: {  	s9 =	sadd.s32 $0xFFFFFEF7, lr;
	s5 =	simm.s32 $0xFFFFFFFF;
	p2 =	slt.u32 s8, $0xFFFFF086  }
0x1c: {  	p1 =	slt.u32 s9, $0xF7A;
	s5 =	simm.s32 @!p2 $0x0  }
0x1d: {  	s5 =	simm.s32 @p1 $0x1;
	p0 =	seq.s32 s7, s2  }
0x1e: {  	s7 =	smul.u32 @!p0 $0xF7A, s2;
	p2 =	seq.s32 @!p0 s5, $0x0  }
0x1f: {  	s9 =	smul.u32 $0xF7A, s1;
	s8 =	simm.s32 @!p0 $0x1BF5;
	p2 =	por !p2, p0  }
0x20: {  	[sflag:s8] =	ssyncset.s32 @!p0 $0xFFFFF086;
	s6 =	sadd.s32 @!p0 s3, s7;
	s7 =	simm.s32 @!p0 $0x108  }
0x21: {  	s3 =	sadd.s32 s3, s9;
	s6 =	sadd.s32 @!p0 $0x88, s6;
	s7 =	simm.s32 @p2 $0x1082  }
0x22: {  	[simem:s7], [sflag:s8] =	dma.local @!p0 [hbm:s6], $0xF7A  }
0x23: {  	s9 =	sor.u32 $0xD0000000, s2;
	s6 =	simm.s32 $0x108;
	_ =	swait.ge @!p0 [sflag:s8], $0x0  }
0x24: {  	s3 =	sadd.s32 $0x88, s3;
	s6 =	simm.s32 @!p1 $0x1082;
	[sflag:s4] =	ssyncset.s32 $0xFFFFF086  }
0x25: {  	[simem:s6], [sflag:s4] =	dma.local [hbm:s3], $0xF7A  }
0x26: {  	[smem:$0x3F2B] =	sst s1;
	(tag) =	ssettag s2;
	_ =	strace s9  }
0x27: {  	s1 =	sld [smem:$0x3F3B]  }
0x28: {  	s2 =	sld [smem:$0x3F3C]  }
0x29: {  	s4 =	sld [smem:$0x3F3E]  }
0x2a: {  	p0 =	seq.s32 s5, $0x0;
	s5 =	sld [smem:$0x3F3F]  }
0x2b: {  	s6 =	sld [smem:$0x3F40]  }
0x2c: {  	s7 =	sld [smem:$0x3F41]  }
0x2d: {  	s3 =	simm.s32 $0x108;
	s8 =	sld [smem:$0x3F42]  }
0x2e: {  	s3 =	simm.s32 @!p0 $0x1082;
	s9 =	sld [smem:$0x3F43]  }
0x2f: {  	lr =	sadd.s32 s0, s3;
	s0 =	sld [smem:$0x3F3A]  }
0x30: {  	s3 =	sld [smem:$0x3F3D]  }
0x31: {  	[smem:$0x3F46] =	sst s10  }
0x32: {  	s10 =	sld [smem:$0x3F44];
	_ =	sdelay $0x3  }
0x33: {  	p0 =	seq.s32 s10, $0x1;
	s10 =	sld [smem:$0x3F46];
	_ =	sdelay $0x3  }
0x34: {  	[smem:$0x3F46] =	sst s10  }
0x35: {  	s10 =	sld [smem:$0x3F45];
	_ =	sdelay $0x3  }
0x36: {  	p1 =	seq.s32 s10, $0x1;
	s10 =	sld [smem:$0x3F46];
	_ =	sdelay $0x3  }
0x37: {  	[smem:$0x3F46] =	sst s10  }
0x38: {  	s10 =	sld [smem:$0x3F47]  }
0x39: {  	_ = 	snop;
	(pc) =	sbr.ind lr, $3  }
0x3a: {  	_ = 	snop  }
0x3b: {  	_ = 	snop  }
0x3c: {  	p2 =	seq.s32 s10, $0x1;
	s10 =	sld [smem:$0x3F46]  }
0x3d: {  	_ =	shalt  }
0x3e: {  	_ =	shalt  }
0x3f: {  	_ =	shalt  }
0x40: {  	_ =	shalt  }
0x41: {  	_ =	shalt  }
0x42: {  	_ =	shalt  }
0x43: {  	_ =	shalt  }
0x44: {  	_ =	shalt  }
0x45: {  	_ =	shalt  }
0x46: {  	_ =	shalt  }
0x47: {  	_ =	shalt  }
0x48: {  	_ =	shalt  }
0x49: {  	_ =	shalt  }
0x4a: {  	_ =	shalt  }
0x4b: {  	_ =	shalt  }
0x4c: {  	_ =	shalt  }
0x4d: {  	_ =	shalt  }
0x4e: {  	_ =	shalt  }
0x4f: {  	_ =	shalt  }
0x50: {  	_ =	shalt  }
0x51: {  	_ =	shalt  }
0x52: {  	_ =	shalt  }
0x53: {  	_ =	shalt  }
0x54: {  	_ =	shalt  }
0x55: {  	_ =	shalt  }
0x56: {  	_ =	shalt  }
0x57: {  	_ =	shalt  }
0x58: {  	_ =	shalt  }
0x59: {  	_ =	shalt  }
0x5a: {  	_ =	shalt  }
0x5b: {  	_ =	shalt  }
0x5c: {  	_ =	shalt  }
0x5d: {  	_ =	shalt  }
0x5e: {  	_ =	shalt  }
0x5f: {  	_ =	shalt  }
0x60: {  	_ =	shalt  }
0x61: {  	_ =	shalt  }
0x62: {  	_ =	shalt  }
0x63: {  	_ =	shalt  }
0x64: {  	_ =	shalt  }
0x65: {  	_ =	shalt  }
0x66: {  	_ =	shalt  }
0x67: {  	_ =	shalt  }
0x68: {  	_ =	shalt  }
0x69: {  	_ =	shalt  }
0x6a: {  	_ =	shalt  }
0x6b: {  	_ =	shalt  }
0x6c: {  	_ =	shalt  }
0x6d: {  	_ =	shalt  }
0x6e: {  	_ =	shalt  }
0x6f: {  	_ =	shalt  }
0x70: {  	_ =	shalt  }
0x71: {  	_ =	shalt  }
0x72: {  	_ =	shalt  }
0x73: {  	_ =	shalt  }
0x74: {  	_ =	shalt  }
0x75: {  	_ =	shalt  }
0x76: {  	_ =	shalt  }
0x77: {  	_ =	shalt  }
0x78: {  	_ =	shalt  }
0x79: {  	_ =	shalt  }
0x7a: {  	_ =	shalt  }
0x7b: {  	_ =	shalt  }
0x7c: {  	_ =	shalt  }
0x7d: {  	_ =	shalt  }
0x7e: {  	_ =	shalt  }
0x7f: {  	_ =	shalt  }
0x80: {  	_ =	shalt  }
0x81: {  	_ =	shalt  }
0x82: {  	_ =	shalt  }
0x83: {  	_ =	shalt  }
0x84: {  	_ =	shalt  }
0x85: {  	_ =	shalt  }
0x86: {  	_ =	shalt  }
0x87: {  	_ =	shalt  }
.Lfunc_end0:
.L_simem_size_0:
called_computation.3_lowered:
.L_overlay_start_0:
0x88: {  	s2 =	sld [smem:$0x3FD9]  }
0x89: {  	s3 =	sld [smem:$0x3FFE];
	_ =	sdelay $0x1  }
0x8a: {  	s1 =	srdreg.scid  }
0x8b: {  	s0 =	sand.u32 $0x1, s1  }
0x8c: {  	s16 =	sshll.u32 s0, $0xA;
	s2 =	sadd.s32 s3, s2  }
0x8d: {  	s2 =	sadd.s32 s2, s16  }
0x8e: {  	[smem:$0x3F52] =	sst s2  }
0x8f: {  	_ = 	snop  }
0x90: {  	(tm) =	ssettm $0x1  }
0x91: {  	s17 =	sld [smem:$0x3FFB];
	_ =	sdelay $0x3  }
0x92: {  	_ =	strace s17  }
0x93: {  	s2 =	sld [smem:$0x3FFC];
	_ =	sdelay $0x3  }
0x94: {  	_ =	strace s2  }
0x95: {  	s2 =	sld [smem:$0x3FFD];
	_ =	sdelay $0x3  }
0x96: {  	_ =	strace s2  }
0x97: {  	_ =	strace $0x8FFFFFFF  }
0x98: {  	s18 =	sld [smem:$0x3FDB];
	_ =	sdelay $0x1  }
0x99: {  	s19 =	simm.s32 $_scs_section_size  }
0x9a: {  	s4 =	simm.s32 $_size__tile_overlayer_lowered;
	s5 =	simm.s32 $_tile_overlayer_lowered  }
0x9b: {  	s22 =	simm.s32 $0x1BFF;
	s21 =	sshll.u32 s5, $0x1;
	s2 =	sadd.s32 s19, s18  }
0x9c: {  	s6 =	simm.s32 $0x0;
	s20 =	sshll.u32 s4, $0x1;
	s4 =	sadd.s32 s21, s2  }
0x9d: {  	[timem:s6], [sflag:s22] =	dma.local [hbm:s4], s20  }
0x9e: {  	_ =	swait.ge [sflag:s22], s20  }
0x9f: {  	s3 =	ssub.s32 $0x0, s20;
	[sflag:s22] =	ssyncset.done $0x0  }
0xa0: {  	[sflag:s22] =	ssyncadd.s32 s3;
	_ =	sdelay $0x1  }
0xa1: {  	s23 =	simm.s32 $0x1B8B  }
0xa2: {  	_ =	swait.ge [sflag:s23], $0x1  }
0xa3: {  	[sflag:s23] =	ssyncset.done $0x0  }
0xa4: {  	s25 =	simm.s32 $0x1B8E;
	s24 =	sld [smem:$0x3FFE];
	[sflag:s23] =	ssyncadd.s32 $0xFFFFFFFF  }
0xa5: {  	s26 =	simm.s32 $execute0_lowered;
	[smem:$0x3FD2] =	sst s25  }
0xa6: {  	s4 =	sshll.u32 s26, $0x1;
	_ =	strace $0x8000004F;
	[dreg:$0x1] =	wrdreg $0xFFFFFFFF  }
0xa7: {  	s28 =	simm.s32 $_size_execute0_lowered;
	s2 =	sadd.s32 s2, s4;
	[dreg:$0x0] =	wrdreg $0x0  }
0xa8: {  	s4 =	sshll.u32 s28, $0x1;
	[dreg:$0x2] =	wrdreg s2  }
0xa9: {  	[dreg:$0x3] =	wrdreg s4  }
0xaa: {  	[dreg:$0x4] =	wrdreg $0xC0  }
0xab: {  	_ =	task [dreg:s6], $0x5FFFF  }
0xac: {  	[dreg:$0x1] =	wrdreg $0xFFFFFFFF  }
0xad: {  	[dreg:$0x0] =	wrdreg $0x60  }
0xae: {  	[dreg:$0x2] =	wrdreg s24  }
0xaf: {  	[dreg:$0x3] =	wrdreg $0x9  }
0xb0: {  	_ =	task.clear_ibuf [dreg:s6], $0x4FFFF;
	_ =	strace $0x9000004F  }
0xb1: {  	s29 =	simm.s32 $0x9;
	_ =	strace $0x80000051  }
0xb2: {  	_ =	swait.ge [sflag:s29], $0x1  }
0xb3: {  	[sflag:s29] =	ssyncadd.s32 $0xFFFFFFFF  }
0xb4: {  	_ =	strace $0x90000051  }
0xb5: {  	_ =	sfence  }
0xb6: {  	s30 =	sld [smem:$0x0];
	_ =	sdelay $0x2  }
0xb7: {  	s31 =	sshll.u32 s1, $0xD;
	s1 =	sshrl.u32 s1, $0x2  }
0xb8: {  	s3 =	sand.u32 $0x4000, s31;
	s1 =	sadd.s32 s1, s30  }
0xb9: {  	s0 =	sor.u32 s3, s0;
	s1 =	sshll.u32 s1, $0x11  }
0xba: {  	s0 =	sor.u32 s1, s0  }
0xbb: {  	s0 =	sadd.s32 $0x8F2B, s0  }
0xbc: {  	[sflag:s0] =	ssyncadd.remote.s32 $0x1  }
0xbd: {  	_ =	sfence.sel $0xFFFF  }
0xbe: {  	[dreg:$0x0] =	wrdreg $0xFFFFFFFF;
	(pc) =	sbr.abs _section_cstart, $3  }
0xbf: {  	[dreg:$0x1] =	wrdreg $0xFFFFFFFF  }
0xc0: {  	_ =	task.clear_ibuf [dreg:s6], $0x2FFFF;
	_ =	strace $0x9FFFFFFF  }
0xc1: {  	(tm) =	ssettm $0x7FFFFFFF  }
tec
execute0_lowered:
.L_overlay_start_1:
0x0: {  	(tag) =	ssettag $0x1  }
0x1: {  	s6 =	rddreg [dreg:$0x0]  }
0x2: {  	s0 =	rddreg [dreg:$0x1];
	s2 =	simm.s32 $0x0  }
0x3: {  	s3 =	srdreg.scid;
	s1 =	stileid.u32;
	s12 =	simm.s32 $0x1  }
0x4: {  	s13 =	simm.s32 $0x3F80;
	s7 =	sand.u32 $0x1, s3;
	s4 =	sshll.u32 s1, $0x1  }
0x5: {  	s14 =	simm.s32 $0x800;
	s15 =	simm.s32 $0x1000;
	s8 =	sor.u32 s7, s4  }
0x6: {  	s3 =	sadd.s32 $0xA4FC00, s6;
	s5 =	sadd.s32 $0x64800, s6;
	s9 =	smul.u32 $0x4E20, s8  }
0x7: {  	s10 =	sadd.s32 $0x64E00, s6;
	s4 =	sadd.s32 $0x9E00, s6;
	s6 =	smul.u32 $0x9C400, s8  }
.Ltmp0:
0x8: {  	s16 =	simm.s32 $0x0;
	s7 =	ssub.s32 $0x2, s7;
	(pc) =	sbr.rel .LBB2_1-.Ltmp0, $4  }
0x9: {  	[smem:$0x7FF] =	sst s2;
	s11 =	sshrl.u32 s7, $0x1;
	s8 =	smul.u32 $0x9C4, s8  }
0xa: {  	_ =	strace $0x80000050;
	s11 =	ssub.s32 s7, s11;
	s9 =	sshrl.u32 s9, $0x3  }
0xb: {  	s7 =	sadd.s32 $0x4E200, s6;
	s8 =	sadd.s32 s10, s8;
	s9 =	sadd.s32 s10, s9  }
0xc: {  	v0 =	vimm.f32 $0.0e+00;
	s10 =	smax.u32 s11, $0x1;
	s11 =	simm.s32 $0x1800;
	s9 =	sadd.s32 $0x4E2, s9  }
.LBB2_9:
0xd: {  	[hbm4b:s8+s2] =	stream.linear.scatter [tilespmem:s11], [sflag:$0x1], $0x2710, $0x38;
	[tilespmem:$0x6700] =	vst v63  }
0xe: {  	s16 =	sadd.s32 $0x1, s16;
	_ =	swait.ge [sflag:s12], $0x2710  }
0xf: {  	p0 =	sne.s32 s16, s10;
	[sflag:s12] =	ssyncset.done $0x0  }
.Ltmp1:
0x10: {  	[sflag:s12] =	ssyncadd.s32 $0xFFFFD8F0;
	(pc) =	sbr.rel @!p0 .LBB2_10-.Ltmp1, $4  }
0x11: {  	[hbm4b:s9+s2] =	stream.linear.scatter [tilespmem:s13], [sflag:$0x1], $0x2710, $0x38;
	[tilespmem:$0x6700] =	vst v63  }
0x12: {  	_ =	swait.ge [sflag:s12], $0x2710  }
0x13: {  	[sflag:s12] =	ssyncset.done $0x0  }
0x14: {  	[sflag:s12] =	ssyncadd.s32 $0xFFFFD8F0  }
.LBB2_1:
0x15: {  	[tilespmem:s11], [sflag:$0x1] =	stream.linear.gather [hbm4b:s5+s2], $0x2780, $0x38;
	[tilespmem:$0x6700] =	vst v63  }
0x16: {  	_ =	swait.ge [sflag:s12], $0x2780  }
0x17: {  	[sflag:s12] =	ssyncset.done $0x0  }
.Ltmp2:
0x18: {  	[sflag:s12] =	ssyncadd.s32 $0xFFFFD880;
	(pc) =	sbr.rel .LBB2_2-.Ltmp2, $4  }
0x19: {  	[tilespmem:s13], [sflag:$0x1] =	stream.linear.gather [hbm4b:s5+s2], $0x2780, $0x38;
	[tilespmem:$0x6700] =	vst v63  }
0x1a: {  	_ =	swait.ge [sflag:s12], $0x2780  }
0x1b: {  	[sflag:s12] =	ssyncset.done $0x0  }
0x1c: {  	s17 =	simm.s32 $0x0;
	[sflag:s12] =	ssyncadd.s32 $0xFFFFD880  }
.LBB2_8:
0x1d: {  	s17 =	sadd.s32 $0x1, s17  }
0x1e: {  	p0 =	sne.s32 s17, $0xA0  }
.Ltmp3:
0x1f: {  	_ = 	snop;
	(pc) =	sbr.rel @!p0 .LBB2_9-.Ltmp3, $1  }
0x20: {  	_ =	sdelay $0x3  }
.LBB2_2:
0x21: {  	s19 =	smul.u32 $0x7D0, s17;
	_ =	sdelay $0x1  }
0x22: {  	s18 =	sshrl.u32 s19, $0x3  }
0x23: {  	s20 =	sadd.s32 s4, s18;
	s18 =	simm.s32 $0x0  }
0x24: {  	[tilespmem:s18], [sflag:$0x1] =	stream.linear.gather [hbm4b:s20+s18], $0x7D0, $0x38;
	[tilespmem:$0x6700] =	vst v63  }
0x25: {  	s31 =	sadd.s32 s6, s19;
	_ =	swait.ge [sflag:s12], $0x7D0  }
0x26: {  	s20 =	sshrl.u32 s31, $0x3;
	[sflag:s12] =	ssyncset.done $0x0  }
0x27: {  	s20 =	sadd.s32 s3, s20;
	[sflag:s12] =	ssyncadd.s32 $0xFFFFF830  }
0x28: {  	[tilespmem:s14], [sflag:$0x1] =	stream.linear.gather [hbm4b:s20+s18], $0x7D0, $0x38;
	[tilespmem:$0x6700] =	vst v63  }
0x29: {  	s19 =	sadd.s32 s7, s19;
	_ =	swait.ge [sflag:s12], $0x7D0  }
0x2a: {  	s19 =	sshrl.u32 s19, $0x3;
	[sflag:s12] =	ssyncset.done $0x0  }
.Ltmp4:
0x2b: {  	s19 =	sadd.s32 s3, s19;
	[sflag:s12] =	ssyncadd.s32 $0xFFFFF830;
	(pc) =	sbr.rel .LBB2_3-.Ltmp4, $4  }
0x2c: {  	[tilespmem:s15], [sflag:$0x1] =	stream.linear.gather [hbm4b:s19+s18], $0x7D0, $0x38;
	[tilespmem:$0x6700] =	vst v63  }
0x2d: {  	_ =	swait.ge [sflag:s12], $0x7D0  }
0x2e: {  	[sflag:s12] =	ssyncset.done $0x0  }
0x2f: {  	[sflag:s12] =	ssyncadd.s32 $0xFFFFF830  }
.LBB2_7:
0x30: {  	s18 =	sadd.s32 $0x1, s18  }
0x31: {  	p0 =	sne.s32 s18, $0x7D  }
.Ltmp5:
0x32: {  	_ = 	snop;
	(pc) =	sbr.rel @!p0 .LBB2_8-.Ltmp5, $1  }
0x33: {  	_ =	sdelay $0x3  }
.LBB2_3:
0x34: {  	s19 =	sshll.u32 s18, $0x4  }
0x35: {  	v1 =	vld [tilespmem:s19+$0x0];
	_ =	sdelay $0x6  }
0x36: {  	v2 =	vld [tilespmem:s19+$0x800]  }
0x37: {  	v3 =	vld.idx.msk [tilespmem:v1+s11+$0x0], $0xffff;
	_ =	sdelay $0x4  }
0x38: {  	v3 =	vmax.f32 v3, v2  }
0x39: {  	[tilespmem:v1+s11+$0x0] =	vst.idx.msk $0xffff, v3  }
0x3a: {  	v3 =	vld.idx.msk [tilespmem:v1+s11+$0x0], $0xffff;
	_ =	sdelay $0x4  }
0x3b: {  	vm0 =	vlt.f32 v3, v2  }
0x3c: {  	v3 =	vsel vm0, $0x3F800000, v0  }
0x3d: {  	(xrf0) =	vmax.scan.msk.f32 $0xffff, v3;
	_ =	sdelay $0x5  }
0x3e: {  	v3, _, _ =	vpop (xrf0)  }
0x3f: {  	(v2sf) =	vpush v3, $0xF;
	_ =	sdelay $0xe  }
0x40: {  	s20 =	spop (v2sf)  }
0x41: {  	p0 =	sgt.f32 s20, $0.0e+00  }
.Ltmp6:
0x42: {  	_ = 	snop;
	(pc) =	sbr.rel @!p0 .LBB2_5-.Ltmp6, $1  }
0x43: {  	_ =	sdelay $0x3  }
.LBB2_4:
0x44: {  	v3 =	vld.idx.msk [tilespmem:v1+s11+$0x0], $0xffff;
	_ =	sdelay $0x4  }
0x45: {  	v3 =	vmax.f32 v3, v2  }
0x46: {  	[tilespmem:v1+s11+$0x0] =	vst.idx.msk vm0, v3  }
0x47: {  	v3 =	vld.idx.msk [tilespmem:v1+s11+$0x0], $0xffff;
	_ =	sdelay $0x4  }
0x48: {  	vm0 =	vlt.f32 v3, v2  }
0x49: {  	v3 =	vsel vm0, $0x3F800000, v0  }
0x4a: {  	(xrf0) =	vmax.scan.msk.f32 $0xffff, v3;
	_ =	sdelay $0x5  }
0x4b: {  	v3, _, _ =	vpop (xrf0)  }
0x4c: {  	(v2sf) =	vpush v3, $0xF;
	_ =	sdelay $0xe  }
0x4d: {  	s20 =	spop (v2sf)  }
0x4e: {  	p0 =	sgt.f32 s20, $0.0e+00  }
.Ltmp7:
0x4f: {  	_ = 	snop;
	(pc) =	sbr.rel @p0 .LBB2_4-.Ltmp7, $1  }
0x50: {  	_ =	sdelay $0x3  }
.LBB2_5:
0x51: {  	_ =	sdelay $0x2  }
0x52: {  	v2 =	vld [tilespmem:s19+$0x1000]  }
0x53: {  	v3 =	vld.idx.msk [tilespmem:v1+s13+$0x0], $0xffff;
	_ =	sdelay $0x4  }
0x54: {  	v3 =	vmax.f32 v3, v2  }
0x55: {  	[tilespmem:v1+s13+$0x0] =	vst.idx.msk $0xffff, v3  }
0x56: {  	v3 =	vld.idx.msk [tilespmem:v1+s13+$0x0], $0xffff;
	_ =	sdelay $0x4  }
0x57: {  	vm0 =	vlt.f32 v3, v2  }
0x58: {  	v3 =	vsel vm0, $0x3F800000, v0  }
0x59: {  	(xrf0) =	vmax.scan.msk.f32 $0xffff, v3;
	_ =	sdelay $0x5  }
0x5a: {  	v3, _, _ =	vpop (xrf0)  }
0x5b: {  	(v2sf) =	vpush v3, $0xF;
	_ =	sdelay $0xe  }
0x5c: {  	s31 =	spop (v2sf)  }
0x5d: {  	p0 =	sgt.f32 s31, $0.0e+00  }
.Ltmp8:
0x5e: {  	_ = 	snop;
	(pc) =	sbr.rel @!p0 .LBB2_7-.Ltmp8, $1  }
0x5f: {  	_ =	sdelay $0x3  }
.LBB2_6:
0x60: {  	v3 =	vld.idx.msk [tilespmem:v1+s13+$0x0], $0xffff;
	_ =	sdelay $0x4  }
0x61: {  	v3 =	vmax.f32 v3, v2  }
0x62: {  	[tilespmem:v1+s13+$0x0] =	vst.idx.msk vm0, v3  }
0x63: {  	v3 =	vld.idx.msk [tilespmem:v1+s13+$0x0], $0xffff;
	_ =	sdelay $0x4  }
0x64: {  	vm0 =	vlt.f32 v3, v2  }
0x65: {  	v3 =	vsel vm0, $0x3F800000, v0  }
0x66: {  	(xrf0) =	vmax.scan.msk.f32 $0xffff, v3;
	_ =	sdelay $0x5  }
0x67: {  	v3, _, _ =	vpop (xrf0)  }
0x68: {  	(v2sf) =	vpush v3, $0xF;
	_ =	sdelay $0xe  }
0x69: {  	s19 =	spop (v2sf)  }
0x6a: {  	p0 =	sgt.f32 s19, $0.0e+00  }
.Ltmp9:
0x6b: {  	_ = 	snop;
	(pc) =	sbr.rel @p0 .LBB2_6-.Ltmp9, $1  }
0x6c: {  	_ =	sdelay $0x3  }
.Ltmp10:
0x6d: {  	_ = 	snop;
	(pc) =	sbr.rel .LBB2_7-.Ltmp10, $1  }
0x6e: {  	_ =	sdelay $0x3  }
.LBB2_10:
0x6f: {  	_ =	sfence.sel $0x180000  }
0x70: {  	[bflag:$0x0] =	sbarrier.arrive $0xFFFF  }
0x71: {  	p0 =	sne.s32 s1, $0x0;
	_ =	strace $0x90000050  }
0x72: {  	s0 =	sadd.s32 @!p0 $0x100000, s0;
	[bflag:$0x2] =	sbarrier.arrive $0xFFFF  }
0x73: {  	[sflag:s0] =	ssyncadd.tile.s32 @!p0 $0x1;
	_ =	shalt  }
.Lfunc_end2:
_tile_overlayer_lowered:
.L_overlay_start_2:
0x74: {  	(tag) =	ssettag $0x2  }
0x75: {  	s0 =	rddreg [dreg:$0x0];
	s2 =	stileid.u32  }
0x76: {  	s1 =	rddreg [dreg:$0x1];
	p0 =	sne.s32 s2, $0x0  }
0x77: {  	s3 =	rddreg [dreg:$0x2];
	[bflag:$0x3] =	sbarrier.arrive $0xFFFF;
	s2 =	simm.s32 @!p0 $0x1C01  }
0x78: {  	[timem:s3], [sflag:s2] =	dma.local @!p0 [hbm:s0], s1  }
0x79: {  	s0 =	simm.s32 @!p0 $0x1  }
0x7a: {  	_ =	swait.ge @!p0 [sflag:s0], s1  }
0x7b: {  	s1 =	ssub.s32 @!p0 $0x0, s1;
	[sflag:s0] =	ssyncset.done @!p0 $0x0  }
0x7c: {  	[sflag:s0] =	ssyncadd.s32 @!p0 s1  }
0x7d: {  	[bflag:$0x3] =	sbarrier.arrive $0xFFFF  }
0x7e: {  	_ =	shalt  }

// kernel: kernel.60.cloned.1.call-start
scs
__scs_entry_jumppad:
0x0: {  	(pc) =	sbr.rel $0x88, $3  }
0x1: {  	(tag) =	ssettag $0x0;
	lr =	simm.s32 $0x1  }
0x2: {  	[smem:$0x3F2B] =	sst lr;
	_ =	strace $0xD0000000  }
0x3: {  	_ = 	snop  }
0x4: {  	_ = 	snop  }
0x5: {  	_ = 	snop  }
0x6: {  	_ = 	snop  }
0x7: {  	_ = 	snop  }
__scs_overlays_trampoline_lowered:
0x8: {  	[smem:$0x3F3A] =	sst s0  }
0x9: {  	[smem:$0x3F3B] =	sst s1  }
0xa: {  	[smem:$0x3F3C] =	sst s2  }
0xb: {  	[smem:$0x3F3D] =	sst s3  }
0xc: {  	[smem:$0x3F3E] =	sst s4  }
0xd: {  	[smem:$0x3F3F] =	sst s5  }
0xe: {  	[smem:$0x3F40] =	sst s6  }
0xf: {  	[smem:$0x3F41] =	sst s7  }
0x10: {  	[smem:$0x3F42] =	sst s8  }
0x11: {  	[smem:$0x3F43] =	sst s9;
	s0 =	simm.s32 @!p0 $0x0  }
0x12: {  	s1 =	sld [smem:$0x3F29];
	s0 =	simm.s32 @p0 $0x1  }
0x13: {  	[smem:$0x3F44] =	sst s0;
	s0 =	simm.s32 @!p1 $0x0  }
0x14: {  	s2 =	sld [smem:$0x3F28];
	s0 =	simm.s32 @p1 $0x1  }
0x15: {  	[smem:$0x3F45] =	sst s0;
	s0 =	simm.s32 @!p2 $0x0  }
0x16: {  	s3 =	sld [smem:$0x3FDB];
	s0 =	simm.s32 @p2 $0x1  }
0x17: {  	s4 =	simm.s32 $0x1BF5;
	[smem:$0x3F47] =	sst s0  }
0x18: {  	s0 =	sld [smem:$0x3F2A];
	_ =	swait.ge [sflag:s4], $0x0  }
0x19: {  	s7 =	sld [smem:$0x3F2B]  }
0x1a: {  	s8 =	sadd.s32 $0xFFFFE003, lr  }
0x1b: {  	s9 =	sadd.s32 $0xFFFFFEF7, lr;
	s5 =	simm.s32 $0xFFFFFFFF;
	p2 =	slt.u32 s8, $0xFFFFF086  }
0x1c: {  	p1 =	slt.u32 s9, $0xF7A;
	s5 =	simm.s32 @!p2 $0x0  }
0x1d: {  	s5 =	simm.s32 @p1 $0x1;
	p0 =	seq.s32 s7, s2  }
0x1e: {  	s7 =	smul.u32 @!p0 $0xF7A, s2;
	p2 =	seq.s32 @!p0 s5, $0x0  }
0x1f: {  	s9 =	smul.u32 $0xF7A, s1;
	s8 =	simm.s32 @!p0 $0x1BF5;
	p2 =	por !p2, p0  }
0x20: {  	[sflag:s8] =	ssyncset.s32 @!p0 $0xFFFFF086;
	s6 =	sadd.s32 @!p0 s3, s7;
	s7 =	simm.s32 @!p0 $0x108  }
0x21: {  	s3 =	sadd.s32 s3, s9;
	s6 =	sadd.s32 @!p0 $0x88, s6;
	s7 =	simm.s32 @p2 $0x1082  }
0x22: {  	[simem:s7], [sflag:s8] =	dma.local @!p0 [hbm:s6], $0xF7A  }
0x23: {  	s9 =	sor.u32 $0xD0000000, s2;
	s6 =	simm.s32 $0x108;
	_ =	swait.ge @!p0 [sflag:s8], $0x0  }
0x24: {  	s3 =	sadd.s32 $0x88, s3;
	s6 =	simm.s32 @!p1 $0x1082;
	[sflag:s4] =	ssyncset.s32 $0xFFFFF086  }
0x25: {  	[simem:s6], [sflag:s4] =	dma.local [hbm:s3], $0xF7A  }
0x26: {  	[smem:$0x3F2B] =	sst s1;
	(tag) =	ssettag s2;
	_ =	strace s9  }
0x27: {  	s1 =	sld [smem:$0x3F3B]  }
0x28: {  	s2 =	sld [smem:$0x3F3C]  }
0x29: {  	s4 =	sld [smem:$0x3F3E]  }
0x2a: {  	p0 =	seq.s32 s5, $0x0;
	s5 =	sld [smem:$0x3F3F]  }
0x2b: {  	s6 =	sld [smem:$0x3F40]  }
0x2c: {  	s7 =	sld [smem:$0x3F41]  }
0x2d: {  	s3 =	simm.s32 $0x108;
	s8 =	sld [smem:$0x3F42]  }
0x2e: {  	s3 =	simm.s32 @!p0 $0x1082;
	s9 =	sld [smem:$0x3F43]  }
0x2f: {  	lr =	sadd.s32 s0, s3;
	s0 =	sld [smem:$0x3F3A]  }
0x30: {  	s3 =	sld [smem:$0x3F3D]  }
0x31: {  	[smem:$0x3F46] =	sst s10  }
0x32: {  	s10 =	sld [smem:$0x3F44];
	_ =	sdelay $0x3  }
0x33: {  	p0 =	seq.s32 s10, $0x1;
	s10 =	sld [smem:$0x3F46];
	_ =	sdelay $0x3  }
0x34: {  	[smem:$0x3F46] =	sst s10  }
0x35: {  	s10 =	sld [smem:$0x3F45];
	_ =	sdelay $0x3  }
0x36: {  	p1 =	seq.s32 s10, $0x1;
	s10 =	sld [smem:$0x3F46];
	_ =	sdelay $0x3  }
0x37: {  	[smem:$0x3F46] =	sst s10  }
0x38: {  	s10 =	sld [smem:$0x3F47]  }
0x39: {  	_ = 	snop;
	(pc) =	sbr.ind lr, $3  }
0x3a: {  	_ = 	snop  }
0x3b: {  	_ = 	snop  }
0x3c: {  	p2 =	seq.s32 s10, $0x1;
	s10 =	sld [smem:$0x3F46]  }
0x3d: {  	_ =	shalt  }
0x3e: {  	_ =	shalt  }
0x3f: {  	_ =	shalt  }
0x40: {  	_ =	shalt  }
0x41: {  	_ =	shalt  }
0x42: {  	_ =	shalt  }
0x43: {  	_ =	shalt  }
0x44: {  	_ =	shalt  }
0x45: {  	_ =	shalt  }
0x46: {  	_ =	shalt  }
0x47: {  	_ =	shalt  }
0x48: {  	_ =	shalt  }
0x49: {  	_ =	shalt  }
0x4a: {  	_ =	shalt  }
0x4b: {  	_ =	shalt  }
0x4c: {  	_ =	shalt  }
0x4d: {  	_ =	shalt  }
0x4e: {  	_ =	shalt  }
0x4f: {  	_ =	shalt  }
0x50: {  	_ =	shalt  }
0x51: {  	_ =	shalt  }
0x52: {  	_ =	shalt  }
0x53: {  	_ =	shalt  }
0x54: {  	_ =	shalt  }
0x55: {  	_ =	shalt  }
0x56: {  	_ =	shalt  }
0x57: {  	_ =	shalt  }
0x58: {  	_ =	shalt  }
0x59: {  	_ =	shalt  }
0x5a: {  	_ =	shalt  }
0x5b: {  	_ =	shalt  }
0x5c: {  	_ =	shalt  }
0x5d: {  	_ =	shalt  }
0x5e: {  	_ =	shalt  }
0x5f: {  	_ =	shalt  }
0x60: {  	_ =	shalt  }
0x61: {  	_ =	shalt  }
0x62: {  	_ =	shalt  }
0x63: {  	_ =	shalt  }
0x64: {  	_ =	shalt  }
0x65: {  	_ =	shalt  }
0x66: {  	_ =	shalt  }
0x67: {  	_ =	shalt  }
0x68: {  	_ =	shalt  }
0x69: {  	_ =	shalt  }
0x6a: {  	_ =	shalt  }
0x6b: {  	_ =	shalt  }
0x6c: {  	_ =	shalt  }
0x6d: {  	_ =	shalt  }
0x6e: {  	_ =	shalt  }
0x6f: {  	_ =	shalt  }
0x70: {  	_ =	shalt  }
0x71: {  	_ =	shalt  }
0x72: {  	_ =	shalt  }
0x73: {  	_ =	shalt  }
0x74: {  	_ =	shalt  }
0x75: {  	_ =	shalt  }
0x76: {  	_ =	shalt  }
0x77: {  	_ =	shalt  }
0x78: {  	_ =	shalt  }
0x79: {  	_ =	shalt  }
0x7a: {  	_ =	shalt  }
0x7b: {  	_ =	shalt  }
0x7c: {  	_ =	shalt  }
0x7d: {  	_ =	shalt  }
0x7e: {  	_ =	shalt  }
0x7f: {  	_ =	shalt  }
0x80: {  	_ =	shalt  }
0x81: {  	_ =	shalt  }
0x82: {  	_ =	shalt  }
0x83: {  	_ =	shalt  }
0x84: {  	_ =	shalt  }
0x85: {  	_ =	shalt  }
0x86: {  	_ =	shalt  }
0x87: {  	_ =	shalt  }
.Lfunc_end0:
.L_simem_size_0:
called_computation.4_lowered:
.L_overlay_start_0:
0x88: {  	s2 =	sld [smem:$0x3FD9]  }
0x89: {  	s3 =	sld [smem:$0x3FFE];
	_ =	sdelay $0x1  }
0x8a: {  	s1 =	srdreg.scid  }
0x8b: {  	s0 =	sand.u32 $0x1, s1  }
0x8c: {  	s16 =	sshll.u32 s0, $0xA;
	s2 =	sadd.s32 s3, s2  }
0x8d: {  	s2 =	sadd.s32 s2, s16  }
0x8e: {  	[smem:$0x3F52] =	sst s2  }
0x8f: {  	_ = 	snop  }
0x90: {  	(tm) =	ssettm $0x1  }
0x91: {  	s17 =	sld [smem:$0x3FFB];
	_ =	sdelay $0x3  }
0x92: {  	_ =	strace s17  }
0x93: {  	s2 =	sld [smem:$0x3FFC];
	_ =	sdelay $0x3  }
0x94: {  	_ =	strace s2  }
0x95: {  	s2 =	sld [smem:$0x3FFD];
	_ =	sdelay $0x3  }
0x96: {  	_ =	strace s2  }
0x97: {  	_ =	strace $0x8FFFFFFF  }
0x98: {  	s18 =	sld [smem:$0x3FDB];
	_ =	sdelay $0x1  }
0x99: {  	s19 =	simm.s32 $_scs_section_size  }
0x9a: {  	s4 =	simm.s32 $_size__tile_overlayer_lowered;
	s5 =	simm.s32 $_tile_overlayer_lowered  }
0x9b: {  	s22 =	simm.s32 $0x1BFF;
	s21 =	sshll.u32 s5, $0x1;
	s2 =	sadd.s32 s19, s18  }
0x9c: {  	s6 =	simm.s32 $0x0;
	s20 =	sshll.u32 s4, $0x1;
	s4 =	sadd.s32 s21, s2  }
0x9d: {  	[timem:s6], [sflag:s22] =	dma.local [hbm:s4], s20  }
0x9e: {  	_ =	swait.ge [sflag:s22], s20  }
0x9f: {  	s3 =	ssub.s32 $0x0, s20;
	[sflag:s22] =	ssyncset.done $0x0  }
0xa0: {  	[sflag:s22] =	ssyncadd.s32 s3;
	_ =	sdelay $0x1  }
0xa1: {  	s23 =	simm.s32 $0x1B8B  }
0xa2: {  	_ =	swait.ge [sflag:s23], $0x1  }
0xa3: {  	[sflag:s23] =	ssyncset.done $0x0  }
0xa4: {  	s25 =	simm.s32 $0x1B8E;
	s24 =	sld [smem:$0x3FFE];
	[sflag:s23] =	ssyncadd.s32 $0xFFFFFFFF  }
0xa5: {  	s26 =	simm.s32 $execute0_lowered;
	[smem:$0x3FD2] =	sst s25  }
0xa6: {  	s4 =	sshll.u32 s26, $0x1;
	_ =	strace $0x80000052;
	[dreg:$0x1] =	wrdreg $0xFFFFFFFF  }
0xa7: {  	s28 =	simm.s32 $_size_execute0_lowered;
	s2 =	sadd.s32 s2, s4;
	[dreg:$0x0] =	wrdreg $0x0  }
0xa8: {  	s4 =	sshll.u32 s28, $0x1;
	[dreg:$0x2] =	wrdreg s2  }
0xa9: {  	[dreg:$0x3] =	wrdreg s4  }
0xaa: {  	[dreg:$0x4] =	wrdreg $0xC0  }
0xab: {  	_ =	task [dreg:s6], $0x5FFFF  }
0xac: {  	[dreg:$0x1] =	wrdreg $0xFFFFFFFF  }
0xad: {  	[dreg:$0x0] =	wrdreg $0x60  }
0xae: {  	[dreg:$0x2] =	wrdreg s24  }
0xaf: {  	[dreg:$0x3] =	wrdreg $0x9  }
0xb0: {  	_ =	task.clear_ibuf [dreg:s6], $0x4FFFF;
	_ =	strace $0x90000052  }
0xb1: {  	s29 =	simm.s32 $0x9;
	_ =	strace $0x80000054  }
0xb2: {  	_ =	swait.ge [sflag:s29], $0x1  }
0xb3: {  	[sflag:s29] =	ssyncadd.s32 $0xFFFFFFFF  }
0xb4: {  	_ =	strace $0x90000054  }
0xb5: {  	_ =	sfence  }
0xb6: {  	s30 =	sld [smem:$0x0];
	_ =	sdelay $0x2  }
0xb7: {  	s31 =	sshll.u32 s1, $0xD;
	s1 =	sshrl.u32 s1, $0x2  }
0xb8: {  	s3 =	sand.u32 $0x4000, s31;
	s1 =	sadd.s32 s1, s30  }
0xb9: {  	s0 =	sor.u32 s3, s0;
	s1 =	sshll.u32 s1, $0x11  }
0xba: {  	s0 =	sor.u32 s1, s0  }
0xbb: {  	s0 =	sadd.s32 $0x8F2B, s0  }
0xbc: {  	[sflag:s0] =	ssyncadd.remote.s32 $0x1  }
0xbd: {  	_ =	sfence.sel $0xFFFF  }
0xbe: {  	[dreg:$0x0] =	wrdreg $0xFFFFFFFF;
	(pc) =	sbr.abs _section_cstart, $3  }
0xbf: {  	[dreg:$0x1] =	wrdreg $0xFFFFFFFF  }
0xc0: {  	_ =	task.clear_ibuf [dreg:s6], $0x2FFFF;
	_ =	strace $0x9FFFFFFF  }
0xc1: {  	(tm) =	ssettm $0x7FFFFFFF  }
tec
execute0_lowered:
.L_overlay_start_1:
0x0: {  	(tag) =	ssettag $0x1  }
0x1: {  	s7 =	rddreg [dreg:$0x0]  }
0x2: {  	s0 =	rddreg [dreg:$0x1];
	s1 =	stileid.u32  }
0x3: {  	s2 =	simm.s32 $0x0;
	s3 =	srdreg.scid;
	s12 =	simm.s32 $0x100  }
0x4: {  	s13 =	simm.s32 $0x2900;
	s14 =	simm.s32 $0x1;
	s4 =	smul.u32 $0x4E200, s1  }
0x5: {  	s15 =	simm.s32 $0x2;
	s5 =	sand.u32 $0x1, s3;
	s6 =	smul.u32 $0x4E20, s1  }
0x6: {  	s16 =	simm.s32 $0x0;
	[smem:$0x7FF] =	sst s2;
	s9 =	smul.u32 $0x2710, s5  }
0x7: {  	s3 =	sadd.s32 $0x64800, s7;
	s8 =	ssub.s32 $0x2, s5;
	s5 =	smul.u32 $0x27100, s5  }
0x8: {  	_ =	strace $0x80000053;
	s10 =	sshrl.u32 s8, $0x1;
	s11 =	sadd.s32 s4, s7  }
0x9: {  	s30 =	ssub.s32 s8, s10;
	s6 =	sadd.s32 s9, s6;
	s31 =	sadd.s32 s5, s11  }
0xa: {  	s10 =	simm.s32 $0x80;
	s11 =	simm.s32 $0x50;
	s9 =	sshrl.u32 s6, $0x3  }
0xb: {  	s4 =	smax.u32 s30, $0x1;
	s5 =	sadd.s32 $0x8BA00, s31;
	s7 =	sadd.s32 s9, s7  }
0xc: {  	s6 =	sadd.s32 $0x56DA00, s31;
	s9 =	simm.s32 $0x3;
	s8 =	sadd.s32 $0x9E00, s7  }
.LBB2_1:
0xd: {  	s17 =	sadd.s32 $0x0, s7  }
0xe: {  	[tilespmem:s2], [sflag:$0x3] =	stream.linear.gather [hbm4b:s17+s2], $0x50, $0x38;
	[tilespmem:$0x5100] =	vst v63  }
0xf: {  	_ =	swait.ge [sflag:s9], $0x50  }
0x10: {  	[sflag:s9] =	ssyncset.done $0x0  }
0x11: {  	s31 =	sadd.s32 $0x0, s8;
	[sflag:s9] =	ssyncadd.s32 $0xFFFFFFB0  }
0x12: {  	[tilespmem:s10], [sflag:$0x3] =	stream.linear.gather [hbm4b:s31+s2], $0x50, $0x38;
	[tilespmem:$0x5100] =	vst v63  }
0x13: {  	_ =	swait.ge [sflag:s9], $0x50  }
0x14: {  	[sflag:s9] =	ssyncset.done $0x0  }
0x15: {  	[sflag:s9] =	ssyncadd.s32 $0xFFFFFFB0  }
0x16: {  	[tilespmem:s12], [sflag:$0x1] =	stream.indirect.gather [hbm4b:s3+s11], $0x80, s2, s11, $0xb8;
	[tilespmem:$0x5100] =	vst v63  }
0x17: {  	_ = 	snop  }
0x18: {  	[tilespmem:s13], [sflag:$0x2] =	stream.indirect.gather [hbm4b:s3+s11], $0x80, s10, s11, $0xb8;
	[tilespmem:$0x5100] =	vst v63  }
0x19: {  	_ =	swait.ge [sflag:s14], $0x2800  }
0x1a: {  	[sflag:s14] =	ssyncset.done $0x0  }
0x1b: {  	[sflag:s14] =	ssyncadd.s32 $0xFFFFD800  }
0x1c: {  	[hbm4b:s5+s2] =	stream.linear.scatter [tilespmem:s12], [sflag:$0x3], $0x2800, $0x38;
	[tilespmem:$0x5100] =	vst v63  }
0x1d: {  	_ =	swait.ge [sflag:s9], $0x2800  }
0x1e: {  	[sflag:s9] =	ssyncset.done $0x0  }
0x1f: {  	[sflag:s9] =	ssyncadd.s32 $0xFFFFD800  }
0x20: {  	_ =	swait.ge [sflag:s15], $0x2800  }
0x21: {  	[sflag:s15] =	ssyncset.done $0x0  }
0x22: {  	[sflag:s15] =	ssyncadd.s32 $0xFFFFD800  }
0x23: {  	[hbm4b:s6+s2] =	stream.linear.scatter [tilespmem:s13], [sflag:$0x3], $0x2800, $0x38;
	[tilespmem:$0x5100] =	vst v63  }
0x24: {  	s19 =	simm.s32 $0xA;
	s20 =	simm.s32 $0x14;
	_ =	swait.ge [sflag:s9], $0x2800  }
0x25: {  	s18 =	sadd.s32 $0x500, s5;
	s17 =	sadd.s32 $0x500, s6;
	[sflag:s9] =	ssyncset.done $0x0  }
.LBB2_2:
0x26: {  	s21 =	sadd.s32 s19, s7  }
0x27: {  	[sflag:s9] =	ssyncadd.s32 $0xFFFFD800;
	s22 =	smov.u32 s20;
	s23 =	sadd.s32 $0xA, s20  }
0x28: {  	[tilespmem:s2], [sflag:$0x3] =	stream.linear.gather [hbm4b:s21+s2], $0x50, $0x38;
	[tilespmem:$0x5100] =	vst v63  }
0x29: {  	p0 =	sne.s32 s20, $0x4D8;
	_ =	swait.ge [sflag:s9], $0x50  }
0x2a: {  	[sflag:s9] =	ssyncset.done $0x0  }
0x2b: {  	s20 =	sadd.s32 s19, s8;
	s19 =	smov.u32 s22;
	[sflag:s9] =	ssyncadd.s32 $0xFFFFFFB0  }
0x2c: {  	[tilespmem:s10], [sflag:$0x3] =	stream.linear.gather [hbm4b:s20+s2], $0x50, $0x38;
	[tilespmem:$0x5100] =	vst v63  }
0x2d: {  	_ =	swait.ge [sflag:s9], $0x50  }
0x2e: {  	[sflag:s9] =	ssyncset.done $0x0  }
0x2f: {  	[sflag:s9] =	ssyncadd.s32 $0xFFFFFFB0  }
0x30: {  	[tilespmem:s12], [sflag:$0x1] =	stream.indirect.gather [hbm4b:s3+s11], $0x80, s2, s11, $0xb8;
	[tilespmem:$0x5100] =	vst v63  }
0x31: {  	_ = 	snop  }
0x32: {  	[tilespmem:s13], [sflag:$0x2] =	stream.indirect.gather [hbm4b:s3+s11], $0x80, s10, s11, $0xb8;
	[tilespmem:$0x5100] =	vst v63  }
0x33: {  	_ =	swait.ge [sflag:s14], $0x2800  }
0x34: {  	[sflag:s14] =	ssyncset.done $0x0  }
0x35: {  	[sflag:s14] =	ssyncadd.s32 $0xFFFFD800  }
0x36: {  	[hbm4b:s18+s2] =	stream.linear.scatter [tilespmem:s12], [sflag:$0x3], $0x2800, $0x38;
	[tilespmem:$0x5100] =	vst v63  }
0x37: {  	_ =	swait.ge [sflag:s9], $0x2800  }
0x38: {  	[sflag:s9] =	ssyncset.done $0x0  }
0x39: {  	[sflag:s9] =	ssyncadd.s32 $0xFFFFD800  }
0x3a: {  	_ =	swait.ge [sflag:s15], $0x2800  }
.Ltmp0:
0x3b: {  	[sflag:s15] =	ssyncset.done $0x0;
	(pc) =	sbr.rel @p0 .LBB2_2-.Ltmp0, $4  }
0x3c: {  	[sflag:s15] =	ssyncadd.s32 $0xFFFFD800  }
0x3d: {  	[hbm4b:s17+s2] =	stream.linear.scatter [tilespmem:s13], [sflag:$0x3], $0x2800, $0x38;
	[tilespmem:$0x5100] =	vst v63  }
0x3e: {  	s20 =	smov.u32 s23;
	_ =	swait.ge [sflag:s9], $0x2800  }
0x3f: {  	s18 =	sadd.s32 $0x500, s18;
	s17 =	sadd.s32 $0x500, s17;
	[sflag:s9] =	ssyncset.done $0x0  }
0x40: {  	s20 =	sadd.s32 s19, s7;
	[sflag:s9] =	ssyncadd.s32 $0xFFFFD800  }
0x41: {  	[tilespmem:s2], [sflag:$0x3] =	stream.linear.gather [hbm4b:s20+s2], $0x50, $0x38;
	[tilespmem:$0x5100] =	vst v63  }
0x42: {  	_ =	swait.ge [sflag:s9], $0x50  }
0x43: {  	[sflag:s9] =	ssyncset.done $0x0  }
0x44: {  	s31 =	sadd.s32 s19, s8;
	[sflag:s9] =	ssyncadd.s32 $0xFFFFFFB0  }
0x45: {  	[tilespmem:s10], [sflag:$0x3] =	stream.linear.gather [hbm4b:s31+s2], $0x50, $0x38;
	[tilespmem:$0x5100] =	vst v63  }
0x46: {  	_ =	swait.ge [sflag:s9], $0x50  }
0x47: {  	[sflag:s9] =	ssyncset.done $0x0  }
0x48: {  	[sflag:s9] =	ssyncadd.s32 $0xFFFFFFB0  }
0x49: {  	[tilespmem:s12], [sflag:$0x1] =	stream.indirect.gather [hbm4b:s3+s11], $0x80, s2, s11, $0xb8;
	[tilespmem:$0x5100] =	vst v63  }
0x4a: {  	_ = 	snop  }
0x4b: {  	[tilespmem:s13], [sflag:$0x2] =	stream.indirect.gather [hbm4b:s3+s11], $0x80, s10, s11, $0xb8;
	[tilespmem:$0x5100] =	vst v63  }
0x4c: {  	_ =	swait.ge [sflag:s14], $0x2800  }
0x4d: {  	[sflag:s14] =	ssyncset.done $0x0  }
0x4e: {  	[sflag:s14] =	ssyncadd.s32 $0xFFFFD800  }
0x4f: {  	[hbm4b:s18+s2] =	stream.linear.scatter [tilespmem:s12], [sflag:$0x3], $0x2800, $0x38;
	[tilespmem:$0x5100] =	vst v63  }
0x50: {  	_ =	swait.ge [sflag:s9], $0x2800  }
0x51: {  	[sflag:s9] =	ssyncset.done $0x0  }
0x52: {  	[sflag:s9] =	ssyncadd.s32 $0xFFFFD800  }
0x53: {  	s16 =	sadd.s32 $0x1, s16;
	_ =	swait.ge [sflag:s15], $0x2800  }
0x54: {  	p0 =	sne.s32 s16, s4;
	[sflag:s15] =	ssyncset.done $0x0  }
.Ltmp1:
0x55: {  	[sflag:s15] =	ssyncadd.s32 $0xFFFFD800;
	(pc) =	sbr.rel @p0 .LBB2_1-.Ltmp1, $4  }
0x56: {  	[hbm4b:s17+s2] =	stream.linear.scatter [tilespmem:s13], [sflag:$0x3], $0x2800, $0x38;
	[tilespmem:$0x5100] =	vst v63  }
0x57: {  	_ =	swait.ge [sflag:s9], $0x2800  }
0x58: {  	[sflag:s9] =	ssyncset.done $0x0  }
0x59: {  	[sflag:s9] =	ssyncadd.s32 $0xFFFFD800  }
0x5a: {  	_ =	sfence.sel $0x180000  }
0x5b: {  	[bflag:$0x0] =	sbarrier.arrive $0xFFFF  }
0x5c: {  	p0 =	sne.s32 s1, $0x0;
	_ =	strace $0x90000053  }
0x5d: {  	s0 =	sadd.s32 @!p0 $0x100000, s0;
	[bflag:$0x2] =	sbarrier.arrive $0xFFFF  }
0x5e: {  	[sflag:s0] =	ssyncadd.tile.s32 @!p0 $0x1;
	_ =	shalt  }
.Lfunc_end2:
_tile_overlayer_lowered:
.L_overlay_start_2:
0x5f: {  	(tag) =	ssettag $0x2  }
0x60: {  	s0 =	rddreg [dreg:$0x0];
	s2 =	stileid.u32  }
0x61: {  	s1 =	rddreg [dreg:$0x1];
	p0 =	sne.s32 s2, $0x0  }
0x62: {  	s3 =	rddreg [dreg:$0x2];
	[bflag:$0x3] =	sbarrier.arrive $0xFFFF;
	s2 =	simm.s32 @!p0 $0x1C03  }
0x63: {  	[timem:s3], [sflag:s2] =	dma.local @!p0 [hbm:s0], s1  }
0x64: {  	s0 =	simm.s32 @!p0 $0x3  }
0x65: {  	_ =	swait.ge @!p0 [sflag:s0], s1  }
0x66: {  	s1 =	ssub.s32 @!p0 $0x0, s1;
	[sflag:s0] =	ssyncset.done @!p0 $0x0  }
0x67: {  	[sflag:s0] =	ssyncadd.s32 @!p0 s1  }
0x68: {  	[bflag:$0x3] =	sbarrier.arrive $0xFFFF  }
0x69: {  	_ =	shalt  }

// kernel: kernel.63.cloned.1.call-start
scs
__scs_entry_jumppad:
0x0: {  	(pc) =	sbr.rel $0x88, $3  }
0x1: {  	(tag) =	ssettag $0x0;
	lr =	simm.s32 $0x1  }
0x2: {  	[smem:$0x3F2B] =	sst lr;
	_ =	strace $0xD0000000  }
0x3: {  	_ = 	snop  }
0x4: {  	_ = 	snop  }
0x5: {  	_ = 	snop  }
0x6: {  	_ = 	snop  }
0x7: {  	_ = 	snop  }
__scs_overlays_trampoline_lowered:
0x8: {  	[smem:$0x3F3A] =	sst s0  }
0x9: {  	[smem:$0x3F3B] =	sst s1  }
0xa: {  	[smem:$0x3F3C] =	sst s2  }
0xb: {  	[smem:$0x3F3D] =	sst s3  }
0xc: {  	[smem:$0x3F3E] =	sst s4  }
0xd: {  	[smem:$0x3F3F] =	sst s5  }
0xe: {  	[smem:$0x3F40] =	sst s6  }
0xf: {  	[smem:$0x3F41] =	sst s7  }
0x10: {  	[smem:$0x3F42] =	sst s8  }
0x11: {  	[smem:$0x3F43] =	sst s9;
	s0 =	simm.s32 @!p0 $0x0  }
0x12: {  	s1 =	sld [smem:$0x3F29];
	s0 =	simm.s32 @p0 $0x1  }
0x13: {  	[smem:$0x3F44] =	sst s0;
	s0 =	simm.s32 @!p1 $0x0  }
0x14: {  	s2 =	sld [smem:$0x3F28];
	s0 =	simm.s32 @p1 $0x1  }
0x15: {  	[smem:$0x3F45] =	sst s0;
	s0 =	simm.s32 @!p2 $0x0  }
0x16: {  	s3 =	sld [smem:$0x3FDB];
	s0 =	simm.s32 @p2 $0x1  }
0x17: {  	s4 =	simm.s32 $0x1BF5;
	[smem:$0x3F47] =	sst s0  }
0x18: {  	s0 =	sld [smem:$0x3F2A];
	_ =	swait.ge [sflag:s4], $0x0  }
0x19: {  	s7 =	sld [smem:$0x3F2B]  }
0x1a: {  	s8 =	sadd.s32 $0xFFFFE003, lr  }
0x1b: {  	s9 =	sadd.s32 $0xFFFFFEF7, lr;
	s5 =	simm.s32 $0xFFFFFFFF;
	p2 =	slt.u32 s8, $0xFFFFF086  }
0x1c: {  	p1 =	slt.u32 s9, $0xF7A;
	s5 =	simm.s32 @!p2 $0x0  }
0x1d: {  	s5 =	simm.s32 @p1 $0x1;
	p0 =	seq.s32 s7, s2  }
0x1e: {  	s7 =	smul.u32 @!p0 $0xF7A, s2;
	p2 =	seq.s32 @!p0 s5, $0x0  }
0x1f: {  	s9 =	smul.u32 $0xF7A, s1;
	s8 =	simm.s32 @!p0 $0x1BF5;
	p2 =	por !p2, p0  }
0x20: {  	[sflag:s8] =	ssyncset.s32 @!p0 $0xFFFFF086;
	s6 =	sadd.s32 @!p0 s3, s7;
	s7 =	simm.s32 @!p0 $0x108  }
0x21: {  	s3 =	sadd.s32 s3, s9;
	s6 =	sadd.s32 @!p0 $0x88, s6;
	s7 =	simm.s32 @p2 $0x1082  }
0x22: {  	[simem:s7], [sflag:s8] =	dma.local @!p0 [hbm:s6], $0xF7A  }
0x23: {  	s9 =	sor.u32 $0xD0000000, s2;
	s6 =	simm.s32 $0x108;
	_ =	swait.ge @!p0 [sflag:s8], $0x0  }
0x24: {  	s3 =	sadd.s32 $0x88, s3;
	s6 =	simm.s32 @!p1 $0x1082;
	[sflag:s4] =	ssyncset.s32 $0xFFFFF086  }
0x25: {  	[simem:s6], [sflag:s4] =	dma.local [hbm:s3], $0xF7A  }
0x26: {  	[smem:$0x3F2B] =	sst s1;
	(tag) =	ssettag s2;
	_ =	strace s9  }
0x27: {  	s1 =	sld [smem:$0x3F3B]  }
0x28: {  	s2 =	sld [smem:$0x3F3C]  }
0x29: {  	s4 =	sld [smem:$0x3F3E]  }
0x2a: {  	p0 =	seq.s32 s5, $0x0;
	s5 =	sld [smem:$0x3F3F]  }
0x2b: {  	s6 =	sld [smem:$0x3F40]  }
0x2c: {  	s7 =	sld [smem:$0x3F41]  }
0x2d: {  	s3 =	simm.s32 $0x108;
	s8 =	sld [smem:$0x3F42]  }
0x2e: {  	s3 =	simm.s32 @!p0 $0x1082;
	s9 =	sld [smem:$0x3F43]  }
0x2f: {  	lr =	sadd.s32 s0, s3;
	s0 =	sld [smem:$0x3F3A]  }
0x30: {  	s3 =	sld [smem:$0x3F3D]  }
0x31: {  	[smem:$0x3F46] =	sst s10  }
0x32: {  	s10 =	sld [smem:$0x3F44];
	_ =	sdelay $0x3  }
0x33: {  	p0 =	seq.s32 s10, $0x1;
	s10 =	sld [smem:$0x3F46];
	_ =	sdelay $0x3  }
0x34: {  	[smem:$0x3F46] =	sst s10  }
0x35: {  	s10 =	sld [smem:$0x3F45];
	_ =	sdelay $0x3  }
0x36: {  	p1 =	seq.s32 s10, $0x1;
	s10 =	sld [smem:$0x3F46];
	_ =	sdelay $0x3  }
0x37: {  	[smem:$0x3F46] =	sst s10  }
0x38: {  	s10 =	sld [smem:$0x3F47]  }
0x39: {  	_ = 	snop;
	(pc) =	sbr.ind lr, $3  }
0x3a: {  	_ = 	snop  }
0x3b: {  	_ = 	snop  }
0x3c: {  	p2 =	seq.s32 s10, $0x1;
	s10 =	sld [smem:$0x3F46]  }
0x3d: {  	_ =	shalt  }
0x3e: {  	_ =	shalt  }
0x3f: {  	_ =	shalt  }
0x40: {  	_ =	shalt  }
0x41: {  	_ =	shalt  }
0x42: {  	_ =	shalt  }
0x43: {  	_ =	shalt  }
0x44: {  	_ =	shalt  }
0x45: {  	_ =	shalt  }
0x46: {  	_ =	shalt  }
0x47: {  	_ =	shalt  }
0x48: {  	_ =	shalt  }
0x49: {  	_ =	shalt  }
0x4a: {  	_ =	shalt  }
0x4b: {  	_ =	shalt  }
0x4c: {  	_ =	shalt  }
0x4d: {  	_ =	shalt  }
0x4e: {  	_ =	shalt  }
0x4f: {  	_ =	shalt  }
0x50: {  	_ =	shalt  }
0x51: {  	_ =	shalt  }
0x52: {  	_ =	shalt  }
0x53: {  	_ =	shalt  }
0x54: {  	_ =	shalt  }
0x55: {  	_ =	shalt  }
0x56: {  	_ =	shalt  }
0x57: {  	_ =	shalt  }
0x58: {  	_ =	shalt  }
0x59: {  	_ =	shalt  }
0x5a: {  	_ =	shalt  }
0x5b: {  	_ =	shalt  }
0x5c: {  	_ =	shalt  }
0x5d: {  	_ =	shalt  }
0x5e: {  	_ =	shalt  }
0x5f: {  	_ =	shalt  }
0x60: {  	_ =	shalt  }
0x61: {  	_ =	shalt  }
0x62: {  	_ =	shalt  }
0x63: {  	_ =	shalt  }
0x64: {  	_ =	shalt  }
0x65: {  	_ =	shalt  }
0x66: {  	_ =	shalt  }
0x67: {  	_ =	shalt  }
0x68: {  	_ =	shalt  }
0x69: {  	_ =	shalt  }
0x6a: {  	_ =	shalt  }
0x6b: {  	_ =	shalt  }
0x6c: {  	_ =	shalt  }
0x6d: {  	_ =	shalt  }
0x6e: {  	_ =	shalt  }
0x6f: {  	_ =	shalt  }
0x70: {  	_ =	shalt  }
0x71: {  	_ =	shalt  }
0x72: {  	_ =	shalt  }
0x73: {  	_ =	shalt  }
0x74: {  	_ =	shalt  }
0x75: {  	_ =	shalt  }
0x76: {  	_ =	shalt  }
0x77: {  	_ =	shalt  }
0x78: {  	_ =	shalt  }
0x79: {  	_ =	shalt  }
0x7a: {  	_ =	shalt  }
0x7b: {  	_ =	shalt  }
0x7c: {  	_ =	shalt  }
0x7d: {  	_ =	shalt  }
0x7e: {  	_ =	shalt  }
0x7f: {  	_ =	shalt  }
0x80: {  	_ =	shalt  }
0x81: {  	_ =	shalt  }
0x82: {  	_ =	shalt  }
0x83: {  	_ =	shalt  }
0x84: {  	_ =	shalt  }
0x85: {  	_ =	shalt  }
0x86: {  	_ =	shalt  }
0x87: {  	_ =	shalt  }
.Lfunc_end0:
.L_simem_size_0:
called_computation.5_lowered:
.L_overlay_start_0:
0x88: {  	s2 =	sld [smem:$0x3FD9]  }
0x89: {  	s3 =	sld [smem:$0x3FFE];
	_ =	sdelay $0x1  }
0x8a: {  	s1 =	srdreg.scid  }
0x8b: {  	s0 =	sand.u32 $0x1, s1  }
0x8c: {  	s16 =	sshll.u32 s0, $0xA;
	s2 =	sadd.s32 s3, s2  }
0x8d: {  	s2 =	sadd.s32 s2, s16  }
0x8e: {  	[smem:$0x3F52] =	sst s2  }
0x8f: {  	_ = 	snop  }
0x90: {  	(tm) =	ssettm $0x1  }
0x91: {  	s17 =	sld [smem:$0x3FFB];
	_ =	sdelay $0x3  }
0x92: {  	_ =	strace s17  }
0x93: {  	s2 =	sld [smem:$0x3FFC];
	_ =	sdelay $0x3  }
0x94: {  	_ =	strace s2  }
0x95: {  	s2 =	sld [smem:$0x3FFD];
	_ =	sdelay $0x3  }
0x96: {  	_ =	strace s2  }
0x97: {  	_ =	strace $0x8FFFFFFF  }
0x98: {  	s18 =	sld [smem:$0x3FDB];
	_ =	sdelay $0x1  }
0x99: {  	s19 =	simm.s32 $_scs_section_size  }
0x9a: {  	s4 =	simm.s32 $_size__tile_overlayer_lowered;
	s5 =	simm.s32 $_tile_overlayer_lowered  }
0x9b: {  	s22 =	simm.s32 $0x1BFF;
	s21 =	sshll.u32 s5, $0x1;
	s2 =	sadd.s32 s19, s18  }
0x9c: {  	s6 =	simm.s32 $0x0;
	s20 =	sshll.u32 s4, $0x1;
	s4 =	sadd.s32 s21, s2  }
0x9d: {  	[timem:s6], [sflag:s22] =	dma.local [hbm:s4], s20  }
0x9e: {  	_ =	swait.ge [sflag:s22], s20  }
0x9f: {  	s3 =	ssub.s32 $0x0, s20;
	[sflag:s22] =	ssyncset.done $0x0  }
0xa0: {  	[sflag:s22] =	ssyncadd.s32 s3;
	_ =	sdelay $0x1  }
0xa1: {  	s23 =	simm.s32 $0x1B8B  }
0xa2: {  	_ =	swait.ge [sflag:s23], $0x1  }
0xa3: {  	[sflag:s23] =	ssyncset.done $0x0  }
0xa4: {  	s25 =	simm.s32 $0x1B8E;
	s24 =	sld [smem:$0x3FFE];
	[sflag:s23] =	ssyncadd.s32 $0xFFFFFFFF  }
0xa5: {  	s26 =	simm.s32 $execute0_lowered;
	[smem:$0x3FD2] =	sst s25  }
0xa6: {  	s4 =	sshll.u32 s26, $0x1;
	_ =	strace $0x80000055;
	[dreg:$0x1] =	wrdreg $0xFFFFFFFF  }
0xa7: {  	s28 =	simm.s32 $_size_execute0_lowered;
	s2 =	sadd.s32 s2, s4;
	[dreg:$0x0] =	wrdreg $0x0  }
0xa8: {  	s4 =	sshll.u32 s28, $0x1;
	[dreg:$0x2] =	wrdreg s2  }
0xa9: {  	[dreg:$0x3] =	wrdreg s4  }
0xaa: {  	[dreg:$0x4] =	wrdreg $0xC0  }
0xab: {  	_ =	task [dreg:s6], $0x5FFFF  }
0xac: {  	[dreg:$0x1] =	wrdreg $0xFFFFFFFF  }
0xad: {  	[dreg:$0x0] =	wrdreg $0x60  }
0xae: {  	[dreg:$0x2] =	wrdreg s24  }
0xaf: {  	[dreg:$0x3] =	wrdreg $0x28800  }
0xb0: {  	[dreg:$0x4] =	wrdreg $0x9  }
0xb1: {  	_ =	task.clear_ibuf [dreg:s6], $0x5FFFF;
	_ =	strace $0x90000055  }
0xb2: {  	s29 =	simm.s32 $0x9;
	_ =	strace $0x80000057  }
0xb3: {  	_ =	swait.ge [sflag:s29], $0x1  }
0xb4: {  	[sflag:s29] =	ssyncadd.s32 $0xFFFFFFFF  }
0xb5: {  	_ =	strace $0x90000057  }
0xb6: {  	_ =	sfence  }
0xb7: {  	s30 =	sld [smem:$0x0];
	_ =	sdelay $0x2  }
0xb8: {  	s31 =	sshll.u32 s1, $0xD;
	s1 =	sshrl.u32 s1, $0x2  }
0xb9: {  	s3 =	sand.u32 $0x4000, s31;
	s1 =	sadd.s32 s1, s30  }
0xba: {  	s0 =	sor.u32 s3, s0;
	s1 =	sshll.u32 s1, $0x11  }
0xbb: {  	s0 =	sor.u32 s1, s0  }
0xbc: {  	s0 =	sadd.s32 $0x8F2B, s0  }
0xbd: {  	[sflag:s0] =	ssyncadd.remote.s32 $0x1  }
0xbe: {  	_ =	sfence.sel $0xFFFF  }
0xbf: {  	[dreg:$0x0] =	wrdreg $0xFFFFFFFF;
	(pc) =	sbr.abs _section_cstart, $3  }
0xc0: {  	[dreg:$0x1] =	wrdreg $0xFFFFFFFF  }
0xc1: {  	_ =	task.clear_ibuf [dreg:s6], $0x2FFFF;
	_ =	strace $0x9FFFFFFF  }
0xc2: {  	(tm) =	ssettm $0x7FFFFFFF  }
0xc3: {  	_ =	shalt  }
tec
execute0_lowered:
.L_overlay_start_1:
0x0: {  	(tag) =	ssettag $0x1  }
0x1: {  	s0 =	stileid.u32  }
0x2: {  	s1 =	srdreg.scid;
	s4 =	smul.u32 $0x4E200, s0  }
0x3: {  	s5 =	rddreg [dreg:$0x0];
	s7 =	smul.u32 $0x4E20, s0  }
0x4: {  	s2 =	rddreg [dreg:$0x1];
	s3 =	simm.s32 $0x0;
	s22 =	smul.u32 $0x14000, s0  }
0x5: {  	s13 =	simm.s32 $0x50;
	s6 =	sand.u32 $0x1, s1;
	s26 =	smul.u32 $0x50000, s0  }
0x6: {  	s14 =	simm.s32 $0x0;
	s1 =	rddreg [dreg:$0x2];
	s8 =	smul.u32 $0x2710, s6  }
0x7: {  	[smem:$0x7FF] =	sst s3;
	s30 =	sshll.u32 s0, $0x6;
	s9 =	smul.u32 $0x140000, s6  }
0x8: {  	_ =	strace $0x80000056;
	s25 =	ssub.s32 $0x2, s6;
	s6 =	smul.u32 $0x27100, s6  }
0x9: {  	s10 =	sadd.s32 s4, s5;
	s4 =	sadd.s32 $0x13C00, s5;
	s28 =	sshrl.u32 s25, $0x1  }
0xa: {  	s29 =	sshrl.u32 s26, $0x2;
	s7 =	sadd.s32 s8, s7;
	s24 =	sadd.s32 s22, s9  }
0xb: {  	s8 =	ssub.s32 s25, s28;
	s12 =	sadd.s32 s29, s2;
	s31 =	sadd.s32 s6, s10  }
0xc: {  	s23 =	sshrl.u32 s7, $0x3;
	s7 =	sshrl.u32 s24, $0x3;
	s10 =	sshrl.u32 s12, $0x3  }
0xd: {  	s12 =	simm.s32 $0x80;
	s11 =	sadd.s32 s23, s5;
	s7 =	sadd.s32 s7, s5  }
0xe: {  	s5 =	sor.u32 $0x1C01, s30;
	s6 =	sadd.s32 $0x64800, s7;
	s7 =	smax.u32 s8, $0x1  }
0xf: {  	s8 =	sadd.s32 $0x546800, s31;
	s9 =	sadd.s32 $0x9E00, s11;
	s11 =	simm.s32 $0x1  }
.LBB2_1:
0x10: {  	[spmem:s10], [sflag:s5] =	dma.local [hbm:s4], $0x2800  }
0x11: {  	_ =	swait.ge [sflag:s11], $0x2800  }
0x12: {  	[sflag:s11] =	ssyncset.done $0x0  }
0x13: {  	[sflag:s11] =	ssyncadd.s32 $0xFFFFD800  }
0x14: {  	s15 =	sadd.s32 $0x0, s9;
	[bflag:$0x0] =	sbarrier.arrive $0xFFFF  }
0x15: {  	[tilespmem:s3], [sflag:$0x1] =	stream.linear.gather [hbm4b:s15+s3], $0x50, $0x38;
	[tilespmem:$0x16880] =	vst v63  }
0x16: {  	_ =	swait.ge [sflag:s11], $0x50  }
0x17: {  	[sflag:s11] =	ssyncset.done $0x0  }
0x18: {  	[sflag:s11] =	ssyncadd.s32 $0xFFFFFFB0  }
0x19: {  	[tilespmem:s12], [sflag:$0x1] =	stream.linear.gather [hbm4b:s8+s3], $0x2800, $0x38;
	[tilespmem:$0x16880] =	vst v63  }
0x1a: {  	_ =	swait.ge [sflag:s11], $0x2800  }
0x1b: {  	[sflag:s11] =	ssyncset.done $0x0  }
0x1c: {  	[sflag:s11] =	ssyncadd.s32 $0xFFFFD800  }
0x1d: {  	[spmem:s2] =	stream.indirect.scatter.add.f32 [tilespmem:s12], [sflag:$0x1], $0x80, s3, s13, $0xb8;
	[tilespmem:$0x16880] =	vst v63  }
0x1e: {  	s16 =	simm.s32 $0xA;
	_ =	swait.ge [sflag:s11], $0x2800  }
0x1f: {  	s17 =	simm.s32 $0x14;
	s15 =	sadd.s32 $0x500, s8;
	[sflag:s11] =	ssyncset.done $0x0  }
.LBB2_2:
0x20: {  	s18 =	sadd.s32 s16, s9  }
0x21: {  	[sflag:s11] =	ssyncadd.s32 $0xFFFFD800;
	s16 =	smov.u32 s17;
	s19 =	sadd.s32 $0xA, s17  }
0x22: {  	[tilespmem:s3], [sflag:$0x1] =	stream.linear.gather [hbm4b:s18+s3], $0x50, $0x38;
	[tilespmem:$0x16880] =	vst v63  }
0x23: {  	p0 =	sne.s32 s17, $0x4D8;
	_ =	swait.ge [sflag:s11], $0x50  }
0x24: {  	[sflag:s11] =	ssyncset.done $0x0  }
0x25: {  	[sflag:s11] =	ssyncadd.s32 $0xFFFFFFB0  }
0x26: {  	[tilespmem:s12], [sflag:$0x1] =	stream.linear.gather [hbm4b:s15+s3], $0x2800, $0x38;
	[tilespmem:$0x16880] =	vst v63  }
0x27: {  	_ =	swait.ge [sflag:s11], $0x2800  }
.Ltmp0:
0x28: {  	[sflag:s11] =	ssyncset.done $0x0;
	(pc) =	sbr.rel @p0 .LBB2_2-.Ltmp0, $4  }
0x29: {  	[sflag:s11] =	ssyncadd.s32 $0xFFFFD800  }
0x2a: {  	[spmem:s2] =	stream.indirect.scatter.add.f32 [tilespmem:s12], [sflag:$0x1], $0x80, s3, s13, $0xb8;
	[tilespmem:$0x16880] =	vst v63  }
0x2b: {  	_ =	swait.ge [sflag:s11], $0x2800  }
0x2c: {  	s17 =	smov.u32 s19;
	s15 =	sadd.s32 $0x500, s15;
	[sflag:s11] =	ssyncset.done $0x0  }
0x2d: {  	s16 =	sadd.s32 s16, s9;
	[sflag:s11] =	ssyncadd.s32 $0xFFFFD800  }
0x2e: {  	[tilespmem:s3], [sflag:$0x1] =	stream.linear.gather [hbm4b:s16+s3], $0x50, $0x38;
	[tilespmem:$0x16880] =	vst v63  }
0x2f: {  	_ =	swait.ge [sflag:s11], $0x50  }
0x30: {  	[sflag:s11] =	ssyncset.done $0x0  }
0x31: {  	[sflag:s11] =	ssyncadd.s32 $0xFFFFFFB0  }
0x32: {  	[tilespmem:s12], [sflag:$0x1] =	stream.linear.gather [hbm4b:s15+s3], $0x2800, $0x38;
	[tilespmem:$0x16880] =	vst v63  }
0x33: {  	_ =	swait.ge [sflag:s11], $0x2800  }
0x34: {  	[sflag:s11] =	ssyncset.done $0x0  }
0x35: {  	[sflag:s11] =	ssyncadd.s32 $0xFFFFD800  }
0x36: {  	[spmem:s2] =	stream.indirect.scatter.add.f32 [tilespmem:s12], [sflag:$0x1], $0x80, s3, s13, $0xb8;
	[tilespmem:$0x16880] =	vst v63  }
0x37: {  	_ =	swait.ge [sflag:s11], $0x2800  }
0x38: {  	s14 =	sadd.s32 $0x1, s14;
	[sflag:s11] =	ssyncset.done $0x0  }
0x39: {  	p0 =	sne.s32 s14, s7;
	[sflag:s11] =	ssyncadd.s32 $0xFFFFD800  }
.Ltmp1:
0x3a: {  	[bflag:$0x0] =	sbarrier.arrive $0xFFFF;
	(pc) =	sbr.rel @p0 .LBB2_1-.Ltmp1, $4  }
0x3b: {  	[hbm:s6], [sflag:s5] =	dma.local [spmem:s10], $0x2800  }
0x3c: {  	_ =	swait.ge [sflag:s11], $0x2800  }
0x3d: {  	[sflag:s11] =	ssyncset.done $0x0  }
0x3e: {  	[sflag:s11] =	ssyncadd.s32 $0xFFFFD800  }
0x3f: {  	_ =	sfence.sel $0x180000  }
0x40: {  	[bflag:$0x0] =	sbarrier.arrive $0xFFFF  }
0x41: {  	p0 =	sne.s32 s0, $0x0;
	_ =	strace $0x90000056  }
0x42: {  	s0 =	sadd.s32 @!p0 $0x100000, s1;
	[bflag:$0x2] =	sbarrier.arrive $0xFFFF  }
0x43: {  	[sflag:s0] =	ssyncadd.tile.s32 @!p0 $0x1;
	_ =	shalt  }
.Lfunc_end2:
_tile_overlayer_lowered:
.L_overlay_start_2:
0x44: {  	(tag) =	ssettag $0x2  }
0x45: {  	s0 =	rddreg [dreg:$0x0];
	s2 =	stileid.u32  }
0x46: {  	s1 =	rddreg [dreg:$0x1];
	p0 =	sne.s32 s2, $0x0  }
0x47: {  	s3 =	rddreg [dreg:$0x2];
	[bflag:$0x3] =	sbarrier.arrive $0xFFFF;
	s2 =	simm.s32 @!p0 $0x1C01  }
0x48: {  	[timem:s3], [sflag:s2] =	dma.local @!p0 [hbm:s0], s1  }
0x49: {  	s0 =	simm.s32 @!p0 $0x1  }
0x4a: {  	_ =	swait.ge @!p0 [sflag:s0], s1  }
0x4b: {  	s1 =	ssub.s32 @!p0 $0x0, s1;
	[sflag:s0] =	ssyncset.done @!p0 $0x0  }
0x4c: {  	[sflag:s0] =	ssyncadd.s32 @!p0 s1  }
0x4d: {  	[bflag:$0x3] =	sbarrier.arrive $0xFFFF  }
0x4e: {  	_ =	shalt  }

</sc_bundles>
